<compile_context>
chip_gen: v7x
topology: tpu7x:2x2x1
jax: 0.10.2.dev20260603
libtpu: 0.0.44.dev20260713+nightly
codegen_flags: <defaults>
</compile_context>

<pallas_src>
import functools

import jax
import jax.numpy as jnp
from jax import lax
from jax.experimental import pallas as pl
from jax.experimental.pallas import tpu as pltpu
from jax.experimental.pallas import tpu_sc as plsc

NUM_TOKENS = 8192
DIM = 256
B_TOTAL = 64 * 1024
NUM_CORES = 2
NUM_SUBCORES = 16
NW = NUM_CORES * NUM_SUBCORES
BPW = B_TOTAL // NW
CHUNK = 128
NCHUNK = BPW // CHUNK

_mesh = plsc.VectorSubcoreMesh(core_axis_name="c", subcore_axis_name="s")


@functools.partial(
    pl.kernel,
    mesh=_mesh,
    out_type=jax.ShapeDtypeStruct((B_TOTAL, DIM), jnp.float32),
    scratch_types=[
        pltpu.VMEM((NCHUNK, CHUNK), jnp.int32),
        pltpu.VMEM((3, CHUNK, DIM), jnp.float32),
        pltpu.SemaphoreType.DMA((3,)),
        pltpu.SemaphoreType.DMA((3,)),
    ],
)
def _embed_lookup(idx_hbm, table_hbm, out_hbm, idx_v, rows_v, gsem, osem):
    wid = lax.axis_index("s") * NUM_CORES + lax.axis_index("c")
    base = wid * BPW
    NBUF = 3

    HALF = NCHUNK // 2
    pltpu.sync_copy(idx_hbm.at[wid, pl.ds(0, HALF)], idx_v.at[pl.ds(0, HALF)])

    pieces = [(0, 0, 64), (0, 64, 64)]
    pieces += [(c, 0, CHUNK) for c in range(1, NCHUNK - 1)]
    pieces += [(NCHUNK - 1, 0, 64), (NCHUNK - 1, 64, 64)]
    NP = len(pieces)

    def fire_gather(p, buf):
        ch, off, n = pieces[p]
        return pltpu.async_copy(
            table_hbm.at[idx_v.at[ch, pl.ds(off, n)]],
            rows_v.at[buf, pl.ds(0, n)],
            gsem.at[buf],
        )

    gcp = [None] * NBUF
    ocp = {}
    for p in range(min(NBUF, NP)):
        gcp[p] = fire_gather(p, p)
    pltpu.sync_copy(
        idx_hbm.at[wid, pl.ds(HALF, NCHUNK - HALF)],
        idx_v.at[pl.ds(HALF, NCHUNK - HALF)],
    )
    for p in range(NP):
        buf = p % NBUF
        nxt = p + NBUF - 1
        if p >= 1 and nxt < NP:
            pbuf = (p - 1) % NBUF
            ocp.pop(p - 1).wait()
            gcp[pbuf] = fire_gather(nxt, pbuf)
        gcp[buf].wait()
        ch, off, n = pieces[p]
        ocp[p] = pltpu.async_copy(
            rows_v.at[buf, pl.ds(0, n)],
            out_hbm.at[pl.ds(base + ch * CHUNK + off, n)],
            osem.at[buf],
        )
    for p in sorted(ocp):
        ocp.pop(p).wait()


def kernel(embed_id, weight):
    idx = embed_id.reshape(NW, NCHUNK, CHUNK)
    out = _embed_lookup(idx, weight)
    return out.reshape(embed_id.shape[0], embed_id.shape[1], DIM)

# --- scband reference (transcript-rebuilt; emitter-appended) ---
"""Pipeline reference for scband-embedding-ema-61065845014874 (READ-ONLY COPY).

The authoritative reference and input builder live on the scoring server;
editing this copy changes nothing except your own understanding.
"""

import jax, jax.numpy as jnp
import numpy as np

NUM_TOKENS = 8192
CODEBOOK_DIM = 256
BATCH = 64
TOKENS = 1024


def setup_inputs(seed: int = 0) -> dict:
    key = jax.random.key(seed)
    k1, k2 = jax.random.split(key)
    embed_id = jax.random.randint(k1, (BATCH, TOKENS), 0, NUM_TOKENS, dtype=jnp.int64 if jax.config.jax_enable_x64 else jnp.int32).astype(jnp.int32)
    weight = jax.random.normal(k2, (NUM_TOKENS, CODEBOOK_DIM), dtype=jnp.float32)
    return {"embed_id": embed_id, "weight": weight}


def reference(embed_id, weight):
    # EmbeddingEMA.forward: F.embedding(embed_id, self.weight)
    return jnp.take(weight, embed_id, axis=0)

if __name__ == "__main__":
    import jax
    _d = setup_inputs()
    print(jax.jit(kernel)(*tuple(_d.values())))

</pallas_src>

<mosaic_0001>
#map = affine_map<(d0, d1) -> (0, 0, 0)>
#map1 = affine_map<(d0, d1) -> (0, 0)>
module attributes {stable_mosaic.version = 14 : i64} {
  func.func @_embed_lookup(%arg0: i32, %arg1: i32, %arg2: memref<32x16x128xi32, #tpu.memory_space<hbm>>, %arg3: memref<8192x256xf32, #tpu.memory_space<hbm>>, %arg4: memref<65536x256xf32, #tpu.memory_space<hbm>>, %arg5: memref<16x128xi32, #tpu.memory_space<vmem>>, %arg6: memref<3x128x256xf32, #tpu.memory_space<vmem>>, %arg7: memref<3x!tpu.dma_semaphore, #tpu.memory_space<semaphore_mem>>, %arg8: memref<3x!tpu.dma_semaphore, #tpu.memory_space<semaphore_mem>>) attributes {dimension_semantics = [#tpu.dimension_semantics<core_parallel>, #tpu.dimension_semantics<subcore_parallel>], iteration_bounds = array<i64: 2, 16>, scalar_prefetch = 0 : i64, scratch_operands = 4 : i64, tpu.core_type = #tpu.core_type<sc_vector_subcore>, window_params = [{transform_indices = #map}, {transform_indices = #map1}, {transform_indices = #map1}]} {
    %mul3A = arith.constant 2 : i32
    %mul3A_0 = arith.muli %arg1, %mul3A : i32
    %add3A = arith.addi %mul3A_0, %arg0 : i32
    %mul3A_1 = arith.constant 2048 : i32
    %mul3A_2 = arith.muli %add3A, %mul3A_1 : i32
    "tpu.region"() ({
      %run_scoped3A = tpu.sem_alloc : memref<!tpu.dma_semaphore, #tpu.memory_space<semaphore_mem>>
      %dma_start3A_1189 = arith.constant 0 : i32
      %dma_start3A_1190 = arith.constant 0 : i32
      %dma_start3A_1191 = tpu.memref_slice %arg5[%dma_start3A_1189, %dma_start3A_1190] : memref<16x128xi32, #tpu.memory_space<vmem>> -> memref<8x128xi32, #tpu.memory_space<vmem>>
      %dma_start3A_1192 = arith.constant 0 : i32
      %dma_start3A_1193 = arith.constant 0 : i32
      %dma_start3A_1194 = tpu.memref_slice %arg2[%add3A, %dma_start3A_1192, %dma_start3A_1193] : memref<32x16x128xi32, #tpu.memory_space<hbm>> -> memref<1x8x128xi32, #tpu.memory_space<hbm>>
      %dma_start3A_1195 = tpu.memref_squeeze %dma_start3A_1194 : memref<1x8x128xi32, #tpu.memory_space<hbm>> -> memref<8x128xi32, #tpu.memory_space<hbm>>
      %dma_start3A_1196 = arith.constant 0 : i32
      %dma_start3A_1197 = arith.constant 0 : i32
      %dma_start3A_1198 = tpu.memref_slice %arg5[%dma_start3A_1196, %dma_start3A_1197] : memref<16x128xi32, #tpu.memory_space<vmem>> -> memref<8x128xi32, #tpu.memory_space<vmem>>
      %dma_start3A_1199 = arith.constant 0 : i32
      %dma_start3A_1200 = arith.constant 0 : i32
      %dma_start3A_1201 = tpu.memref_slice %arg2[%add3A, %dma_start3A_1199, %dma_start3A_1200] : memref<32x16x128xi32, #tpu.memory_space<hbm>> -> memref<1x8x128xi32, #tpu.memory_space<hbm>>
      %dma_start3A_1202 = tpu.memref_squeeze %dma_start3A_1201 : memref<1x8x128xi32, #tpu.memory_space<hbm>> -> memref<8x128xi32, #tpu.memory_space<hbm>>
      tpu.enqueue_dma source(%dma_start3A_1202 : memref<8x128xi32, #tpu.memory_space<hbm>>) target(%dma_start3A_1198 : memref<8x128xi32, #tpu.memory_space<vmem>>) target_semaphore(%run_scoped3A : memref<!tpu.dma_semaphore, #tpu.memory_space<semaphore_mem>>)
      %dma_wait3A_1203 = arith.constant 0 : i32
      %dma_wait3A_1204 = arith.constant 0 : i32
      %dma_wait3A_1205 = tpu.memref_slice %arg5[%dma_wait3A_1203, %dma_wait3A_1204] : memref<16x128xi32, #tpu.memory_space<vmem>> -> memref<8x128xi32, #tpu.memory_space<vmem>>
      %dma_wait3A_1206 = arith.constant 0 : i32
      %dma_wait3A_1207 = arith.constant 0 : i32
      %dma_wait3A_1208 = tpu.memref_slice %arg2[%add3A, %dma_wait3A_1206, %dma_wait3A_1207] : memref<32x16x128xi32, #tpu.memory_space<hbm>> -> memref<1x8x128xi32, #tpu.memory_space<hbm>>
      %dma_wait3A_1209 = tpu.memref_squeeze %dma_wait3A_1208 : memref<1x8x128xi32, #tpu.memory_space<hbm>> -> memref<8x128xi32, #tpu.memory_space<hbm>>
      %dma_wait3A_1210 = arith.constant 0 : i32
      %dma_wait3A_1211 = arith.constant 0 : i32
      %dma_wait3A_1212 = tpu.memref_slice %arg5[%dma_wait3A_1210, %dma_wait3A_1211] : memref<16x128xi32, #tpu.memory_space<vmem>> -> memref<8x128xi32, #tpu.memory_space<vmem>>
      %dma_wait3A_1213 = arith.constant 0 : i32
      %dma_wait3A_1214 = arith.constant 0 : i32
      %dma_wait3A_1215 = tpu.memref_slice %arg2[%add3A, %dma_wait3A_1213, %dma_wait3A_1214] : memref<32x16x128xi32, #tpu.memory_space<hbm>> -> memref<1x8x128xi32, #tpu.memory_space<hbm>>
      %dma_wait3A_1216 = tpu.memref_squeeze %dma_wait3A_1215 : memref<1x8x128xi32, #tpu.memory_space<hbm>> -> memref<8x128xi32, #tpu.memory_space<hbm>>
      tpu.wait_dma2 semaphore(%run_scoped3A : memref<!tpu.dma_semaphore, #tpu.memory_space<semaphore_mem>>) src(%dma_wait3A_1216 : memref<8x128xi32, #tpu.memory_space<hbm>>) dst(%dma_wait3A_1212 : memref<8x128xi32, #tpu.memory_space<vmem>>)
      tpu.yield
    }) : () -> ()
    %dma_start3A = arith.constant 0 : i32
    %dma_start3A_3 = arith.constant 0 : i32
    %dma_start3A_4 = arith.constant 0 : i32
    %dma_start3A_5 = arith.constant 0 : i32
    %dma_start3A_6 = arith.constant 0 : i32
    %dma_start3A_7 = tpu.memref_slice %arg6[%dma_start3A_3, %dma_start3A_5, %dma_start3A_6] : memref<3x128x256xf32, #tpu.memory_space<vmem>> -> memref<1x64x256xf32, #tpu.memory_space<vmem>>
    %dma_start3A_8 = tpu.memref_squeeze %dma_start3A_7 : memref<1x64x256xf32, #tpu.memory_space<vmem>> -> memref<64x256xf32, #tpu.memory_space<vmem>>
    %dma_start3A_9 = arith.constant 0 : i32
    %dma_start3A_10 = tpu.memref_slice %arg5[%dma_start3A, %dma_start3A_9] : memref<16x128xi32, #tpu.memory_space<vmem>> -> memref<1x64xi32, #tpu.memory_space<vmem>>
    %dma_start3A_11 = tpu.memref_squeeze %dma_start3A_10 : memref<1x64xi32, #tpu.memory_space<vmem>> -> memref<64xi32, #tpu.memory_space<vmem>>
    %dma_start3A_12 = arith.constant 0 : i32
    %dma_start3A_13 = arith.constant 0 : i32
    %dma_start3A_14 = tpu.memref_slice %arg3[%dma_start3A_12, %dma_start3A_13] : memref<8192x256xf32, #tpu.memory_space<hbm>> -> memref<8192x256xf32, #tpu.memory_space<hbm>>
    %dma_start3A_15 = tpu.memref_slice %arg7[%dma_start3A_4] : memref<3x!tpu.dma_semaphore, #tpu.memory_space<semaphore_mem>> -> memref<1x!tpu.dma_semaphore, #tpu.memory_space<semaphore_mem>>
    %dma_start3A_16 = tpu.memref_squeeze %dma_start3A_15 : memref<1x!tpu.dma_semaphore, #tpu.memory_space<semaphore_mem>> -> memref<!tpu.dma_semaphore, #tpu.memory_space<semaphore_mem>>
    tpu.enqueue_indirect_dma source(%dma_start3A_14 : memref<8192x256xf32, #tpu.memory_space<hbm>>) target(%dma_start3A_8 : memref<64x256xf32, #tpu.memory_space<vmem>>) offsets(%dma_start3A_11 : memref<64xi32, #tpu.memory_space<vmem>>) semaphore(%dma_start3A_16 : memref<!tpu.dma_semaphore, #tpu.memory_space<semaphore_mem>>)
    %dma_start3A_17 = arith.constant 0 : i32
    %dma_start3A_18 = arith.constant 1 : i32
    %dma_start3A_19 = arith.constant 1 : i32
    %dma_start3A_20 = arith.constant 0 : i32
    %dma_start3A_21 = arith.constant 0 : i32
    %dma_start3A_22 = tpu.memref_slice %arg6[%dma_start3A_18, %dma_start3A_20, %dma_start3A_21] : memref<3x128x256xf32, #tpu.memory_space<vmem>> -> memref<1x64x256xf32, #tpu.memory_space<vmem>>
    %dma_start3A_23 = tpu.memref_squeeze %dma_start3A_22 : memref<1x64x256xf32, #tpu.memory_space<vmem>> -> memref<64x256xf32, #tpu.memory_space<vmem>>
    %dma_start3A_24 = arith.constant 64 : i32
    %dma_start3A_25 = tpu.memref_slice %arg5[%dma_start3A_17, %dma_start3A_24] : memref<16x128xi32, #tpu.memory_space<vmem>> -> memref<1x64xi32, #tpu.memory_space<vmem>>
    %dma_start3A_26 = tpu.memref_squeeze %dma_start3A_25 : memref<1x64xi32, #tpu.memory_space<vmem>> -> memref<64xi32, #tpu.memory_space<vmem>>
    %dma_start3A_27 = arith.constant 0 : i32
    %dma_start3A_28 = arith.constant 0 : i32
    %dma_start3A_29 = tpu.memref_slice %arg3[%dma_start3A_27, %dma_start3A_28] : memref<8192x256xf32, #tpu.memory_space<hbm>> -> memref<8192x256xf32, #tpu.memory_space<hbm>>
    %dma_start3A_30 = tpu.memref_slice %arg7[%dma_start3A_19] : memref<3x!tpu.dma_semaphore, #tpu.memory_space<semaphore_mem>> -> memref<1x!tpu.dma_semaphore, #tpu.memory_space<semaphore_mem>>
    %dma_start3A_31 = tpu.memref_squeeze %dma_start3A_30 : memref<1x!tpu.dma_semaphore, #tpu.memory_space<semaphore_mem>> -> memref<!tpu.dma_semaphore, #tpu.memory_space<semaphore_mem>>
    tpu.enqueue_indirect_dma source(%dma_start3A_29 : memref<8192x256xf32, #tpu.memory_space<hbm>>) target(%dma_start3A_23 : memref<64x256xf32, #tpu.memory_space<vmem>>) offsets(%dma_start3A_26 : memref<64xi32, #tpu.memory_space<vmem>>) semaphore(%dma_start3A_31 : memref<!tpu.dma_semaphore, #tpu.memory_space<semaphore_mem>>)
    %dma_start3A_32 = arith.constant 1 : i32
    %dma_start3A_33 = arith.constant 2 : i32
    %dma_start3A_34 = arith.constant 2 : i32
    %dma_start3A_35 = arith.constant 0 : i32
    %dma_start3A_36 = arith.constant 0 : i32
    %dma_start3A_37 = tpu.memref_slice %arg6[%dma_start3A_33, %dma_start3A_35, %dma_start3A_36] : memref<3x128x256xf32, #tpu.memory_space<vmem>> -> memref<1x128x256xf32, #tpu.memory_space<vmem>>
    %dma_start3A_38 = tpu.memref_squeeze %dma_start3A_37 : memref<1x128x256xf32, #tpu.memory_space<vmem>> -> memref<128x256xf32, #tpu.memory_space<vmem>>
    %dma_start3A_39 = arith.constant 0 : i32
    %dma_start3A_40 = tpu.memref_slice %arg5[%dma_start3A_32, %dma_start3A_39] : memref<16x128xi32, #tpu.memory_space<vmem>> -> memref<1x128xi32, #tpu.memory_space<vmem>>
    %dma_start3A_41 = tpu.memref_squeeze %dma_start3A_40 : memref<1x128xi32, #tpu.memory_space<vmem>> -> memref<128xi32, #tpu.memory_space<vmem>>
    %dma_start3A_42 = arith.constant 0 : i32
    %dma_start3A_43 = arith.constant 0 : i32
    %dma_start3A_44 = tpu.memref_slice %arg3[%dma_start3A_42, %dma_start3A_43] : memref<8192x256xf32, #tpu.memory_space<hbm>> -> memref<8192x256xf32, #tpu.memory_space<hbm>>
    %dma_start3A_45 = tpu.memref_slice %arg7[%dma_start3A_34] : memref<3x!tpu.dma_semaphore, #tpu.memory_space<semaphore_mem>> -> memref<1x!tpu.dma_semaphore, #tpu.memory_space<semaphore_mem>>
    %dma_start3A_46 = tpu.memref_squeeze %dma_start3A_45 : memref<1x!tpu.dma_semaphore, #tpu.memory_space<semaphore_mem>> -> memref<!tpu.dma_semaphore, #tpu.memory_space<semaphore_mem>>
    tpu.enqueue_indirect_dma source(%dma_start3A_44 : memref<8192x256xf32, #tpu.memory_space<hbm>>) target(%dma_start3A_38 : memref<128x256xf32, #tpu.memory_space<vmem>>) offsets(%dma_start3A_41 : memref<128xi32, #tpu.memory_space<vmem>>) semaphore(%dma_start3A_46 : memref<!tpu.dma_semaphore, #tpu.memory_space<semaphore_mem>>)
    "tpu.region"() ({
      %run_scoped3A = tpu.sem_alloc : memref<!tpu.dma_semaphore, #tpu.memory_space<semaphore_mem>>
      %dma_start3A_1189 = arith.constant 8 : i32
      %dma_start3A_1190 = arith.constant 0 : i32
      %dma_start3A_1191 = tpu.memref_slice %arg5[%dma_start3A_1189, %dma_start3A_1190] : memref<16x128xi32, #tpu.memory_space<vmem>> -> memref<8x128xi32, #tpu.memory_space<vmem>>
      %dma_start3A_1192 = arith.constant 8 : i32
      %dma_start3A_1193 = arith.constant 0 : i32
      %dma_start3A_1194 = tpu.memref_slice %arg2[%add3A, %dma_start3A_1192, %dma_start3A_1193] : memref<32x16x128xi32, #tpu.memory_space<hbm>> -> memref<1x8x128xi32, #tpu.memory_space<hbm>>
      %dma_start3A_1195 = tpu.memref_squeeze %dma_start3A_1194 : memref<1x8x128xi32, #tpu.memory_space<hbm>> -> memref<8x128xi32, #tpu.memory_space<hbm>>
      %dma_start3A_1196 = arith.constant 8 : i32
      %dma_start3A_1197 = arith.constant 0 : i32
      %dma_start3A_1198 = tpu.memref_slice %arg5[%dma_start3A_1196, %dma_start3A_1197] : memref<16x128xi32, #tpu.memory_space<vmem>> -> memref<8x128xi32, #tpu.memory_space<vmem>>
      %dma_start3A_1199 = arith.constant 8 : i32
      %dma_start3A_1200 = arith.constant 0 : i32
      %dma_start3A_1201 = tpu.memref_slice %arg2[%add3A, %dma_start3A_1199, %dma_start3A_1200] : memref<32x16x128xi32, #tpu.memory_space<hbm>> -> memref<1x8x128xi32, #tpu.memory_space<hbm>>
      %dma_start3A_1202 = tpu.memref_squeeze %dma_start3A_1201 : memref<1x8x128xi32, #tpu.memory_space<hbm>> -> memref<8x128xi32, #tpu.memory_space<hbm>>
      tpu.enqueue_dma source(%dma_start3A_1202 : memref<8x128xi32, #tpu.memory_space<hbm>>) target(%dma_start3A_1198 : memref<8x128xi32, #tpu.memory_space<vmem>>) target_semaphore(%run_scoped3A : memref<!tpu.dma_semaphore, #tpu.memory_space<semaphore_mem>>)
      %dma_wait3A_1203 = arith.constant 8 : i32
      %dma_wait3A_1204 = arith.constant 0 : i32
      %dma_wait3A_1205 = tpu.memref_slice %arg5[%dma_wait3A_1203, %dma_wait3A_1204] : memref<16x128xi32, #tpu.memory_space<vmem>> -> memref<8x128xi32, #tpu.memory_space<vmem>>
      %dma_wait3A_1206 = arith.constant 8 : i32
      %dma_wait3A_1207 = arith.constant 0 : i32
      %dma_wait3A_1208 = tpu.memref_slice %arg2[%add3A, %dma_wait3A_1206, %dma_wait3A_1207] : memref<32x16x128xi32, #tpu.memory_space<hbm>> -> memref<1x8x128xi32, #tpu.memory_space<hbm>>
      %dma_wait3A_1209 = tpu.memref_squeeze %dma_wait3A_1208 : memref<1x8x128xi32, #tpu.memory_space<hbm>> -> memref<8x128xi32, #tpu.memory_space<hbm>>
      %dma_wait3A_1210 = arith.constant 8 : i32
      %dma_wait3A_1211 = arith.constant 0 : i32
      %dma_wait3A_1212 = tpu.memref_slice %arg5[%dma_wait3A_1210, %dma_wait3A_1211] : memref<16x128xi32, #tpu.memory_space<vmem>> -> memref<8x128xi32, #tpu.memory_space<vmem>>
      %dma_wait3A_1213 = arith.constant 8 : i32
      %dma_wait3A_1214 = arith.constant 0 : i32
      %dma_wait3A_1215 = tpu.memref_slice %arg2[%add3A, %dma_wait3A_1213, %dma_wait3A_1214] : memref<32x16x128xi32, #tpu.memory_space<hbm>> -> memref<1x8x128xi32, #tpu.memory_space<hbm>>
      %dma_wait3A_1216 = tpu.memref_squeeze %dma_wait3A_1215 : memref<1x8x128xi32, #tpu.memory_space<hbm>> -> memref<8x128xi32, #tpu.memory_space<hbm>>
      tpu.wait_dma2 semaphore(%run_scoped3A : memref<!tpu.dma_semaphore, #tpu.memory_space<semaphore_mem>>) src(%dma_wait3A_1216 : memref<8x128xi32, #tpu.memory_space<hbm>>) dst(%dma_wait3A_1212 : memref<8x128xi32, #tpu.memory_space<vmem>>)
      tpu.yield
    }) : () -> ()
    %dma_wait3A = arith.constant 0 : i32
    %dma_wait3A_47 = arith.constant 0 : i32
    %dma_wait3A_48 = arith.constant 0 : i32
    %dma_wait3A_49 = arith.constant 0 : i32
    %dma_wait3A_50 = arith.constant 0 : i32
    %dma_wait3A_51 = tpu.memref_slice %arg6[%dma_wait3A_47, %dma_wait3A_49, %dma_wait3A_50] : memref<3x128x256xf32, #tpu.memory_space<vmem>> -> memref<1x64x256xf32, #tpu.memory_space<vmem>>
    %dma_wait3A_52 = tpu.memref_squeeze %dma_wait3A_51 : memref<1x64x256xf32, #tpu.memory_space<vmem>> -> memref<64x256xf32, #tpu.memory_space<vmem>>
    %dma_wait3A_53 = arith.constant 0 : i32
    %dma_wait3A_54 = tpu.memref_slice %arg5[%dma_wait3A, %dma_wait3A_53] : memref<16x128xi32, #tpu.memory_space<vmem>> -> memref<1x64xi32, #tpu.memory_space<vmem>>
    %dma_wait3A_55 = tpu.memref_squeeze %dma_wait3A_54 : memref<1x64xi32, #tpu.memory_space<vmem>> -> memref<64xi32, #tpu.memory_space<vmem>>
    %dma_wait3A_56 = arith.constant 0 : i32
    %dma_wait3A_57 = arith.constant 0 : i32
    %dma_wait3A_58 = tpu.memref_slice %arg3[%dma_wait3A_56, %dma_wait3A_57] : memref<8192x256xf32, #tpu.memory_space<hbm>> -> memref<8192x256xf32, #tpu.memory_space<hbm>>
    %dma_wait3A_59 = tpu.memref_slice %arg7[%dma_wait3A_48] : memref<3x!tpu.dma_semaphore, #tpu.memory_space<semaphore_mem>> -> memref<1x!tpu.dma_semaphore, #tpu.memory_space<semaphore_mem>>
    %dma_wait3A_60 = tpu.memref_squeeze %dma_wait3A_59 : memref<1x!tpu.dma_semaphore, #tpu.memory_space<semaphore_mem>> -> memref<!tpu.dma_semaphore, #tpu.memory_space<semaphore_mem>>
    tpu.wait_indirect_dma semaphore(%dma_wait3A_60 : memref<!tpu.dma_semaphore, #tpu.memory_space<semaphore_mem>>) src(%dma_wait3A_58 : memref<8192x256xf32, #tpu.memory_space<hbm>>) dst(%dma_wait3A_52 : memref<64x256xf32, #tpu.memory_space<vmem>>)
    %add3A_61 = arith.constant 0 : i32
    %add3A_62 = arith.addi %mul3A_2, %add3A_61 : i32
    %add3A_63 = arith.constant 0 : i32
    %add3A_64 = arith.addi %add3A_62, %add3A_63 : i32
    %dma_start3A_65 = arith.constant 0 : i32
    %dma_start3A_66 = arith.constant 0 : i32
    %dma_start3A_67 = arith.constant 0 : i32
    %dma_start3A_68 = arith.constant 0 : i32
    %dma_start3A_69 = tpu.memref_slice %arg6[%dma_start3A_65, %dma_start3A_67, %dma_start3A_68] : memref<3x128x256xf32, #tpu.memory_space<vmem>> -> memref<1x64x256xf32, #tpu.memory_space<vmem>>
    %dma_start3A_70 = tpu.memref_squeeze %dma_start3A_69 : memref<1x64x256xf32, #tpu.memory_space<vmem>> -> memref<64x256xf32, #tpu.memory_space<vmem>>
    %dma_start3A_71 = arith.constant 0 : i32
    %dma_start3A_72 = tpu.memref_slice %arg4[%add3A_64, %dma_start3A_71] : memref<65536x256xf32, #tpu.memory_space<hbm>> -> memref<64x256xf32, #tpu.memory_space<hbm>>
    %dma_start3A_73 = tpu.memref_slice %arg8[%dma_start3A_66] : memref<3x!tpu.dma_semaphore, #tpu.memory_space<semaphore_mem>> -> memref<1x!tpu.dma_semaphore, #tpu.memory_space<semaphore_mem>>
    %dma_start3A_74 = tpu.memref_squeeze %dma_start3A_73 : memref<1x!tpu.dma_semaphore, #tpu.memory_space<semaphore_mem>> -> memref<!tpu.dma_semaphore, #tpu.memory_space<semaphore_mem>>
    %dma_start3A_75 = arith.constant 0 : i32
    %dma_start3A_76 = tpu.memref_slice %arg4[%add3A_64, %dma_start3A_75] : memref<65536x256xf32, #tpu.memory_space<hbm>> -> memref<64x256xf32, #tpu.memory_space<hbm>>
    %dma_start3A_77 = arith.constant 0 : i32
    %dma_start3A_78 = arith.constant 0 : i32
    %dma_start3A_79 = tpu.memref_slice %arg6[%dma_start3A_65, %dma_start3A_77, %dma_start3A_78] : memref<3x128x256xf32, #tpu.memory_space<vmem>> -> memref<1x64x256xf32, #tpu.memory_space<vmem>>
    %dma_start3A_80 = tpu.memref_squeeze %dma_start3A_79 : memref<1x64x256xf32, #tpu.memory_space<vmem>> -> memref<64x256xf32, #tpu.memory_space<vmem>>
    tpu.enqueue_dma source(%dma_start3A_80 : memref<64x256xf32, #tpu.memory_space<vmem>>) target(%dma_start3A_76 : memref<64x256xf32, #tpu.memory_space<hbm>>) target_semaphore(%dma_start3A_74 : memref<!tpu.dma_semaphore, #tpu.memory_space<semaphore_mem>>)
    %dma_wait3A_81 = arith.constant 0 : i32
    %dma_wait3A_82 = arith.constant 0 : i32
    %dma_wait3A_83 = arith.constant 0 : i32
    %dma_wait3A_84 = arith.constant 0 : i32
    %dma_wait3A_85 = tpu.memref_slice %arg6[%dma_wait3A_81, %dma_wait3A_83, %dma_wait3A_84] : memref<3x128x256xf32, #tpu.memory_space<vmem>> -> memref<1x64x256xf32, #tpu.memory_space<vmem>>
    %dma_wait3A_86 = tpu.memref_squeeze %dma_wait3A_85 : memref<1x64x256xf32, #tpu.memory_space<vmem>> -> memref<64x256xf32, #tpu.memory_space<vmem>>
    %dma_wait3A_87 = arith.constant 0 : i32
    %dma_wait3A_88 = tpu.memref_slice %arg4[%add3A_64, %dma_wait3A_87] : memref<65536x256xf32, #tpu.memory_space<hbm>> -> memref<64x256xf32, #tpu.memory_space<hbm>>
    %dma_wait3A_89 = tpu.memref_slice %arg8[%dma_wait3A_82] : memref<3x!tpu.dma_semaphore, #tpu.memory_space<semaphore_mem>> -> memref<1x!tpu.dma_semaphore, #tpu.memory_space<semaphore_mem>>
    %dma_wait3A_90 = tpu.memref_squeeze %dma_wait3A_89 : memref<1x!tpu.dma_semaphore, #tpu.memory_space<semaphore_mem>> -> memref<!tpu.dma_semaphore, #tpu.memory_space<semaphore_mem>>
    %dma_wait3A_91 = arith.constant 0 : i32
    %dma_wait3A_92 = tpu.memref_slice %arg4[%add3A_64, %dma_wait3A_91] : memref<65536x256xf32, #tpu.memory_space<hbm>> -> memref<64x256xf32, #tpu.memory_space<hbm>>
    %dma_wait3A_93 = arith.constant 0 : i32
    %dma_wait3A_94 = arith.constant 0 : i32
    %dma_wait3A_95 = tpu.memref_slice %arg6[%dma_wait3A_81, %dma_wait3A_93, %dma_wait3A_94] : memref<3x128x256xf32, #tpu.memory_space<vmem>> -> memref<1x64x256xf32, #tpu.memory_space<vmem>>
    %dma_wait3A_96 = tpu.memref_squeeze %dma_wait3A_95 : memref<1x64x256xf32, #tpu.memory_space<vmem>> -> memref<64x256xf32, #tpu.memory_space<vmem>>
    tpu.wait_dma2 semaphore(%dma_wait3A_90 : memref<!tpu.dma_semaphore, #tpu.memory_space<semaphore_mem>>) src(%dma_wait3A_96 : memref<64x256xf32, #tpu.memory_space<vmem>>) dst(%dma_wait3A_92 : memref<64x256xf32, #tpu.memory_space<hbm>>)
    %dma_start3A_97 = arith.constant 2 : i32
    %dma_start3A_98 = arith.constant 0 : i32
    %dma_start3A_99 = arith.constant 0 : i32
    %dma_start3A_100 = arith.constant 0 : i32
    %dma_start3A_101 = arith.constant 0 : i32
    %dma_start3A_102 = tpu.memref_slice %arg6[%dma_start3A_98, %dma_start3A_100, %dma_start3A_101] : memref<3x128x256xf32, #tpu.memory_space<vmem>> -> memref<1x128x256xf32, #tpu.memory_space<vmem>>
    %dma_start3A_103 = tpu.memref_squeeze %dma_start3A_102 : memref<1x128x256xf32, #tpu.memory_space<vmem>> -> memref<128x256xf32, #tpu.memory_space<vmem>>
    %dma_start3A_104 = arith.constant 0 : i32
    %dma_start3A_105 = tpu.memref_slice %arg5[%dma_start3A_97, %dma_start3A_104] : memref<16x128xi32, #tpu.memory_space<vmem>> -> memref<1x128xi32, #tpu.memory_space<vmem>>
    %dma_start3A_106 = tpu.memref_squeeze %dma_start3A_105 : memref<1x128xi32, #tpu.memory_space<vmem>> -> memref<128xi32, #tpu.memory_space<vmem>>
    %dma_start3A_107 = arith.constant 0 : i32
    %dma_start3A_108 = arith.constant 0 : i32
    %dma_start3A_109 = tpu.memref_slice %arg3[%dma_start3A_107, %dma_start3A_108] : memref<8192x256xf32, #tpu.memory_space<hbm>> -> memref<8192x256xf32, #tpu.memory_space<hbm>>
    %dma_start3A_110 = tpu.memref_slice %arg7[%dma_start3A_99] : memref<3x!tpu.dma_semaphore, #tpu.memory_space<semaphore_mem>> -> memref<1x!tpu.dma_semaphore, #tpu.memory_space<semaphore_mem>>
    %dma_start3A_111 = tpu.memref_squeeze %dma_start3A_110 : memref<1x!tpu.dma_semaphore, #tpu.memory_space<semaphore_mem>> -> memref<!tpu.dma_semaphore, #tpu.memory_space<semaphore_mem>>
    tpu.enqueue_indirect_dma source(%dma_start3A_109 : memref<8192x256xf32, #tpu.memory_space<hbm>>) target(%dma_start3A_103 : memref<128x256xf32, #tpu.memory_space<vmem>>) offsets(%dma_start3A_106 : memref<128xi32, #tpu.memory_space<vmem>>) semaphore(%dma_start3A_111 : memref<!tpu.dma_semaphore, #tpu.memory_space<semaphore_mem>>)
    %dma_wait3A_112 = arith.constant 0 : i32
    %dma_wait3A_113 = arith.constant 1 : i32
    %dma_wait3A_114 = arith.constant 1 : i32
    %dma_wait3A_115 = arith.constant 0 : i32
    %dma_wait3A_116 = arith.constant 0 : i32
    %dma_wait3A_117 = tpu.memref_slice %arg6[%dma_wait3A_113, %dma_wait3A_115, %dma_wait3A_116] : memref<3x128x256xf32, #tpu.memory_space<vmem>> -> memref<1x64x256xf32, #tpu.memory_space<vmem>>
    %dma_wait3A_118 = tpu.memref_squeeze %dma_wait3A_117 : memref<1x64x256xf32, #tpu.memory_space<vmem>> -> memref<64x256xf32, #tpu.memory_space<vmem>>
    %dma_wait3A_119 = arith.constant 64 : i32
    %dma_wait3A_120 = tpu.memref_slice %arg5[%dma_wait3A_112, %dma_wait3A_119] : memref<16x128xi32, #tpu.memory_space<vmem>> -> memref<1x64xi32, #tpu.memory_space<vmem>>
    %dma_wait3A_121 = tpu.memref_squeeze %dma_wait3A_120 : memref<1x64xi32, #tpu.memory_space<vmem>> -> memref<64xi32, #tpu.memory_space<vmem>>
    %dma_wait3A_122 = arith.constant 0 : i32
    %dma_wait3A_123 = arith.constant 0 : i32
    %dma_wait3A_124 = tpu.memref_slice %arg3[%dma_wait3A_122, %dma_wait3A_123] : memref<8192x256xf32, #tpu.memory_space<hbm>> -> memref<8192x256xf32, #tpu.memory_space<hbm>>
    %dma_wait3A_125 = tpu.memref_slice %arg7[%dma_wait3A_114] : memref<3x!tpu.dma_semaphore, #tpu.memory_space<semaphore_mem>> -> memref<1x!tpu.dma_semaphore, #tpu.memory_space<semaphore_mem>>
    %dma_wait3A_126 = tpu.memref_squeeze %dma_wait3A_125 : memref<1x!tpu.dma_semaphore, #tpu.memory_space<semaphore_mem>> -> memref<!tpu.dma_semaphore, #tpu.memory_space<semaphore_mem>>
    tpu.wait_indirect_dma semaphore(%dma_wait3A_126 : memref<!tpu.dma_semaphore, #tpu.memory_space<semaphore_mem>>) src(%dma_wait3A_124 : memref<8192x256xf32, #tpu.memory_space<hbm>>) dst(%dma_wait3A_118 : memref<64x256xf32, #tpu.memory_space<vmem>>)
    %add3A_127 = arith.constant 0 : i32
    %add3A_128 = arith.addi %mul3A_2, %add3A_127 : i32
    %add3A_129 = arith.constant 64 : i32
    %add3A_130 = arith.addi %add3A_128, %add3A_129 : i32
    %dma_start3A_131 = arith.constant 1 : i32
    %dma_start3A_132 = arith.constant 1 : i32
    %dma_start3A_133 = arith.constant 0 : i32
    %dma_start3A_134 = arith.constant 0 : i32
    %dma_start3A_135 = tpu.memref_slice %arg6[%dma_start3A_131, %dma_start3A_133, %dma_start3A_134] : memref<3x128x256xf32, #tpu.memory_space<vmem>> -> memref<1x64x256xf32, #tpu.memory_space<vmem>>
    %dma_start3A_136 = tpu.memref_squeeze %dma_start3A_135 : memref<1x64x256xf32, #tpu.memory_space<vmem>> -> memref<64x256xf32, #tpu.memory_space<vmem>>
    %dma_start3A_137 = arith.constant 0 : i32
    %dma_start3A_138 = tpu.memref_slice %arg4[%add3A_130, %dma_start3A_137] : memref<65536x256xf32, #tpu.memory_space<hbm>> -> memref<64x256xf32, #tpu.memory_space<hbm>>
    %dma_start3A_139 = tpu.memref_slice %arg8[%dma_start3A_132] : memref<3x!tpu.dma_semaphore, #tpu.memory_space<semaphore_mem>> -> memref<1x!tpu.dma_semaphore, #tpu.memory_space<semaphore_mem>>
    %dma_start3A_140 = tpu.memref_squeeze %dma_start3A_139 : memref<1x!tpu.dma_semaphore, #tpu.memory_space<semaphore_mem>> -> memref<!tpu.dma_semaphore, #tpu.memory_space<semaphore_mem>>
    %dma_start3A_141 = arith.constant 0 : i32
    %dma_start3A_142 = tpu.memref_slice %arg4[%add3A_130, %dma_start3A_141] : memref<65536x256xf32, #tpu.memory_space<hbm>> -> memref<64x256xf32, #tpu.memory_space<hbm>>
    %dma_start3A_143 = arith.constant 0 : i32
    %dma_start3A_144 = arith.constant 0 : i32
    %dma_start3A_145 = tpu.memref_slice %arg6[%dma_start3A_131, %dma_start3A_143, %dma_start3A_144] : memref<3x128x256xf32, #tpu.memory_space<vmem>> -> memref<1x64x256xf32, #tpu.memory_space<vmem>>
    %dma_start3A_146 = tpu.memref_squeeze %dma_start3A_145 : memref<1x64x256xf32, #tpu.memory_space<vmem>> -> memref<64x256xf32, #tpu.memory_space<vmem>>
    tpu.enqueue_dma source(%dma_start3A_146 : memref<64x256xf32, #tpu.memory_space<vmem>>) target(%dma_start3A_142 : memref<64x256xf32, #tpu.memory_space<hbm>>) target_semaphore(%dma_start3A_140 : memref<!tpu.dma_semaphore, #tpu.memory_space<semaphore_mem>>)
    %dma_wait3A_147 = arith.constant 1 : i32
    %dma_wait3A_148 = arith.constant 1 : i32
    %dma_wait3A_149 = arith.constant 0 : i32
    %dma_wait3A_150 = arith.constant 0 : i32
    %dma_wait3A_151 = tpu.memref_slice %arg6[%dma_wait3A_147, %dma_wait3A_149, %dma_wait3A_150] : memref<3x128x256xf32, #tpu.memory_space<vmem>> -> memref<1x64x256xf32, #tpu.memory_space<vmem>>
    %dma_wait3A_152 = tpu.memref_squeeze %dma_wait3A_151 : memref<1x64x256xf32, #tpu.memory_space<vmem>> -> memref<64x256xf32, #tpu.memory_space<vmem>>
    %dma_wait3A_153 = arith.constant 0 : i32
    %dma_wait3A_154 = tpu.memref_slice %arg4[%add3A_130, %dma_wait3A_153] : memref<65536x256xf32, #tpu.memory_space<hbm>> -> memref<64x256xf32, #tpu.memory_space<hbm>>
    %dma_wait3A_155 = tpu.memref_slice %arg8[%dma_wait3A_148] : memref<3x!tpu.dma_semaphore, #tpu.memory_space<semaphore_mem>> -> memref<1x!tpu.dma_semaphore, #tpu.memory_space<semaphore_mem>>
    %dma_wait3A_156 = tpu.memref_squeeze %dma_wait3A_155 : memref<1x!tpu.dma_semaphore, #tpu.memory_space<semaphore_mem>> -> memref<!tpu.dma_semaphore, #tpu.memory_space<semaphore_mem>>
    %dma_wait3A_157 = arith.constant 0 : i32
    %dma_wait3A_158 = tpu.memref_slice %arg4[%add3A_130, %dma_wait3A_157] : memref<65536x256xf32, #tpu.memory_space<hbm>> -> memref<64x256xf32, #tpu.memory_space<hbm>>
    %dma_wait3A_159 = arith.constant 0 : i32
    %dma_wait3A_160 = arith.constant 0 : i32
    %dma_wait3A_161 = tpu.memref_slice %arg6[%dma_wait3A_147, %dma_wait3A_159, %dma_wait3A_160] : memref<3x128x256xf32, #tpu.memory_space<vmem>> -> memref<1x64x256xf32, #tpu.memory_space<vmem>>
    %dma_wait3A_162 = tpu.memref_squeeze %dma_wait3A_161 : memref<1x64x256xf32, #tpu.memory_space<vmem>> -> memref<64x256xf32, #tpu.memory_space<vmem>>
    tpu.wait_dma2 semaphore(%dma_wait3A_156 : memref<!tpu.dma_semaphore, #tpu.memory_space<semaphore_mem>>) src(%dma_wait3A_162 : memref<64x256xf32, #tpu.memory_space<vmem>>) dst(%dma_wait3A_158 : memref<64x256xf32, #tpu.memory_space<hbm>>)
    %dma_start3A_163 = arith.constant 3 : i32
    %dma_start3A_164 = arith.constant 1 : i32
    %dma_start3A_165 = arith.constant 1 : i32
    %dma_start3A_166 = arith.constant 0 : i32
    %dma_start3A_167 = arith.constant 0 : i32
    %dma_start3A_168 = tpu.memref_slice %arg6[%dma_start3A_164, %dma_start3A_166, %dma_start3A_167] : memref<3x128x256xf32, #tpu.memory_space<vmem>> -> memref<1x128x256xf32, #tpu.memory_space<vmem>>
    %dma_start3A_169 = tpu.memref_squeeze %dma_start3A_168 : memref<1x128x256xf32, #tpu.memory_space<vmem>> -> memref<128x256xf32, #tpu.memory_space<vmem>>
    %dma_start3A_170 = arith.constant 0 : i32
    %dma_start3A_171 = tpu.memref_slice %arg5[%dma_start3A_163, %dma_start3A_170] : memref<16x128xi32, #tpu.memory_space<vmem>> -> memref<1x128xi32, #tpu.memory_space<vmem>>
    %dma_start3A_172 = tpu.memref_squeeze %dma_start3A_171 : memref<1x128xi32, #tpu.memory_space<vmem>> -> memref<128xi32, #tpu.memory_space<vmem>>
    %dma_start3A_173 = arith.constant 0 : i32
    %dma_start3A_174 = arith.constant 0 : i32
    %dma_start3A_175 = tpu.memref_slice %arg3[%dma_start3A_173, %dma_start3A_174] : memref<8192x256xf32, #tpu.memory_space<hbm>> -> memref<8192x256xf32, #tpu.memory_space<hbm>>
    %dma_start3A_176 = tpu.memref_slice %arg7[%dma_start3A_165] : memref<3x!tpu.dma_semaphore, #tpu.memory_space<semaphore_mem>> -> memref<1x!tpu.dma_semaphore, #tpu.memory_space<semaphore_mem>>
    %dma_start3A_177 = tpu.memref_squeeze %dma_start3A_176 : memref<1x!tpu.dma_semaphore, #tpu.memory_space<semaphore_mem>> -> memref<!tpu.dma_semaphore, #tpu.memory_space<semaphore_mem>>
    tpu.enqueue_indirect_dma source(%dma_start3A_175 : memref<8192x256xf32, #tpu.memory_space<hbm>>) target(%dma_start3A_169 : memref<128x256xf32, #tpu.memory_space<vmem>>) offsets(%dma_start3A_172 : memref<128xi32, #tpu.memory_space<vmem>>) semaphore(%dma_start3A_177 : memref<!tpu.dma_semaphore, #tpu.memory_space<semaphore_mem>>)
    %dma_wait3A_178 = arith.constant 1 : i32
    %dma_wait3A_179 = arith.constant 2 : i32
    %dma_wait3A_180 = arith.constant 2 : i32
    %dma_wait3A_181 = arith.constant 0 : i32
    %dma_wait3A_182 = arith.constant 0 : i32
    %dma_wait3A_183 = tpu.memref_slice %arg6[%dma_wait3A_179, %dma_wait3A_181, %dma_wait3A_182] : memref<3x128x256xf32, #tpu.memory_space<vmem>> -> memref<1x128x256xf32, #tpu.memory_space<vmem>>
    %dma_wait3A_184 = tpu.memref_squeeze %dma_wait3A_183 : memref<1x128x256xf32, #tpu.memory_space<vmem>> -> memref<128x256xf32, #tpu.memory_space<vmem>>
    %dma_wait3A_185 = arith.constant 0 : i32
    %dma_wait3A_186 = tpu.memref_slice %arg5[%dma_wait3A_178, %dma_wait3A_185] : memref<16x128xi32, #tpu.memory_space<vmem>> -> memref<1x128xi32, #tpu.memory_space<vmem>>
    %dma_wait3A_187 = tpu.memref_squeeze %dma_wait3A_186 : memref<1x128xi32, #tpu.memory_space<vmem>> -> memref<128xi32, #tpu.memory_space<vmem>>
    %dma_wait3A_188 = arith.constant 0 : i32
    %dma_wait3A_189 = arith.constant 0 : i32
    %dma_wait3A_190 = tpu.memref_slice %arg3[%dma_wait3A_188, %dma_wait3A_189] : memref<8192x256xf32, #tpu.memory_space<hbm>> -> memref<8192x256xf32, #tpu.memory_space<hbm>>
    %dma_wait3A_191 = tpu.memref_slice %arg7[%dma_wait3A_180] : memref<3x!tpu.dma_semaphore, #tpu.memory_space<semaphore_mem>> -> memref<1x!tpu.dma_semaphore, #tpu.memory_space<semaphore_mem>>
    %dma_wait3A_192 = tpu.memref_squeeze %dma_wait3A_191 : memref<1x!tpu.dma_semaphore, #tpu.memory_space<semaphore_mem>> -> memref<!tpu.dma_semaphore, #tpu.memory_space<semaphore_mem>>
    tpu.wait_indirect_dma semaphore(%dma_wait3A_192 : memref<!tpu.dma_semaphore, #tpu.memory_space<semaphore_mem>>) src(%dma_wait3A_190 : memref<8192x256xf32, #tpu.memory_space<hbm>>) dst(%dma_wait3A_184 : memref<128x256xf32, #tpu.memory_space<vmem>>)
    %add3A_193 = arith.constant 128 : i32
    %add3A_194 = arith.addi %mul3A_2, %add3A_193 : i32
    %add3A_195 = arith.constant 0 : i32
    %add3A_196 = arith.addi %add3A_194, %add3A_195 : i32
    %dma_start3A_197 = arith.constant 2 : i32
    %dma_start3A_198 = arith.constant 2 : i32
    %dma_start3A_199 = arith.constant 0 : i32
    %dma_start3A_200 = arith.constant 0 : i32
    %dma_start3A_201 = tpu.memref_slice %arg6[%dma_start3A_197, %dma_start3A_199, %dma_start3A_200] : memref<3x128x256xf32, #tpu.memory_space<vmem>> -> memref<1x128x256xf32, #tpu.memory_space<vmem>>
    %dma_start3A_202 = tpu.memref_squeeze %dma_start3A_201 : memref<1x128x256xf32, #tpu.memory_space<vmem>> -> memref<128x256xf32, #tpu.memory_space<vmem>>
    %dma_start3A_203 = arith.constant 0 : i32
    %dma_start3A_204 = tpu.memref_slice %arg4[%add3A_196, %dma_start3A_203] : memref<65536x256xf32, #tpu.memory_space<hbm>> -> memref<128x256xf32, #tpu.memory_space<hbm>>
    %dma_start3A_205 = tpu.memref_slice %arg8[%dma_start3A_198] : memref<3x!tpu.dma_semaphore, #tpu.memory_space<semaphore_mem>> -> memref<1x!tpu.dma_semaphore, #tpu.memory_space<semaphore_mem>>
    %dma_start3A_206 = tpu.memref_squeeze %dma_start3A_205 : memref<1x!tpu.dma_semaphore, #tpu.memory_space<semaphore_mem>> -> memref<!tpu.dma_semaphore, #tpu.memory_space<semaphore_mem>>
    %dma_start3A_207 = arith.constant 0 : i32
    %dma_start3A_208 = tpu.memref_slice %arg4[%add3A_196, %dma_start3A_207] : memref<65536x256xf32, #tpu.memory_space<hbm>> -> memref<128x256xf32, #tpu.memory_space<hbm>>
    %dma_start3A_209 = arith.constant 0 : i32
    %dma_start3A_210 = arith.constant 0 : i32
    %dma_start3A_211 = tpu.memref_slice %arg6[%dma_start3A_197, %dma_start3A_209, %dma_start3A_210] : memref<3x128x256xf32, #tpu.memory_space<vmem>> -> memref<1x128x256xf32, #tpu.memory_space<vmem>>
    %dma_start3A_212 = tpu.memref_squeeze %dma_start3A_211 : memref<1x128x256xf32, #tpu.memory_space<vmem>> -> memref<128x256xf32, #tpu.memory_space<vmem>>
    tpu.enqueue_dma source(%dma_start3A_212 : memref<128x256xf32, #tpu.memory_space<vmem>>) target(%dma_start3A_208 : memref<128x256xf32, #tpu.memory_space<hbm>>) target_semaphore(%dma_start3A_206 : memref<!tpu.dma_semaphore, #tpu.memory_space<semaphore_mem>>)
    %dma_wait3A_213 = arith.constant 2 : i32
    %dma_wait3A_214 = arith.constant 2 : i32
    %dma_wait3A_215 = arith.constant 0 : i32
    %dma_wait3A_216 = arith.constant 0 : i32
    %dma_wait3A_217 = tpu.memref_slice %arg6[%dma_wait3A_213, %dma_wait3A_215, %dma_wait3A_216] : memref<3x128x256xf32, #tpu.memory_space<vmem>> -> memref<1x128x256xf32, #tpu.memory_space<vmem>>
    %dma_wait3A_218 = tpu.memref_squeeze %dma_wait3A_217 : memref<1x128x256xf32, #tpu.memory_space<vmem>> -> memref<128x256xf32, #tpu.memory_space<vmem>>
    %dma_wait3A_219 = arith.constant 0 : i32
    %dma_wait3A_220 = tpu.memref_slice %arg4[%add3A_196, %dma_wait3A_219] : memref<65536x256xf32, #tpu.memory_space<hbm>> -> memref<128x256xf32, #tpu.memory_space<hbm>>
    %dma_wait3A_221 = tpu.memref_slice %arg8[%dma_wait3A_214] : memref<3x!tpu.dma_semaphore, #tpu.memory_space<semaphore_mem>> -> memref<1x!tpu.dma_semaphore, #tpu.memory_space<semaphore_mem>>
    %dma_wait3A_222 = tpu.memref_squeeze %dma_wait3A_221 : memref<1x!tpu.dma_semaphore, #tpu.memory_space<semaphore_mem>> -> memref<!tpu.dma_semaphore, #tpu.memory_space<semaphore_mem>>
    %dma_wait3A_223 = arith.constant 0 : i32
    %dma_wait3A_224 = tpu.memref_slice %arg4[%add3A_196, %dma_wait3A_223] : memref<65536x256xf32, #tpu.memory_space<hbm>> -> memref<128x256xf32, #tpu.memory_space<hbm>>
    %dma_wait3A_225 = arith.constant 0 : i32
    %dma_wait3A_226 = arith.constant 0 : i32
    %dma_wait3A_227 = tpu.memref_slice %arg6[%dma_wait3A_213, %dma_wait3A_225, %dma_wait3A_226] : memref<3x128x256xf32, #tpu.memory_space<vmem>> -> memref<1x128x256xf32, #tpu.memory_space<vmem>>
    %dma_wait3A_228 = tpu.memref_squeeze %dma_wait3A_227 : memref<1x128x256xf32, #tpu.memory_space<vmem>> -> memref<128x256xf32, #tpu.memory_space<vmem>>
    tpu.wait_dma2 semaphore(%dma_wait3A_222 : memref<!tpu.dma_semaphore, #tpu.memory_space<semaphore_mem>>) src(%dma_wait3A_228 : memref<128x256xf32, #tpu.memory_space<vmem>>) dst(%dma_wait3A_224 : memref<128x256xf32, #tpu.memory_space<hbm>>)
    %dma_start3A_229 = arith.constant 4 : i32
    %dma_start3A_230 = arith.constant 2 : i32
    %dma_start3A_231 = arith.constant 2 : i32
    %dma_start3A_232 = arith.constant 0 : i32
    %dma_start3A_233 = arith.constant 0 : i32
    %dma_start3A_234 = tpu.memref_slice %arg6[%dma_start3A_230, %dma_start3A_232, %dma_start3A_233] : memref<3x128x256xf32, #tpu.memory_space<vmem>> -> memref<1x128x256xf32, #tpu.memory_space<vmem>>
    %dma_start3A_235 = tpu.memref_squeeze %dma_start3A_234 : memref<1x128x256xf32, #tpu.memory_space<vmem>> -> memref<128x256xf32, #tpu.memory_space<vmem>>
    %dma_start3A_236 = arith.constant 0 : i32
    %dma_start3A_237 = tpu.memref_slice %arg5[%dma_start3A_229, %dma_start3A_236] : memref<16x128xi32, #tpu.memory_space<vmem>> -> memref<1x128xi32, #tpu.memory_space<vmem>>
    %dma_start3A_238 = tpu.memref_squeeze %dma_start3A_237 : memref<1x128xi32, #tpu.memory_space<vmem>> -> memref<128xi32, #tpu.memory_space<vmem>>
    %dma_start3A_239 = arith.constant 0 : i32
    %dma_start3A_240 = arith.constant 0 : i32
    %dma_start3A_241 = tpu.memref_slice %arg3[%dma_start3A_239, %dma_start3A_240] : memref<8192x256xf32, #tpu.memory_space<hbm>> -> memref<8192x256xf32, #tpu.memory_space<hbm>>
    %dma_start3A_242 = tpu.memref_slice %arg7[%dma_start3A_231] : memref<3x!tpu.dma_semaphore, #tpu.memory_space<semaphore_mem>> -> memref<1x!tpu.dma_semaphore, #tpu.memory_space<semaphore_mem>>
    %dma_start3A_243 = tpu.memref_squeeze %dma_start3A_242 : memref<1x!tpu.dma_semaphore, #tpu.memory_space<semaphore_mem>> -> memref<!tpu.dma_semaphore, #tpu.memory_space<semaphore_mem>>
    tpu.enqueue_indirect_dma source(%dma_start3A_241 : memref<8192x256xf32, #tpu.memory_space<hbm>>) target(%dma_start3A_235 : memref<128x256xf32, #tpu.memory_space<vmem>>) offsets(%dma_start3A_238 : memref<128xi32, #tpu.memory_space<vmem>>) semaphore(%dma_start3A_243 : memref<!tpu.dma_semaphore, #tpu.memory_space<semaphore_mem>>)
    %dma_wait3A_244 = arith.constant 2 : i32
    %dma_wait3A_245 = arith.constant 0 : i32
    %dma_wait3A_246 = arith.constant 0 : i32
    %dma_wait3A_247 = arith.constant 0 : i32
    %dma_wait3A_248 = arith.constant 0 : i32
    %dma_wait3A_249 = tpu.memref_slice %arg6[%dma_wait3A_245, %dma_wait3A_247, %dma_wait3A_248] : memref<3x128x256xf32, #tpu.memory_space<vmem>> -> memref<1x128x256xf32, #tpu.memory_space<vmem>>
    %dma_wait3A_250 = tpu.memref_squeeze %dma_wait3A_249 : memref<1x128x256xf32, #tpu.memory_space<vmem>> -> memref<128x256xf32, #tpu.memory_space<vmem>>
    %dma_wait3A_251 = arith.constant 0 : i32
    %dma_wait3A_252 = tpu.memref_slice %arg5[%dma_wait3A_244, %dma_wait3A_251] : memref<16x128xi32, #tpu.memory_space<vmem>> -> memref<1x128xi32, #tpu.memory_space<vmem>>
    %dma_wait3A_253 = tpu.memref_squeeze %dma_wait3A_252 : memref<1x128xi32, #tpu.memory_space<vmem>> -> memref<128xi32, #tpu.memory_space<vmem>>
    %dma_wait3A_254 = arith.constant 0 : i32
    %dma_wait3A_255 = arith.constant 0 : i32
    %dma_wait3A_256 = tpu.memref_slice %arg3[%dma_wait3A_254, %dma_wait3A_255] : memref<8192x256xf32, #tpu.memory_space<hbm>> -> memref<8192x256xf32, #tpu.memory_space<hbm>>
    %dma_wait3A_257 = tpu.memref_slice %arg7[%dma_wait3A_246] : memref<3x!tpu.dma_semaphore, #tpu.memory_space<semaphore_mem>> -> memref<1x!tpu.dma_semaphore, #tpu.memory_space<semaphore_mem>>
    %dma_wait3A_258 = tpu.memref_squeeze %dma_wait3A_257 : memref<1x!tpu.dma_semaphore, #tpu.memory_space<semaphore_mem>> -> memref<!tpu.dma_semaphore, #tpu.memory_space<semaphore_mem>>
    tpu.wait_indirect_dma semaphore(%dma_wait3A_258 : memref<!tpu.dma_semaphore, #tpu.memory_space<semaphore_mem>>) src(%dma_wait3A_256 : memref<8192x256xf32, #tpu.memory_space<hbm>>) dst(%dma_wait3A_250 : memref<128x256xf32, #tpu.memory_space<vmem>>)
    %add3A_259 = arith.constant 256 : i32
    %add3A_260 = arith.addi %mul3A_2, %add3A_259 : i32
    %add3A_261 = arith.constant 0 : i32
    %add3A_262 = arith.addi %add3A_260, %add3A_261 : i32
    %dma_start3A_263 = arith.constant 0 : i32
    %dma_start3A_264 = arith.constant 0 : i32
    %dma_start3A_265 = arith.constant 0 : i32
    %dma_start3A_266 = arith.constant 0 : i32
    %dma_start3A_267 = tpu.memref_slice %arg6[%dma_start3A_263, %dma_start3A_265, %dma_start3A_266] : memref<3x128x256xf32, #tpu.memory_space<vmem>> -> memref<1x128x256xf32, #tpu.memory_space<vmem>>
    %dma_start3A_268 = tpu.memref_squeeze %dma_start3A_267 : memref<1x128x256xf32, #tpu.memory_space<vmem>> -> memref<128x256xf32, #tpu.memory_space<vmem>>
    %dma_start3A_269 = arith.constant 0 : i32
    %dma_start3A_270 = tpu.memref_slice %arg4[%add3A_262, %dma_start3A_269] : memref<65536x256xf32, #tpu.memory_space<hbm>> -> memref<128x256xf32, #tpu.memory_space<hbm>>
    %dma_start3A_271 = tpu.memref_slice %arg8[%dma_start3A_264] : memref<3x!tpu.dma_semaphore, #tpu.memory_space<semaphore_mem>> -> memref<1x!tpu.dma_semaphore, #tpu.memory_space<semaphore_mem>>
    %dma_start3A_272 = tpu.memref_squeeze %dma_start3A_271 : memref<1x!tpu.dma_semaphore, #tpu.memory_space<semaphore_mem>> -> memref<!tpu.dma_semaphore, #tpu.memory_space<semaphore_mem>>
    %dma_start3A_273 = arith.constant 0 : i32
    %dma_start3A_274 = tpu.memref_slice %arg4[%add3A_262, %dma_start3A_273] : memref<65536x256xf32, #tpu.memory_space<hbm>> -> memref<128x256xf32, #tpu.memory_space<hbm>>
    %dma_start3A_275 = arith.constant 0 : i32
    %dma_start3A_276 = arith.constant 0 : i32
    %dma_start3A_277 = tpu.memref_slice %arg6[%dma_start3A_263, %dma_start3A_275, %dma_start3A_276] : memref<3x128x256xf32, #tpu.memory_space<vmem>> -> memref<1x128x256xf32, #tpu.memory_space<vmem>>
    %dma_start3A_278 = tpu.memref_squeeze %dma_start3A_277 : memref<1x128x256xf32, #tpu.memory_space<vmem>> -> memref<128x256xf32, #tpu.memory_space<vmem>>
    tpu.enqueue_dma source(%dma_start3A_278 : memref<128x256xf32, #tpu.memory_space<vmem>>) target(%dma_start3A_274 : memref<128x256xf32, #tpu.memory_space<hbm>>) target_semaphore(%dma_start3A_272 : memref<!tpu.dma_semaphore, #tpu.memory_space<semaphore_mem>>)
    %dma_wait3A_279 = arith.constant 0 : i32
    %dma_wait3A_280 = arith.constant 0 : i32
    %dma_wait3A_281 = arith.constant 0 : i32
    %dma_wait3A_282 = arith.constant 0 : i32
    %dma_wait3A_283 = tpu.memref_slice %arg6[%dma_wait3A_279, %dma_wait3A_281, %dma_wait3A_282] : memref<3x128x256xf32, #tpu.memory_space<vmem>> -> memref<1x128x256xf32, #tpu.memory_space<vmem>>
    %dma_wait3A_284 = tpu.memref_squeeze %dma_wait3A_283 : memref<1x128x256xf32, #tpu.memory_space<vmem>> -> memref<128x256xf32, #tpu.memory_space<vmem>>
    %dma_wait3A_285 = arith.constant 0 : i32
    %dma_wait3A_286 = tpu.memref_slice %arg4[%add3A_262, %dma_wait3A_285] : memref<65536x256xf32, #tpu.memory_space<hbm>> -> memref<128x256xf32, #tpu.memory_space<hbm>>
    %dma_wait3A_287 = tpu.memref_slice %arg8[%dma_wait3A_280] : memref<3x!tpu.dma_semaphore, #tpu.memory_space<semaphore_mem>> -> memref<1x!tpu.dma_semaphore, #tpu.memory_space<semaphore_mem>>
    %dma_wait3A_288 = tpu.memref_squeeze %dma_wait3A_287 : memref<1x!tpu.dma_semaphore, #tpu.memory_space<semaphore_mem>> -> memref<!tpu.dma_semaphore, #tpu.memory_space<semaphore_mem>>
    %dma_wait3A_289 = arith.constant 0 : i32
    %dma_wait3A_290 = tpu.memref_slice %arg4[%add3A_262, %dma_wait3A_289] : memref<65536x256xf32, #tpu.memory_space<hbm>> -> memref<128x256xf32, #tpu.memory_space<hbm>>
    %dma_wait3A_291 = arith.constant 0 : i32
    %dma_wait3A_292 = arith.constant 0 : i32
    %dma_wait3A_293 = tpu.memref_slice %arg6[%dma_wait3A_279, %dma_wait3A_291, %dma_wait3A_292] : memref<3x128x256xf32, #tpu.memory_space<vmem>> -> memref<1x128x256xf32, #tpu.memory_space<vmem>>
    %dma_wait3A_294 = tpu.memref_squeeze %dma_wait3A_293 : memref<1x128x256xf32, #tpu.memory_space<vmem>> -> memref<128x256xf32, #tpu.memory_space<vmem>>
    tpu.wait_dma2 semaphore(%dma_wait3A_288 : memref<!tpu.dma_semaphore, #tpu.memory_space<semaphore_mem>>) src(%dma_wait3A_294 : memref<128x256xf32, #tpu.memory_space<vmem>>) dst(%dma_wait3A_290 : memref<128x256xf32, #tpu.memory_space<hbm>>)
    %dma_start3A_295 = arith.constant 5 : i32
    %dma_start3A_296 = arith.constant 0 : i32
    %dma_start3A_297 = arith.constant 0 : i32
    %dma_start3A_298 = arith.constant 0 : i32
    %dma_start3A_299 = arith.constant 0 : i32
    %dma_start3A_300 = tpu.memref_slice %arg6[%dma_start3A_296, %dma_start3A_298, %dma_start3A_299] : memref<3x128x256xf32, #tpu.memory_space<vmem>> -> memref<1x128x256xf32, #tpu.memory_space<vmem>>
    %dma_start3A_301 = tpu.memref_squeeze %dma_start3A_300 : memref<1x128x256xf32, #tpu.memory_space<vmem>> -> memref<128x256xf32, #tpu.memory_space<vmem>>
    %dma_start3A_302 = arith.constant 0 : i32
    %dma_start3A_303 = tpu.memref_slice %arg5[%dma_start3A_295, %dma_start3A_302] : memref<16x128xi32, #tpu.memory_space<vmem>> -> memref<1x128xi32, #tpu.memory_space<vmem>>
    %dma_start3A_304 = tpu.memref_squeeze %dma_start3A_303 : memref<1x128xi32, #tpu.memory_space<vmem>> -> memref<128xi32, #tpu.memory_space<vmem>>
    %dma_start3A_305 = arith.constant 0 : i32
    %dma_start3A_306 = arith.constant 0 : i32
    %dma_start3A_307 = tpu.memref_slice %arg3[%dma_start3A_305, %dma_start3A_306] : memref<8192x256xf32, #tpu.memory_space<hbm>> -> memref<8192x256xf32, #tpu.memory_space<hbm>>
    %dma_start3A_308 = tpu.memref_slice %arg7[%dma_start3A_297] : memref<3x!tpu.dma_semaphore, #tpu.memory_space<semaphore_mem>> -> memref<1x!tpu.dma_semaphore, #tpu.memory_space<semaphore_mem>>
    %dma_start3A_309 = tpu.memref_squeeze %dma_start3A_308 : memref<1x!tpu.dma_semaphore, #tpu.memory_space<semaphore_mem>> -> memref<!tpu.dma_semaphore, #tpu.memory_space<semaphore_mem>>
    tpu.enqueue_indirect_dma source(%dma_start3A_307 : memref<8192x256xf32, #tpu.memory_space<hbm>>) target(%dma_start3A_301 : memref<128x256xf32, #tpu.memory_space<vmem>>) offsets(%dma_start3A_304 : memref<128xi32, #tpu.memory_space<vmem>>) semaphore(%dma_start3A_309 : memref<!tpu.dma_semaphore, #tpu.memory_space<semaphore_mem>>)
    %dma_wait3A_310 = arith.constant 3 : i32
    %dma_wait3A_311 = arith.constant 1 : i32
    %dma_wait3A_312 = arith.constant 1 : i32
    %dma_wait3A_313 = arith.constant 0 : i32
    %dma_wait3A_314 = arith.constant 0 : i32
    %dma_wait3A_315 = tpu.memref_slice %arg6[%dma_wait3A_311, %dma_wait3A_313, %dma_wait3A_314] : memref<3x128x256xf32, #tpu.memory_space<vmem>> -> memref<1x128x256xf32, #tpu.memory_space<vmem>>
    %dma_wait3A_316 = tpu.memref_squeeze %dma_wait3A_315 : memref<1x128x256xf32, #tpu.memory_space<vmem>> -> memref<128x256xf32, #tpu.memory_space<vmem>>
    %dma_wait3A_317 = arith.constant 0 : i32
    %dma_wait3A_318 = tpu.memref_slice %arg5[%dma_wait3A_310, %dma_wait3A_317] : memref<16x128xi32, #tpu.memory_space<vmem>> -> memref<1x128xi32, #tpu.memory_space<vmem>>
    %dma_wait3A_319 = tpu.memref_squeeze %dma_wait3A_318 : memref<1x128xi32, #tpu.memory_space<vmem>> -> memref<128xi32, #tpu.memory_space<vmem>>
    %dma_wait3A_320 = arith.constant 0 : i32
    %dma_wait3A_321 = arith.constant 0 : i32
    %dma_wait3A_322 = tpu.memref_slice %arg3[%dma_wait3A_320, %dma_wait3A_321] : memref<8192x256xf32, #tpu.memory_space<hbm>> -> memref<8192x256xf32, #tpu.memory_space<hbm>>
    %dma_wait3A_323 = tpu.memref_slice %arg7[%dma_wait3A_312] : memref<3x!tpu.dma_semaphore, #tpu.memory_space<semaphore_mem>> -> memref<1x!tpu.dma_semaphore, #tpu.memory_space<semaphore_mem>>
    %dma_wait3A_324 = tpu.memref_squeeze %dma_wait3A_323 : memref<1x!tpu.dma_semaphore, #tpu.memory_space<semaphore_mem>> -> memref<!tpu.dma_semaphore, #tpu.memory_space<semaphore_mem>>
    tpu.wait_indirect_dma semaphore(%dma_wait3A_324 : memref<!tpu.dma_semaphore, #tpu.memory_space<semaphore_mem>>) src(%dma_wait3A_322 : memref<8192x256xf32, #tpu.memory_space<hbm>>) dst(%dma_wait3A_316 : memref<128x256xf32, #tpu.memory_space<vmem>>)
    %add3A_325 = arith.constant 384 : i32
    %add3A_326 = arith.addi %mul3A_2, %add3A_325 : i32
    %add3A_327 = arith.constant 0 : i32
    %add3A_328 = arith.addi %add3A_326, %add3A_327 : i32
    %dma_start3A_329 = arith.constant 1 : i32
    %dma_start3A_330 = arith.constant 1 : i32
    %dma_start3A_331 = arith.constant 0 : i32
    %dma_start3A_332 = arith.constant 0 : i32
    %dma_start3A_333 = tpu.memref_slice %arg6[%dma_start3A_329, %dma_start3A_331, %dma_start3A_332] : memref<3x128x256xf32, #tpu.memory_space<vmem>> -> memref<1x128x256xf32, #tpu.memory_space<vmem>>
    %dma_start3A_334 = tpu.memref_squeeze %dma_start3A_333 : memref<1x128x256xf32, #tpu.memory_space<vmem>> -> memref<128x256xf32, #tpu.memory_space<vmem>>
    %dma_start3A_335 = arith.constant 0 : i32
    %dma_start3A_336 = tpu.memref_slice %arg4[%add3A_328, %dma_start3A_335] : memref<65536x256xf32, #tpu.memory_space<hbm>> -> memref<128x256xf32, #tpu.memory_space<hbm>>
    %dma_start3A_337 = tpu.memref_slice %arg8[%dma_start3A_330] : memref<3x!tpu.dma_semaphore, #tpu.memory_space<semaphore_mem>> -> memref<1x!tpu.dma_semaphore, #tpu.memory_space<semaphore_mem>>
    %dma_start3A_338 = tpu.memref_squeeze %dma_start3A_337 : memref<1x!tpu.dma_semaphore, #tpu.memory_space<semaphore_mem>> -> memref<!tpu.dma_semaphore, #tpu.memory_space<semaphore_mem>>
    %dma_start3A_339 = arith.constant 0 : i32
    %dma_start3A_340 = tpu.memref_slice %arg4[%add3A_328, %dma_start3A_339] : memref<65536x256xf32, #tpu.memory_space<hbm>> -> memref<128x256xf32, #tpu.memory_space<hbm>>
    %dma_start3A_341 = arith.constant 0 : i32
    %dma_start3A_342 = arith.constant 0 : i32
    %dma_start3A_343 = tpu.memref_slice %arg6[%dma_start3A_329, %dma_start3A_341, %dma_start3A_342] : memref<3x128x256xf32, #tpu.memory_space<vmem>> -> memref<1x128x256xf32, #tpu.memory_space<vmem>>
    %dma_start3A_344 = tpu.memref_squeeze %dma_start3A_343 : memref<1x128x256xf32, #tpu.memory_space<vmem>> -> memref<128x256xf32, #tpu.memory_space<vmem>>
    tpu.enqueue_dma source(%dma_start3A_344 : memref<128x256xf32, #tpu.memory_space<vmem>>) target(%dma_start3A_340 : memref<128x256xf32, #tpu.memory_space<hbm>>) target_semaphore(%dma_start3A_338 : memref<!tpu.dma_semaphore, #tpu.memory_space<semaphore_mem>>)
    %dma_wait3A_345 = arith.constant 1 : i32
    %dma_wait3A_346 = arith.constant 1 : i32
    %dma_wait3A_347 = arith.constant 0 : i32
    %dma_wait3A_348 = arith.constant 0 : i32
    %dma_wait3A_349 = tpu.memref_slice %arg6[%dma_wait3A_345, %dma_wait3A_347, %dma_wait3A_348] : memref<3x128x256xf32, #tpu.memory_space<vmem>> -> memref<1x128x256xf32, #tpu.memory_space<vmem>>
    %dma_wait3A_350 = tpu.memref_squeeze %dma_wait3A_349 : memref<1x128x256xf32, #tpu.memory_space<vmem>> -> memref<128x256xf32, #tpu.memory_space<vmem>>
    %dma_wait3A_351 = arith.constant 0 : i32
    %dma_wait3A_352 = tpu.memref_slice %arg4[%add3A_328, %dma_wait3A_351] : memref<65536x256xf32, #tpu.memory_space<hbm>> -> memref<128x256xf32, #tpu.memory_space<hbm>>
    %dma_wait3A_353 = tpu.memref_slice %arg8[%dma_wait3A_346] : memref<3x!tpu.dma_semaphore, #tpu.memory_space<semaphore_mem>> -> memref<1x!tpu.dma_semaphore, #tpu.memory_space<semaphore_mem>>
    %dma_wait3A_354 = tpu.memref_squeeze %dma_wait3A_353 : memref<1x!tpu.dma_semaphore, #tpu.memory_space<semaphore_mem>> -> memref<!tpu.dma_semaphore, #tpu.memory_space<semaphore_mem>>
    %dma_wait3A_355 = arith.constant 0 : i32
    %dma_wait3A_356 = tpu.memref_slice %arg4[%add3A_328, %dma_wait3A_355] : memref<65536x256xf32, #tpu.memory_space<hbm>> -> memref<128x256xf32, #tpu.memory_space<hbm>>
    %dma_wait3A_357 = arith.constant 0 : i32
    %dma_wait3A_358 = arith.constant 0 : i32
    %dma_wait3A_359 = tpu.memref_slice %arg6[%dma_wait3A_345, %dma_wait3A_357, %dma_wait3A_358] : memref<3x128x256xf32, #tpu.memory_space<vmem>> -> memref<1x128x256xf32, #tpu.memory_space<vmem>>
    %dma_wait3A_360 = tpu.memref_squeeze %dma_wait3A_359 : memref<1x128x256xf32, #tpu.memory_space<vmem>> -> memref<128x256xf32, #tpu.memory_space<vmem>>
    tpu.wait_dma2 semaphore(%dma_wait3A_354 : memref<!tpu.dma_semaphore, #tpu.memory_space<semaphore_mem>>) src(%dma_wait3A_360 : memref<128x256xf32, #tpu.memory_space<vmem>>) dst(%dma_wait3A_356 : memref<128x256xf32, #tpu.memory_space<hbm>>)
    %dma_start3A_361 = arith.constant 6 : i32
    %dma_start3A_362 = arith.constant 1 : i32
    %dma_start3A_363 = arith.constant 1 : i32
    %dma_start3A_364 = arith.constant 0 : i32
    %dma_start3A_365 = arith.constant 0 : i32
    %dma_start3A_366 = tpu.memref_slice %arg6[%dma_start3A_362, %dma_start3A_364, %dma_start3A_365] : memref<3x128x256xf32, #tpu.memory_space<vmem>> -> memref<1x128x256xf32, #tpu.memory_space<vmem>>
    %dma_start3A_367 = tpu.memref_squeeze %dma_start3A_366 : memref<1x128x256xf32, #tpu.memory_space<vmem>> -> memref<128x256xf32, #tpu.memory_space<vmem>>
    %dma_start3A_368 = arith.constant 0 : i32
    %dma_start3A_369 = tpu.memref_slice %arg5[%dma_start3A_361, %dma_start3A_368] : memref<16x128xi32, #tpu.memory_space<vmem>> -> memref<1x128xi32, #tpu.memory_space<vmem>>
    %dma_start3A_370 = tpu.memref_squeeze %dma_start3A_369 : memref<1x128xi32, #tpu.memory_space<vmem>> -> memref<128xi32, #tpu.memory_space<vmem>>
    %dma_start3A_371 = arith.constant 0 : i32
    %dma_start3A_372 = arith.constant 0 : i32
    %dma_start3A_373 = tpu.memref_slice %arg3[%dma_start3A_371, %dma_start3A_372] : memref<8192x256xf32, #tpu.memory_space<hbm>> -> memref<8192x256xf32, #tpu.memory_space<hbm>>
    %dma_start3A_374 = tpu.memref_slice %arg7[%dma_start3A_363] : memref<3x!tpu.dma_semaphore, #tpu.memory_space<semaphore_mem>> -> memref<1x!tpu.dma_semaphore, #tpu.memory_space<semaphore_mem>>
    %dma_start3A_375 = tpu.memref_squeeze %dma_start3A_374 : memref<1x!tpu.dma_semaphore, #tpu.memory_space<semaphore_mem>> -> memref<!tpu.dma_semaphore, #tpu.memory_space<semaphore_mem>>
    tpu.enqueue_indirect_dma source(%dma_start3A_373 : memref<8192x256xf32, #tpu.memory_space<hbm>>) target(%dma_start3A_367 : memref<128x256xf32, #tpu.memory_space<vmem>>) offsets(%dma_start3A_370 : memref<128xi32, #tpu.memory_space<vmem>>) semaphore(%dma_start3A_375 : memref<!tpu.dma_semaphore, #tpu.memory_space<semaphore_mem>>)
    %dma_wait3A_376 = arith.constant 4 : i32
    %dma_wait3A_377 = arith.constant 2 : i32
    %dma_wait3A_378 = arith.constant 2 : i32
    %dma_wait3A_379 = arith.constant 0 : i32
    %dma_wait3A_380 = arith.constant 0 : i32
    %dma_wait3A_381 = tpu.memref_slice %arg6[%dma_wait3A_377, %dma_wait3A_379, %dma_wait3A_380] : memref<3x128x256xf32, #tpu.memory_space<vmem>> -> memref<1x128x256xf32, #tpu.memory_space<vmem>>
    %dma_wait3A_382 = tpu.memref_squeeze %dma_wait3A_381 : memref<1x128x256xf32, #tpu.memory_space<vmem>> -> memref<128x256xf32, #tpu.memory_space<vmem>>
    %dma_wait3A_383 = arith.constant 0 : i32
    %dma_wait3A_384 = tpu.memref_slice %arg5[%dma_wait3A_376, %dma_wait3A_383] : memref<16x128xi32, #tpu.memory_space<vmem>> -> memref<1x128xi32, #tpu.memory_space<vmem>>
    %dma_wait3A_385 = tpu.memref_squeeze %dma_wait3A_384 : memref<1x128xi32, #tpu.memory_space<vmem>> -> memref<128xi32, #tpu.memory_space<vmem>>
    %dma_wait3A_386 = arith.constant 0 : i32
    %dma_wait3A_387 = arith.constant 0 : i32
    %dma_wait3A_388 = tpu.memref_slice %arg3[%dma_wait3A_386, %dma_wait3A_387] : memref<8192x256xf32, #tpu.memory_space<hbm>> -> memref<8192x256xf32, #tpu.memory_space<hbm>>
    %dma_wait3A_389 = tpu.memref_slice %arg7[%dma_wait3A_378] : memref<3x!tpu.dma_semaphore, #tpu.memory_space<semaphore_mem>> -> memref<1x!tpu.dma_semaphore, #tpu.memory_space<semaphore_mem>>
    %dma_wait3A_390 = tpu.memref_squeeze %dma_wait3A_389 : memref<1x!tpu.dma_semaphore, #tpu.memory_space<semaphore_mem>> -> memref<!tpu.dma_semaphore, #tpu.memory_space<semaphore_mem>>
    tpu.wait_indirect_dma semaphore(%dma_wait3A_390 : memref<!tpu.dma_semaphore, #tpu.memory_space<semaphore_mem>>) src(%dma_wait3A_388 : memref<8192x256xf32, #tpu.memory_space<hbm>>) dst(%dma_wait3A_382 : memref<128x256xf32, #tpu.memory_space<vmem>>)
    %add3A_391 = arith.constant 512 : i32
    %add3A_392 = arith.addi %mul3A_2, %add3A_391 : i32
    %add3A_393 = arith.constant 0 : i32
    %add3A_394 = arith.addi %add3A_392, %add3A_393 : i32
    %dma_start3A_395 = arith.constant 2 : i32
    %dma_start3A_396 = arith.constant 2 : i32
    %dma_start3A_397 = arith.constant 0 : i32
    %dma_start3A_398 = arith.constant 0 : i32
    %dma_start3A_399 = tpu.memref_slice %arg6[%dma_start3A_395, %dma_start3A_397, %dma_start3A_398] : memref<3x128x256xf32, #tpu.memory_space<vmem>> -> memref<1x128x256xf32, #tpu.memory_space<vmem>>
    %dma_start3A_400 = tpu.memref_squeeze %dma_start3A_399 : memref<1x128x256xf32, #tpu.memory_space<vmem>> -> memref<128x256xf32, #tpu.memory_space<vmem>>
    %dma_start3A_401 = arith.constant 0 : i32
    %dma_start3A_402 = tpu.memref_slice %arg4[%add3A_394, %dma_start3A_401] : memref<65536x256xf32, #tpu.memory_space<hbm>> -> memref<128x256xf32, #tpu.memory_space<hbm>>
    %dma_start3A_403 = tpu.memref_slice %arg8[%dma_start3A_396] : memref<3x!tpu.dma_semaphore, #tpu.memory_space<semaphore_mem>> -> memref<1x!tpu.dma_semaphore, #tpu.memory_space<semaphore_mem>>
    %dma_start3A_404 = tpu.memref_squeeze %dma_start3A_403 : memref<1x!tpu.dma_semaphore, #tpu.memory_space<semaphore_mem>> -> memref<!tpu.dma_semaphore, #tpu.memory_space<semaphore_mem>>
    %dma_start3A_405 = arith.constant 0 : i32
    %dma_start3A_406 = tpu.memref_slice %arg4[%add3A_394, %dma_start3A_405] : memref<65536x256xf32, #tpu.memory_space<hbm>> -> memref<128x256xf32, #tpu.memory_space<hbm>>
    %dma_start3A_407 = arith.constant 0 : i32
    %dma_start3A_408 = arith.constant 0 : i32
    %dma_start3A_409 = tpu.memref_slice %arg6[%dma_start3A_395, %dma_start3A_407, %dma_start3A_408] : memref<3x128x256xf32, #tpu.memory_space<vmem>> -> memref<1x128x256xf32, #tpu.memory_space<vmem>>
    %dma_start3A_410 = tpu.memref_squeeze %dma_start3A_409 : memref<1x128x256xf32, #tpu.memory_space<vmem>> -> memref<128x256xf32, #tpu.memory_space<vmem>>
    tpu.enqueue_dma source(%dma_start3A_410 : memref<128x256xf32, #tpu.memory_space<vmem>>) target(%dma_start3A_406 : memref<128x256xf32, #tpu.memory_space<hbm>>) target_semaphore(%dma_start3A_404 : memref<!tpu.dma_semaphore, #tpu.memory_space<semaphore_mem>>)
    %dma_wait3A_411 = arith.constant 2 : i32
    %dma_wait3A_412 = arith.constant 2 : i32
    %dma_wait3A_413 = arith.constant 0 : i32
    %dma_wait3A_414 = arith.constant 0 : i32
    %dma_wait3A_415 = tpu.memref_slice %arg6[%dma_wait3A_411, %dma_wait3A_413, %dma_wait3A_414] : memref<3x128x256xf32, #tpu.memory_space<vmem>> -> memref<1x128x256xf32, #tpu.memory_space<vmem>>
    %dma_wait3A_416 = tpu.memref_squeeze %dma_wait3A_415 : memref<1x128x256xf32, #tpu.memory_space<vmem>> -> memref<128x256xf32, #tpu.memory_space<vmem>>
    %dma_wait3A_417 = arith.constant 0 : i32
    %dma_wait3A_418 = tpu.memref_slice %arg4[%add3A_394, %dma_wait3A_417] : memref<65536x256xf32, #tpu.memory_space<hbm>> -> memref<128x256xf32, #tpu.memory_space<hbm>>
    %dma_wait3A_419 = tpu.memref_slice %arg8[%dma_wait3A_412] : memref<3x!tpu.dma_semaphore, #tpu.memory_space<semaphore_mem>> -> memref<1x!tpu.dma_semaphore, #tpu.memory_space<semaphore_mem>>
    %dma_wait3A_420 = tpu.memref_squeeze %dma_wait3A_419 : memref<1x!tpu.dma_semaphore, #tpu.memory_space<semaphore_mem>> -> memref<!tpu.dma_semaphore, #tpu.memory_space<semaphore_mem>>
    %dma_wait3A_421 = arith.constant 0 : i32
    %dma_wait3A_422 = tpu.memref_slice %arg4[%add3A_394, %dma_wait3A_421] : memref<65536x256xf32, #tpu.memory_space<hbm>> -> memref<128x256xf32, #tpu.memory_space<hbm>>
    %dma_wait3A_423 = arith.constant 0 : i32
    %dma_wait3A_424 = arith.constant 0 : i32
    %dma_wait3A_425 = tpu.memref_slice %arg6[%dma_wait3A_411, %dma_wait3A_423, %dma_wait3A_424] : memref<3x128x256xf32, #tpu.memory_space<vmem>> -> memref<1x128x256xf32, #tpu.memory_space<vmem>>
    %dma_wait3A_426 = tpu.memref_squeeze %dma_wait3A_425 : memref<1x128x256xf32, #tpu.memory_space<vmem>> -> memref<128x256xf32, #tpu.memory_space<vmem>>
    tpu.wait_dma2 semaphore(%dma_wait3A_420 : memref<!tpu.dma_semaphore, #tpu.memory_space<semaphore_mem>>) src(%dma_wait3A_426 : memref<128x256xf32, #tpu.memory_space<vmem>>) dst(%dma_wait3A_422 : memref<128x256xf32, #tpu.memory_space<hbm>>)
    %dma_start3A_427 = arith.constant 7 : i32
    %dma_start3A_428 = arith.constant 2 : i32
    %dma_start3A_429 = arith.constant 2 : i32
    %dma_start3A_430 = arith.constant 0 : i32
    %dma_start3A_431 = arith.constant 0 : i32
    %dma_start3A_432 = tpu.memref_slice %arg6[%dma_start3A_428, %dma_start3A_430, %dma_start3A_431] : memref<3x128x256xf32, #tpu.memory_space<vmem>> -> memref<1x128x256xf32, #tpu.memory_space<vmem>>
    %dma_start3A_433 = tpu.memref_squeeze %dma_start3A_432 : memref<1x128x256xf32, #tpu.memory_space<vmem>> -> memref<128x256xf32, #tpu.memory_space<vmem>>
    %dma_start3A_434 = arith.constant 0 : i32
    %dma_start3A_435 = tpu.memref_slice %arg5[%dma_start3A_427, %dma_start3A_434] : memref<16x128xi32, #tpu.memory_space<vmem>> -> memref<1x128xi32, #tpu.memory_space<vmem>>
    %dma_start3A_436 = tpu.memref_squeeze %dma_start3A_435 : memref<1x128xi32, #tpu.memory_space<vmem>> -> memref<128xi32, #tpu.memory_space<vmem>>
    %dma_start3A_437 = arith.constant 0 : i32
    %dma_start3A_438 = arith.constant 0 : i32
    %dma_start3A_439 = tpu.memref_slice %arg3[%dma_start3A_437, %dma_start3A_438] : memref<8192x256xf32, #tpu.memory_space<hbm>> -> memref<8192x256xf32, #tpu.memory_space<hbm>>
    %dma_start3A_440 = tpu.memref_slice %arg7[%dma_start3A_429] : memref<3x!tpu.dma_semaphore, #tpu.memory_space<semaphore_mem>> -> memref<1x!tpu.dma_semaphore, #tpu.memory_space<semaphore_mem>>
    %dma_start3A_441 = tpu.memref_squeeze %dma_start3A_440 : memref<1x!tpu.dma_semaphore, #tpu.memory_space<semaphore_mem>> -> memref<!tpu.dma_semaphore, #tpu.memory_space<semaphore_mem>>
    tpu.enqueue_indirect_dma source(%dma_start3A_439 : memref<8192x256xf32, #tpu.memory_space<hbm>>) target(%dma_start3A_433 : memref<128x256xf32, #tpu.memory_space<vmem>>) offsets(%dma_start3A_436 : memref<128xi32, #tpu.memory_space<vmem>>) semaphore(%dma_start3A_441 : memref<!tpu.dma_semaphore, #tpu.memory_space<semaphore_mem>>)
    %dma_wait3A_442 = arith.constant 5 : i32
    %dma_wait3A_443 = arith.constant 0 : i32
    %dma_wait3A_444 = arith.constant 0 : i32
    %dma_wait3A_445 = arith.constant 0 : i32
    %dma_wait3A_446 = arith.constant 0 : i32
    %dma_wait3A_447 = tpu.memref_slice %arg6[%dma_wait3A_443, %dma_wait3A_445, %dma_wait3A_446] : memref<3x128x256xf32, #tpu.memory_space<vmem>> -> memref<1x128x256xf32, #tpu.memory_space<vmem>>
    %dma_wait3A_448 = tpu.memref_squeeze %dma_wait3A_447 : memref<1x128x256xf32, #tpu.memory_space<vmem>> -> memref<128x256xf32, #tpu.memory_space<vmem>>
    %dma_wait3A_449 = arith.constant 0 : i32
    %dma_wait3A_450 = tpu.memref_slice %arg5[%dma_wait3A_442, %dma_wait3A_449] : memref<16x128xi32, #tpu.memory_space<vmem>> -> memref<1x128xi32, #tpu.memory_space<vmem>>
    %dma_wait3A_451 = tpu.memref_squeeze %dma_wait3A_450 : memref<1x128xi32, #tpu.memory_space<vmem>> -> memref<128xi32, #tpu.memory_space<vmem>>
    %dma_wait3A_452 = arith.constant 0 : i32
    %dma_wait3A_453 = arith.constant 0 : i32
    %dma_wait3A_454 = tpu.memref_slice %arg3[%dma_wait3A_452, %dma_wait3A_453] : memref<8192x256xf32, #tpu.memory_space<hbm>> -> memref<8192x256xf32, #tpu.memory_space<hbm>>
    %dma_wait3A_455 = tpu.memref_slice %arg7[%dma_wait3A_444] : memref<3x!tpu.dma_semaphore, #tpu.memory_space<semaphore_mem>> -> memref<1x!tpu.dma_semaphore, #tpu.memory_space<semaphore_mem>>
    %dma_wait3A_456 = tpu.memref_squeeze %dma_wait3A_455 : memref<1x!tpu.dma_semaphore, #tpu.memory_space<semaphore_mem>> -> memref<!tpu.dma_semaphore, #tpu.memory_space<semaphore_mem>>
    tpu.wait_indirect_dma semaphore(%dma_wait3A_456 : memref<!tpu.dma_semaphore, #tpu.memory_space<semaphore_mem>>) src(%dma_wait3A_454 : memref<8192x256xf32, #tpu.memory_space<hbm>>) dst(%dma_wait3A_448 : memref<128x256xf32, #tpu.memory_space<vmem>>)
    %add3A_457 = arith.constant 640 : i32
    %add3A_458 = arith.addi %mul3A_2, %add3A_457 : i32
    %add3A_459 = arith.constant 0 : i32
    %add3A_460 = arith.addi %add3A_458, %add3A_459 : i32
    %dma_start3A_461 = arith.constant 0 : i32
    %dma_start3A_462 = arith.constant 0 : i32
    %dma_start3A_463 = arith.constant 0 : i32
    %dma_start3A_464 = arith.constant 0 : i32
    %dma_start3A_465 = tpu.memref_slice %arg6[%dma_start3A_461, %dma_start3A_463, %dma_start3A_464] : memref<3x128x256xf32, #tpu.memory_space<vmem>> -> memref<1x128x256xf32, #tpu.memory_space<vmem>>
    %dma_start3A_466 = tpu.memref_squeeze %dma_start3A_465 : memref<1x128x256xf32, #tpu.memory_space<vmem>> -> memref<128x256xf32, #tpu.memory_space<vmem>>
    %dma_start3A_467 = arith.constant 0 : i32
    %dma_start3A_468 = tpu.memref_slice %arg4[%add3A_460, %dma_start3A_467] : memref<65536x256xf32, #tpu.memory_space<hbm>> -> memref<128x256xf32, #tpu.memory_space<hbm>>
    %dma_start3A_469 = tpu.memref_slice %arg8[%dma_start3A_462] : memref<3x!tpu.dma_semaphore, #tpu.memory_space<semaphore_mem>> -> memref<1x!tpu.dma_semaphore, #tpu.memory_space<semaphore_mem>>
    %dma_start3A_470 = tpu.memref_squeeze %dma_start3A_469 : memref<1x!tpu.dma_semaphore, #tpu.memory_space<semaphore_mem>> -> memref<!tpu.dma_semaphore, #tpu.memory_space<semaphore_mem>>
    %dma_start3A_471 = arith.constant 0 : i32
    %dma_start3A_472 = tpu.memref_slice %arg4[%add3A_460, %dma_start3A_471] : memref<65536x256xf32, #tpu.memory_space<hbm>> -> memref<128x256xf32, #tpu.memory_space<hbm>>
    %dma_start3A_473 = arith.constant 0 : i32
    %dma_start3A_474 = arith.constant 0 : i32
    %dma_start3A_475 = tpu.memref_slice %arg6[%dma_start3A_461, %dma_start3A_473, %dma_start3A_474] : memref<3x128x256xf32, #tpu.memory_space<vmem>> -> memref<1x128x256xf32, #tpu.memory_space<vmem>>
    %dma_start3A_476 = tpu.memref_squeeze %dma_start3A_475 : memref<1x128x256xf32, #tpu.memory_space<vmem>> -> memref<128x256xf32, #tpu.memory_space<vmem>>
    tpu.enqueue_dma source(%dma_start3A_476 : memref<128x256xf32, #tpu.memory_space<vmem>>) target(%dma_start3A_472 : memref<128x256xf32, #tpu.memory_space<hbm>>) target_semaphore(%dma_start3A_470 : memref<!tpu.dma_semaphore, #tpu.memory_space<semaphore_mem>>)
    %dma_wait3A_477 = arith.constant 0 : i32
    %dma_wait3A_478 = arith.constant 0 : i32
    %dma_wait3A_479 = arith.constant 0 : i32
    %dma_wait3A_480 = arith.constant 0 : i32
    %dma_wait3A_481 = tpu.memref_slice %arg6[%dma_wait3A_477, %dma_wait3A_479, %dma_wait3A_480] : memref<3x128x256xf32, #tpu.memory_space<vmem>> -> memref<1x128x256xf32, #tpu.memory_space<vmem>>
    %dma_wait3A_482 = tpu.memref_squeeze %dma_wait3A_481 : memref<1x128x256xf32, #tpu.memory_space<vmem>> -> memref<128x256xf32, #tpu.memory_space<vmem>>
    %dma_wait3A_483 = arith.constant 0 : i32
    %dma_wait3A_484 = tpu.memref_slice %arg4[%add3A_460, %dma_wait3A_483] : memref<65536x256xf32, #tpu.memory_space<hbm>> -> memref<128x256xf32, #tpu.memory_space<hbm>>
    %dma_wait3A_485 = tpu.memref_slice %arg8[%dma_wait3A_478] : memref<3x!tpu.dma_semaphore, #tpu.memory_space<semaphore_mem>> -> memref<1x!tpu.dma_semaphore, #tpu.memory_space<semaphore_mem>>
    %dma_wait3A_486 = tpu.memref_squeeze %dma_wait3A_485 : memref<1x!tpu.dma_semaphore, #tpu.memory_space<semaphore_mem>> -> memref<!tpu.dma_semaphore, #tpu.memory_space<semaphore_mem>>
    %dma_wait3A_487 = arith.constant 0 : i32
    %dma_wait3A_488 = tpu.memref_slice %arg4[%add3A_460, %dma_wait3A_487] : memref<65536x256xf32, #tpu.memory_space<hbm>> -> memref<128x256xf32, #tpu.memory_space<hbm>>
    %dma_wait3A_489 = arith.constant 0 : i32
    %dma_wait3A_490 = arith.constant 0 : i32
    %dma_wait3A_491 = tpu.memref_slice %arg6[%dma_wait3A_477, %dma_wait3A_489, %dma_wait3A_490] : memref<3x128x256xf32, #tpu.memory_space<vmem>> -> memref<1x128x256xf32, #tpu.memory_space<vmem>>
    %dma_wait3A_492 = tpu.memref_squeeze %dma_wait3A_491 : memref<1x128x256xf32, #tpu.memory_space<vmem>> -> memref<128x256xf32, #tpu.memory_space<vmem>>
    tpu.wait_dma2 semaphore(%dma_wait3A_486 : memref<!tpu.dma_semaphore, #tpu.memory_space<semaphore_mem>>) src(%dma_wait3A_492 : memref<128x256xf32, #tpu.memory_space<vmem>>) dst(%dma_wait3A_488 : memref<128x256xf32, #tpu.memory_space<hbm>>)
    %dma_start3A_493 = arith.constant 8 : i32
    %dma_start3A_494 = arith.constant 0 : i32
    %dma_start3A_495 = arith.constant 0 : i32
    %dma_start3A_496 = arith.constant 0 : i32
    %dma_start3A_497 = arith.constant 0 : i32
    %dma_start3A_498 = tpu.memref_slice %arg6[%dma_start3A_494, %dma_start3A_496, %dma_start3A_497] : memref<3x128x256xf32, #tpu.memory_space<vmem>> -> memref<1x128x256xf32, #tpu.memory_space<vmem>>
    %dma_start3A_499 = tpu.memref_squeeze %dma_start3A_498 : memref<1x128x256xf32, #tpu.memory_space<vmem>> -> memref<128x256xf32, #tpu.memory_space<vmem>>
    %dma_start3A_500 = arith.constant 0 : i32
    %dma_start3A_501 = tpu.memref_slice %arg5[%dma_start3A_493, %dma_start3A_500] : memref<16x128xi32, #tpu.memory_space<vmem>> -> memref<1x128xi32, #tpu.memory_space<vmem>>
    %dma_start3A_502 = tpu.memref_squeeze %dma_start3A_501 : memref<1x128xi32, #tpu.memory_space<vmem>> -> memref<128xi32, #tpu.memory_space<vmem>>
    %dma_start3A_503 = arith.constant 0 : i32
    %dma_start3A_504 = arith.constant 0 : i32
    %dma_start3A_505 = tpu.memref_slice %arg3[%dma_start3A_503, %dma_start3A_504] : memref<8192x256xf32, #tpu.memory_space<hbm>> -> memref<8192x256xf32, #tpu.memory_space<hbm>>
    %dma_start3A_506 = tpu.memref_slice %arg7[%dma_start3A_495] : memref<3x!tpu.dma_semaphore, #tpu.memory_space<semaphore_mem>> -> memref<1x!tpu.dma_semaphore, #tpu.memory_space<semaphore_mem>>
    %dma_start3A_507 = tpu.memref_squeeze %dma_start3A_506 : memref<1x!tpu.dma_semaphore, #tpu.memory_space<semaphore_mem>> -> memref<!tpu.dma_semaphore, #tpu.memory_space<semaphore_mem>>
    tpu.enqueue_indirect_dma source(%dma_start3A_505 : memref<8192x256xf32, #tpu.memory_space<hbm>>) target(%dma_start3A_499 : memref<128x256xf32, #tpu.memory_space<vmem>>) offsets(%dma_start3A_502 : memref<128xi32, #tpu.memory_space<vmem>>) semaphore(%dma_start3A_507 : memref<!tpu.dma_semaphore, #tpu.memory_space<semaphore_mem>>)
    %dma_wait3A_508 = arith.constant 6 : i32
    %dma_wait3A_509 = arith.constant 1 : i32
    %dma_wait3A_510 = arith.constant 1 : i32
    %dma_wait3A_511 = arith.constant 0 : i32
    %dma_wait3A_512 = arith.constant 0 : i32
    %dma_wait3A_513 = tpu.memref_slice %arg6[%dma_wait3A_509, %dma_wait3A_511, %dma_wait3A_512] : memref<3x128x256xf32, #tpu.memory_space<vmem>> -> memref<1x128x256xf32, #tpu.memory_space<vmem>>
    %dma_wait3A_514 = tpu.memref_squeeze %dma_wait3A_513 : memref<1x128x256xf32, #tpu.memory_space<vmem>> -> memref<128x256xf32, #tpu.memory_space<vmem>>
    %dma_wait3A_515 = arith.constant 0 : i32
    %dma_wait3A_516 = tpu.memref_slice %arg5[%dma_wait3A_508, %dma_wait3A_515] : memref<16x128xi32, #tpu.memory_space<vmem>> -> memref<1x128xi32, #tpu.memory_space<vmem>>
    %dma_wait3A_517 = tpu.memref_squeeze %dma_wait3A_516 : memref<1x128xi32, #tpu.memory_space<vmem>> -> memref<128xi32, #tpu.memory_space<vmem>>
    %dma_wait3A_518 = arith.constant 0 : i32
    %dma_wait3A_519 = arith.constant 0 : i32
    %dma_wait3A_520 = tpu.memref_slice %arg3[%dma_wait3A_518, %dma_wait3A_519] : memref<8192x256xf32, #tpu.memory_space<hbm>> -> memref<8192x256xf32, #tpu.memory_space<hbm>>
    %dma_wait3A_521 = tpu.memref_slice %arg7[%dma_wait3A_510] : memref<3x!tpu.dma_semaphore, #tpu.memory_space<semaphore_mem>> -> memref<1x!tpu.dma_semaphore, #tpu.memory_space<semaphore_mem>>
    %dma_wait3A_522 = tpu.memref_squeeze %dma_wait3A_521 : memref<1x!tpu.dma_semaphore, #tpu.memory_space<semaphore_mem>> -> memref<!tpu.dma_semaphore, #tpu.memory_space<semaphore_mem>>
    tpu.wait_indirect_dma semaphore(%dma_wait3A_522 : memref<!tpu.dma_semaphore, #tpu.memory_space<semaphore_mem>>) src(%dma_wait3A_520 : memref<8192x256xf32, #tpu.memory_space<hbm>>) dst(%dma_wait3A_514 : memref<128x256xf32, #tpu.memory_space<vmem>>)
    %add3A_523 = arith.constant 768 : i32
    %add3A_524 = arith.addi %mul3A_2, %add3A_523 : i32
    %add3A_525 = arith.constant 0 : i32
    %add3A_526 = arith.addi %add3A_524, %add3A_525 : i32
    %dma_start3A_527 = arith.constant 1 : i32
    %dma_start3A_528 = arith.constant 1 : i32
    %dma_start3A_529 = arith.constant 0 : i32
    %dma_start3A_530 = arith.constant 0 : i32
    %dma_start3A_531 = tpu.memref_slice %arg6[%dma_start3A_527, %dma_start3A_529, %dma_start3A_530] : memref<3x128x256xf32, #tpu.memory_space<vmem>> -> memref<1x128x256xf32, #tpu.memory_space<vmem>>
    %dma_start3A_532 = tpu.memref_squeeze %dma_start3A_531 : memref<1x128x256xf32, #tpu.memory_space<vmem>> -> memref<128x256xf32, #tpu.memory_space<vmem>>
    %dma_start3A_533 = arith.constant 0 : i32
    %dma_start3A_534 = tpu.memref_slice %arg4[%add3A_526, %dma_start3A_533] : memref<65536x256xf32, #tpu.memory_space<hbm>> -> memref<128x256xf32, #tpu.memory_space<hbm>>
    %dma_start3A_535 = tpu.memref_slice %arg8[%dma_start3A_528] : memref<3x!tpu.dma_semaphore, #tpu.memory_space<semaphore_mem>> -> memref<1x!tpu.dma_semaphore, #tpu.memory_space<semaphore_mem>>
    %dma_start3A_536 = tpu.memref_squeeze %dma_start3A_535 : memref<1x!tpu.dma_semaphore, #tpu.memory_space<semaphore_mem>> -> memref<!tpu.dma_semaphore, #tpu.memory_space<semaphore_mem>>
    %dma_start3A_537 = arith.constant 0 : i32
    %dma_start3A_538 = tpu.memref_slice %arg4[%add3A_526, %dma_start3A_537] : memref<65536x256xf32, #tpu.memory_space<hbm>> -> memref<128x256xf32, #tpu.memory_space<hbm>>
    %dma_start3A_539 = arith.constant 0 : i32
    %dma_start3A_540 = arith.constant 0 : i32
    %dma_start3A_541 = tpu.memref_slice %arg6[%dma_start3A_527, %dma_start3A_539, %dma_start3A_540] : memref<3x128x256xf32, #tpu.memory_space<vmem>> -> memref<1x128x256xf32, #tpu.memory_space<vmem>>
    %dma_start3A_542 = tpu.memref_squeeze %dma_start3A_541 : memref<1x128x256xf32, #tpu.memory_space<vmem>> -> memref<128x256xf32, #tpu.memory_space<vmem>>
    tpu.enqueue_dma source(%dma_start3A_542 : memref<128x256xf32, #tpu.memory_space<vmem>>) target(%dma_start3A_538 : memref<128x256xf32, #tpu.memory_space<hbm>>) target_semaphore(%dma_start3A_536 : memref<!tpu.dma_semaphore, #tpu.memory_space<semaphore_mem>>)
    %dma_wait3A_543 = arith.constant 1 : i32
    %dma_wait3A_544 = arith.constant 1 : i32
    %dma_wait3A_545 = arith.constant 0 : i32
    %dma_wait3A_546 = arith.constant 0 : i32
    %dma_wait3A_547 = tpu.memref_slice %arg6[%dma_wait3A_543, %dma_wait3A_545, %dma_wait3A_546] : memref<3x128x256xf32, #tpu.memory_space<vmem>> -> memref<1x128x256xf32, #tpu.memory_space<vmem>>
    %dma_wait3A_548 = tpu.memref_squeeze %dma_wait3A_547 : memref<1x128x256xf32, #tpu.memory_space<vmem>> -> memref<128x256xf32, #tpu.memory_space<vmem>>
    %dma_wait3A_549 = arith.constant 0 : i32
    %dma_wait3A_550 = tpu.memref_slice %arg4[%add3A_526, %dma_wait3A_549] : memref<65536x256xf32, #tpu.memory_space<hbm>> -> memref<128x256xf32, #tpu.memory_space<hbm>>
    %dma_wait3A_551 = tpu.memref_slice %arg8[%dma_wait3A_544] : memref<3x!tpu.dma_semaphore, #tpu.memory_space<semaphore_mem>> -> memref<1x!tpu.dma_semaphore, #tpu.memory_space<semaphore_mem>>
    %dma_wait3A_552 = tpu.memref_squeeze %dma_wait3A_551 : memref<1x!tpu.dma_semaphore, #tpu.memory_space<semaphore_mem>> -> memref<!tpu.dma_semaphore, #tpu.memory_space<semaphore_mem>>
    %dma_wait3A_553 = arith.constant 0 : i32
    %dma_wait3A_554 = tpu.memref_slice %arg4[%add3A_526, %dma_wait3A_553] : memref<65536x256xf32, #tpu.memory_space<hbm>> -> memref<128x256xf32, #tpu.memory_space<hbm>>
    %dma_wait3A_555 = arith.constant 0 : i32
    %dma_wait3A_556 = arith.constant 0 : i32
    %dma_wait3A_557 = tpu.memref_slice %arg6[%dma_wait3A_543, %dma_wait3A_555, %dma_wait3A_556] : memref<3x128x256xf32, #tpu.memory_space<vmem>> -> memref<1x128x256xf32, #tpu.memory_space<vmem>>
    %dma_wait3A_558 = tpu.memref_squeeze %dma_wait3A_557 : memref<1x128x256xf32, #tpu.memory_space<vmem>> -> memref<128x256xf32, #tpu.memory_space<vmem>>
    tpu.wait_dma2 semaphore(%dma_wait3A_552 : memref<!tpu.dma_semaphore, #tpu.memory_space<semaphore_mem>>) src(%dma_wait3A_558 : memref<128x256xf32, #tpu.memory_space<vmem>>) dst(%dma_wait3A_554 : memref<128x256xf32, #tpu.memory_space<hbm>>)
    %dma_start3A_559 = arith.constant 9 : i32
    %dma_start3A_560 = arith.constant 1 : i32
    %dma_start3A_561 = arith.constant 1 : i32
    %dma_start3A_562 = arith.constant 0 : i32
    %dma_start3A_563 = arith.constant 0 : i32
    %dma_start3A_564 = tpu.memref_slice %arg6[%dma_start3A_560, %dma_start3A_562, %dma_start3A_563] : memref<3x128x256xf32, #tpu.memory_space<vmem>> -> memref<1x128x256xf32, #tpu.memory_space<vmem>>
    %dma_start3A_565 = tpu.memref_squeeze %dma_start3A_564 : memref<1x128x256xf32, #tpu.memory_space<vmem>> -> memref<128x256xf32, #tpu.memory_space<vmem>>
    %dma_start3A_566 = arith.constant 0 : i32
    %dma_start3A_567 = tpu.memref_slice %arg5[%dma_start3A_559, %dma_start3A_566] : memref<16x128xi32, #tpu.memory_space<vmem>> -> memref<1x128xi32, #tpu.memory_space<vmem>>
    %dma_start3A_568 = tpu.memref_squeeze %dma_start3A_567 : memref<1x128xi32, #tpu.memory_space<vmem>> -> memref<128xi32, #tpu.memory_space<vmem>>
    %dma_start3A_569 = arith.constant 0 : i32
    %dma_start3A_570 = arith.constant 0 : i32
    %dma_start3A_571 = tpu.memref_slice %arg3[%dma_start3A_569, %dma_start3A_570] : memref<8192x256xf32, #tpu.memory_space<hbm>> -> memref<8192x256xf32, #tpu.memory_space<hbm>>
    %dma_start3A_572 = tpu.memref_slice %arg7[%dma_start3A_561] : memref<3x!tpu.dma_semaphore, #tpu.memory_space<semaphore_mem>> -> memref<1x!tpu.dma_semaphore, #tpu.memory_space<semaphore_mem>>
    %dma_start3A_573 = tpu.memref_squeeze %dma_start3A_572 : memref<1x!tpu.dma_semaphore, #tpu.memory_space<semaphore_mem>> -> memref<!tpu.dma_semaphore, #tpu.memory_space<semaphore_mem>>
    tpu.enqueue_indirect_dma source(%dma_start3A_571 : memref<8192x256xf32, #tpu.memory_space<hbm>>) target(%dma_start3A_565 : memref<128x256xf32, #tpu.memory_space<vmem>>) offsets(%dma_start3A_568 : memref<128xi32, #tpu.memory_space<vmem>>) semaphore(%dma_start3A_573 : memref<!tpu.dma_semaphore, #tpu.memory_space<semaphore_mem>>)
    %dma_wait3A_574 = arith.constant 7 : i32
    %dma_wait3A_575 = arith.constant 2 : i32
    %dma_wait3A_576 = arith.constant 2 : i32
    %dma_wait3A_577 = arith.constant 0 : i32
    %dma_wait3A_578 = arith.constant 0 : i32
    %dma_wait3A_579 = tpu.memref_slice %arg6[%dma_wait3A_575, %dma_wait3A_577, %dma_wait3A_578] : memref<3x128x256xf32, #tpu.memory_space<vmem>> -> memref<1x128x256xf32, #tpu.memory_space<vmem>>
    %dma_wait3A_580 = tpu.memref_squeeze %dma_wait3A_579 : memref<1x128x256xf32, #tpu.memory_space<vmem>> -> memref<128x256xf32, #tpu.memory_space<vmem>>
    %dma_wait3A_581 = arith.constant 0 : i32
    %dma_wait3A_582 = tpu.memref_slice %arg5[%dma_wait3A_574, %dma_wait3A_581] : memref<16x128xi32, #tpu.memory_space<vmem>> -> memref<1x128xi32, #tpu.memory_space<vmem>>
    %dma_wait3A_583 = tpu.memref_squeeze %dma_wait3A_582 : memref<1x128xi32, #tpu.memory_space<vmem>> -> memref<128xi32, #tpu.memory_space<vmem>>
    %dma_wait3A_584 = arith.constant 0 : i32
    %dma_wait3A_585 = arith.constant 0 : i32
    %dma_wait3A_586 = tpu.memref_slice %arg3[%dma_wait3A_584, %dma_wait3A_585] : memref<8192x256xf32, #tpu.memory_space<hbm>> -> memref<8192x256xf32, #tpu.memory_space<hbm>>
    %dma_wait3A_587 = tpu.memref_slice %arg7[%dma_wait3A_576] : memref<3x!tpu.dma_semaphore, #tpu.memory_space<semaphore_mem>> -> memref<1x!tpu.dma_semaphore, #tpu.memory_space<semaphore_mem>>
    %dma_wait3A_588 = tpu.memref_squeeze %dma_wait3A_587 : memref<1x!tpu.dma_semaphore, #tpu.memory_space<semaphore_mem>> -> memref<!tpu.dma_semaphore, #tpu.memory_space<semaphore_mem>>
    tpu.wait_indirect_dma semaphore(%dma_wait3A_588 : memref<!tpu.dma_semaphore, #tpu.memory_space<semaphore_mem>>) src(%dma_wait3A_586 : memref<8192x256xf32, #tpu.memory_space<hbm>>) dst(%dma_wait3A_580 : memref<128x256xf32, #tpu.memory_space<vmem>>)
    %add3A_589 = arith.constant 896 : i32
    %add3A_590 = arith.addi %mul3A_2, %add3A_589 : i32
    %add3A_591 = arith.constant 0 : i32
    %add3A_592 = arith.addi %add3A_590, %add3A_591 : i32
    %dma_start3A_593 = arith.constant 2 : i32
    %dma_start3A_594 = arith.constant 2 : i32
    %dma_start3A_595 = arith.constant 0 : i32
    %dma_start3A_596 = arith.constant 0 : i32
    %dma_start3A_597 = tpu.memref_slice %arg6[%dma_start3A_593, %dma_start3A_595, %dma_start3A_596] : memref<3x128x256xf32, #tpu.memory_space<vmem>> -> memref<1x128x256xf32, #tpu.memory_space<vmem>>
    %dma_start3A_598 = tpu.memref_squeeze %dma_start3A_597 : memref<1x128x256xf32, #tpu.memory_space<vmem>> -> memref<128x256xf32, #tpu.memory_space<vmem>>
    %dma_start3A_599 = arith.constant 0 : i32
    %dma_start3A_600 = tpu.memref_slice %arg4[%add3A_592, %dma_start3A_599] : memref<65536x256xf32, #tpu.memory_space<hbm>> -> memref<128x256xf32, #tpu.memory_space<hbm>>
    %dma_start3A_601 = tpu.memref_slice %arg8[%dma_start3A_594] : memref<3x!tpu.dma_semaphore, #tpu.memory_space<semaphore_mem>> -> memref<1x!tpu.dma_semaphore, #tpu.memory_space<semaphore_mem>>
    %dma_start3A_602 = tpu.memref_squeeze %dma_start3A_601 : memref<1x!tpu.dma_semaphore, #tpu.memory_space<semaphore_mem>> -> memref<!tpu.dma_semaphore, #tpu.memory_space<semaphore_mem>>
    %dma_start3A_603 = arith.constant 0 : i32
    %dma_start3A_604 = tpu.memref_slice %arg4[%add3A_592, %dma_start3A_603] : memref<65536x256xf32, #tpu.memory_space<hbm>> -> memref<128x256xf32, #tpu.memory_space<hbm>>
    %dma_start3A_605 = arith.constant 0 : i32
    %dma_start3A_606 = arith.constant 0 : i32
    %dma_start3A_607 = tpu.memref_slice %arg6[%dma_start3A_593, %dma_start3A_605, %dma_start3A_606] : memref<3x128x256xf32, #tpu.memory_space<vmem>> -> memref<1x128x256xf32, #tpu.memory_space<vmem>>
    %dma_start3A_608 = tpu.memref_squeeze %dma_start3A_607 : memref<1x128x256xf32, #tpu.memory_space<vmem>> -> memref<128x256xf32, #tpu.memory_space<vmem>>
    tpu.enqueue_dma source(%dma_start3A_608 : memref<128x256xf32, #tpu.memory_space<vmem>>) target(%dma_start3A_604 : memref<128x256xf32, #tpu.memory_space<hbm>>) target_semaphore(%dma_start3A_602 : memref<!tpu.dma_semaphore, #tpu.memory_space<semaphore_mem>>)
    %dma_wait3A_609 = arith.constant 2 : i32
    %dma_wait3A_610 = arith.constant 2 : i32
    %dma_wait3A_611 = arith.constant 0 : i32
    %dma_wait3A_612 = arith.constant 0 : i32
    %dma_wait3A_613 = tpu.memref_slice %arg6[%dma_wait3A_609, %dma_wait3A_611, %dma_wait3A_612] : memref<3x128x256xf32, #tpu.memory_space<vmem>> -> memref<1x128x256xf32, #tpu.memory_space<vmem>>
    %dma_wait3A_614 = tpu.memref_squeeze %dma_wait3A_613 : memref<1x128x256xf32, #tpu.memory_space<vmem>> -> memref<128x256xf32, #tpu.memory_space<vmem>>
    %dma_wait3A_615 = arith.constant 0 : i32
    %dma_wait3A_616 = tpu.memref_slice %arg4[%add3A_592, %dma_wait3A_615] : memref<65536x256xf32, #tpu.memory_space<hbm>> -> memref<128x256xf32, #tpu.memory_space<hbm>>
    %dma_wait3A_617 = tpu.memref_slice %arg8[%dma_wait3A_610] : memref<3x!tpu.dma_semaphore, #tpu.memory_space<semaphore_mem>> -> memref<1x!tpu.dma_semaphore, #tpu.memory_space<semaphore_mem>>
    %dma_wait3A_618 = tpu.memref_squeeze %dma_wait3A_617 : memref<1x!tpu.dma_semaphore, #tpu.memory_space<semaphore_mem>> -> memref<!tpu.dma_semaphore, #tpu.memory_space<semaphore_mem>>
    %dma_wait3A_619 = arith.constant 0 : i32
    %dma_wait3A_620 = tpu.memref_slice %arg4[%add3A_592, %dma_wait3A_619] : memref<65536x256xf32, #tpu.memory_space<hbm>> -> memref<128x256xf32, #tpu.memory_space<hbm>>
    %dma_wait3A_621 = arith.constant 0 : i32
    %dma_wait3A_622 = arith.constant 0 : i32
    %dma_wait3A_623 = tpu.memref_slice %arg6[%dma_wait3A_609, %dma_wait3A_621, %dma_wait3A_622] : memref<3x128x256xf32, #tpu.memory_space<vmem>> -> memref<1x128x256xf32, #tpu.memory_space<vmem>>
    %dma_wait3A_624 = tpu.memref_squeeze %dma_wait3A_623 : memref<1x128x256xf32, #tpu.memory_space<vmem>> -> memref<128x256xf32, #tpu.memory_space<vmem>>
    tpu.wait_dma2 semaphore(%dma_wait3A_618 : memref<!tpu.dma_semaphore, #tpu.memory_space<semaphore_mem>>) src(%dma_wait3A_624 : memref<128x256xf32, #tpu.memory_space<vmem>>) dst(%dma_wait3A_620 : memref<128x256xf32, #tpu.memory_space<hbm>>)
    %dma_start3A_625 = arith.constant 10 : i32
    %dma_start3A_626 = arith.constant 2 : i32
    %dma_start3A_627 = arith.constant 2 : i32
    %dma_start3A_628 = arith.constant 0 : i32
    %dma_start3A_629 = arith.constant 0 : i32
    %dma_start3A_630 = tpu.memref_slice %arg6[%dma_start3A_626, %dma_start3A_628, %dma_start3A_629] : memref<3x128x256xf32, #tpu.memory_space<vmem>> -> memref<1x128x256xf32, #tpu.memory_space<vmem>>
    %dma_start3A_631 = tpu.memref_squeeze %dma_start3A_630 : memref<1x128x256xf32, #tpu.memory_space<vmem>> -> memref<128x256xf32, #tpu.memory_space<vmem>>
    %dma_start3A_632 = arith.constant 0 : i32
    %dma_start3A_633 = tpu.memref_slice %arg5[%dma_start3A_625, %dma_start3A_632] : memref<16x128xi32, #tpu.memory_space<vmem>> -> memref<1x128xi32, #tpu.memory_space<vmem>>
    %dma_start3A_634 = tpu.memref_squeeze %dma_start3A_633 : memref<1x128xi32, #tpu.memory_space<vmem>> -> memref<128xi32, #tpu.memory_space<vmem>>
    %dma_start3A_635 = arith.constant 0 : i32
    %dma_start3A_636 = arith.constant 0 : i32
    %dma_start3A_637 = tpu.memref_slice %arg3[%dma_start3A_635, %dma_start3A_636] : memref<8192x256xf32, #tpu.memory_space<hbm>> -> memref<8192x256xf32, #tpu.memory_space<hbm>>
    %dma_start3A_638 = tpu.memref_slice %arg7[%dma_start3A_627] : memref<3x!tpu.dma_semaphore, #tpu.memory_space<semaphore_mem>> -> memref<1x!tpu.dma_semaphore, #tpu.memory_space<semaphore_mem>>
    %dma_start3A_639 = tpu.memref_squeeze %dma_start3A_638 : memref<1x!tpu.dma_semaphore, #tpu.memory_space<semaphore_mem>> -> memref<!tpu.dma_semaphore, #tpu.memory_space<semaphore_mem>>
    tpu.enqueue_indirect_dma source(%dma_start3A_637 : memref<8192x256xf32, #tpu.memory_space<hbm>>) target(%dma_start3A_631 : memref<128x256xf32, #tpu.memory_space<vmem>>) offsets(%dma_start3A_634 : memref<128xi32, #tpu.memory_space<vmem>>) semaphore(%dma_start3A_639 : memref<!tpu.dma_semaphore, #tpu.memory_space<semaphore_mem>>)
    %dma_wait3A_640 = arith.constant 8 : i32
    %dma_wait3A_641 = arith.constant 0 : i32
    %dma_wait3A_642 = arith.constant 0 : i32
    %dma_wait3A_643 = arith.constant 0 : i32
    %dma_wait3A_644 = arith.constant 0 : i32
    %dma_wait3A_645 = tpu.memref_slice %arg6[%dma_wait3A_641, %dma_wait3A_643, %dma_wait3A_644] : memref<3x128x256xf32, #tpu.memory_space<vmem>> -> memref<1x128x256xf32, #tpu.memory_space<vmem>>
    %dma_wait3A_646 = tpu.memref_squeeze %dma_wait3A_645 : memref<1x128x256xf32, #tpu.memory_space<vmem>> -> memref<128x256xf32, #tpu.memory_space<vmem>>
    %dma_wait3A_647 = arith.constant 0 : i32
    %dma_wait3A_648 = tpu.memref_slice %arg5[%dma_wait3A_640, %dma_wait3A_647] : memref<16x128xi32, #tpu.memory_space<vmem>> -> memref<1x128xi32, #tpu.memory_space<vmem>>
    %dma_wait3A_649 = tpu.memref_squeeze %dma_wait3A_648 : memref<1x128xi32, #tpu.memory_space<vmem>> -> memref<128xi32, #tpu.memory_space<vmem>>
    %dma_wait3A_650 = arith.constant 0 : i32
    %dma_wait3A_651 = arith.constant 0 : i32
    %dma_wait3A_652 = tpu.memref_slice %arg3[%dma_wait3A_650, %dma_wait3A_651] : memref<8192x256xf32, #tpu.memory_space<hbm>> -> memref<8192x256xf32, #tpu.memory_space<hbm>>
    %dma_wait3A_653 = tpu.memref_slice %arg7[%dma_wait3A_642] : memref<3x!tpu.dma_semaphore, #tpu.memory_space<semaphore_mem>> -> memref<1x!tpu.dma_semaphore, #tpu.memory_space<semaphore_mem>>
    %dma_wait3A_654 = tpu.memref_squeeze %dma_wait3A_653 : memref<1x!tpu.dma_semaphore, #tpu.memory_space<semaphore_mem>> -> memref<!tpu.dma_semaphore, #tpu.memory_space<semaphore_mem>>
    tpu.wait_indirect_dma semaphore(%dma_wait3A_654 : memref<!tpu.dma_semaphore, #tpu.memory_space<semaphore_mem>>) src(%dma_wait3A_652 : memref<8192x256xf32, #tpu.memory_space<hbm>>) dst(%dma_wait3A_646 : memref<128x256xf32, #tpu.memory_space<vmem>>)
    %add3A_655 = arith.constant 1024 : i32
    %add3A_656 = arith.addi %mul3A_2, %add3A_655 : i32
    %add3A_657 = arith.constant 0 : i32
    %add3A_658 = arith.addi %add3A_656, %add3A_657 : i32
    %dma_start3A_659 = arith.constant 0 : i32
    %dma_start3A_660 = arith.constant 0 : i32
    %dma_start3A_661 = arith.constant 0 : i32
    %dma_start3A_662 = arith.constant 0 : i32
    %dma_start3A_663 = tpu.memref_slice %arg6[%dma_start3A_659, %dma_start3A_661, %dma_start3A_662] : memref<3x128x256xf32, #tpu.memory_space<vmem>> -> memref<1x128x256xf32, #tpu.memory_space<vmem>>
    %dma_start3A_664 = tpu.memref_squeeze %dma_start3A_663 : memref<1x128x256xf32, #tpu.memory_space<vmem>> -> memref<128x256xf32, #tpu.memory_space<vmem>>
    %dma_start3A_665 = arith.constant 0 : i32
    %dma_start3A_666 = tpu.memref_slice %arg4[%add3A_658, %dma_start3A_665] : memref<65536x256xf32, #tpu.memory_space<hbm>> -> memref<128x256xf32, #tpu.memory_space<hbm>>
    %dma_start3A_667 = tpu.memref_slice %arg8[%dma_start3A_660] : memref<3x!tpu.dma_semaphore, #tpu.memory_space<semaphore_mem>> -> memref<1x!tpu.dma_semaphore, #tpu.memory_space<semaphore_mem>>
    %dma_start3A_668 = tpu.memref_squeeze %dma_start3A_667 : memref<1x!tpu.dma_semaphore, #tpu.memory_space<semaphore_mem>> -> memref<!tpu.dma_semaphore, #tpu.memory_space<semaphore_mem>>
    %dma_start3A_669 = arith.constant 0 : i32
    %dma_start3A_670 = tpu.memref_slice %arg4[%add3A_658, %dma_start3A_669] : memref<65536x256xf32, #tpu.memory_space<hbm>> -> memref<128x256xf32, #tpu.memory_space<hbm>>
    %dma_start3A_671 = arith.constant 0 : i32
    %dma_start3A_672 = arith.constant 0 : i32
    %dma_start3A_673 = tpu.memref_slice %arg6[%dma_start3A_659, %dma_start3A_671, %dma_start3A_672] : memref<3x128x256xf32, #tpu.memory_space<vmem>> -> memref<1x128x256xf32, #tpu.memory_space<vmem>>
    %dma_start3A_674 = tpu.memref_squeeze %dma_start3A_673 : memref<1x128x256xf32, #tpu.memory_space<vmem>> -> memref<128x256xf32, #tpu.memory_space<vmem>>
    tpu.enqueue_dma source(%dma_start3A_674 : memref<128x256xf32, #tpu.memory_space<vmem>>) target(%dma_start3A_670 : memref<128x256xf32, #tpu.memory_space<hbm>>) target_semaphore(%dma_start3A_668 : memref<!tpu.dma_semaphore, #tpu.memory_space<semaphore_mem>>)
    %dma_wait3A_675 = arith.constant 0 : i32
    %dma_wait3A_676 = arith.constant 0 : i32
    %dma_wait3A_677 = arith.constant 0 : i32
    %dma_wait3A_678 = arith.constant 0 : i32
    %dma_wait3A_679 = tpu.memref_slice %arg6[%dma_wait3A_675, %dma_wait3A_677, %dma_wait3A_678] : memref<3x128x256xf32, #tpu.memory_space<vmem>> -> memref<1x128x256xf32, #tpu.memory_space<vmem>>
    %dma_wait3A_680 = tpu.memref_squeeze %dma_wait3A_679 : memref<1x128x256xf32, #tpu.memory_space<vmem>> -> memref<128x256xf32, #tpu.memory_space<vmem>>
    %dma_wait3A_681 = arith.constant 0 : i32
    %dma_wait3A_682 = tpu.memref_slice %arg4[%add3A_658, %dma_wait3A_681] : memref<65536x256xf32, #tpu.memory_space<hbm>> -> memref<128x256xf32, #tpu.memory_space<hbm>>
    %dma_wait3A_683 = tpu.memref_slice %arg8[%dma_wait3A_676] : memref<3x!tpu.dma_semaphore, #tpu.memory_space<semaphore_mem>> -> memref<1x!tpu.dma_semaphore, #tpu.memory_space<semaphore_mem>>
    %dma_wait3A_684 = tpu.memref_squeeze %dma_wait3A_683 : memref<1x!tpu.dma_semaphore, #tpu.memory_space<semaphore_mem>> -> memref<!tpu.dma_semaphore, #tpu.memory_space<semaphore_mem>>
    %dma_wait3A_685 = arith.constant 0 : i32
    %dma_wait3A_686 = tpu.memref_slice %arg4[%add3A_658, %dma_wait3A_685] : memref<65536x256xf32, #tpu.memory_space<hbm>> -> memref<128x256xf32, #tpu.memory_space<hbm>>
    %dma_wait3A_687 = arith.constant 0 : i32
    %dma_wait3A_688 = arith.constant 0 : i32
    %dma_wait3A_689 = tpu.memref_slice %arg6[%dma_wait3A_675, %dma_wait3A_687, %dma_wait3A_688] : memref<3x128x256xf32, #tpu.memory_space<vmem>> -> memref<1x128x256xf32, #tpu.memory_space<vmem>>
    %dma_wait3A_690 = tpu.memref_squeeze %dma_wait3A_689 : memref<1x128x256xf32, #tpu.memory_space<vmem>> -> memref<128x256xf32, #tpu.memory_space<vmem>>
    tpu.wait_dma2 semaphore(%dma_wait3A_684 : memref<!tpu.dma_semaphore, #tpu.memory_space<semaphore_mem>>) src(%dma_wait3A_690 : memref<128x256xf32, #tpu.memory_space<vmem>>) dst(%dma_wait3A_686 : memref<128x256xf32, #tpu.memory_space<hbm>>)
    %dma_start3A_691 = arith.constant 11 : i32
    %dma_start3A_692 = arith.constant 0 : i32
    %dma_start3A_693 = arith.constant 0 : i32
    %dma_start3A_694 = arith.constant 0 : i32
    %dma_start3A_695 = arith.constant 0 : i32
    %dma_start3A_696 = tpu.memref_slice %arg6[%dma_start3A_692, %dma_start3A_694, %dma_start3A_695] : memref<3x128x256xf32, #tpu.memory_space<vmem>> -> memref<1x128x256xf32, #tpu.memory_space<vmem>>
    %dma_start3A_697 = tpu.memref_squeeze %dma_start3A_696 : memref<1x128x256xf32, #tpu.memory_space<vmem>> -> memref<128x256xf32, #tpu.memory_space<vmem>>
    %dma_start3A_698 = arith.constant 0 : i32
    %dma_start3A_699 = tpu.memref_slice %arg5[%dma_start3A_691, %dma_start3A_698] : memref<16x128xi32, #tpu.memory_space<vmem>> -> memref<1x128xi32, #tpu.memory_space<vmem>>
    %dma_start3A_700 = tpu.memref_squeeze %dma_start3A_699 : memref<1x128xi32, #tpu.memory_space<vmem>> -> memref<128xi32, #tpu.memory_space<vmem>>
    %dma_start3A_701 = arith.constant 0 : i32
    %dma_start3A_702 = arith.constant 0 : i32
    %dma_start3A_703 = tpu.memref_slice %arg3[%dma_start3A_701, %dma_start3A_702] : memref<8192x256xf32, #tpu.memory_space<hbm>> -> memref<8192x256xf32, #tpu.memory_space<hbm>>
    %dma_start3A_704 = tpu.memref_slice %arg7[%dma_start3A_693] : memref<3x!tpu.dma_semaphore, #tpu.memory_space<semaphore_mem>> -> memref<1x!tpu.dma_semaphore, #tpu.memory_space<semaphore_mem>>
    %dma_start3A_705 = tpu.memref_squeeze %dma_start3A_704 : memref<1x!tpu.dma_semaphore, #tpu.memory_space<semaphore_mem>> -> memref<!tpu.dma_semaphore, #tpu.memory_space<semaphore_mem>>
    tpu.enqueue_indirect_dma source(%dma_start3A_703 : memref<8192x256xf32, #tpu.memory_space<hbm>>) target(%dma_start3A_697 : memref<128x256xf32, #tpu.memory_space<vmem>>) offsets(%dma_start3A_700 : memref<128xi32, #tpu.memory_space<vmem>>) semaphore(%dma_start3A_705 : memref<!tpu.dma_semaphore, #tpu.memory_space<semaphore_mem>>)
    %dma_wait3A_706 = arith.constant 9 : i32
    %dma_wait3A_707 = arith.constant 1 : i32
    %dma_wait3A_708 = arith.constant 1 : i32
    %dma_wait3A_709 = arith.constant 0 : i32
    %dma_wait3A_710 = arith.constant 0 : i32
    %dma_wait3A_711 = tpu.memref_slice %arg6[%dma_wait3A_707, %dma_wait3A_709, %dma_wait3A_710] : memref<3x128x256xf32, #tpu.memory_space<vmem>> -> memref<1x128x256xf32, #tpu.memory_space<vmem>>
    %dma_wait3A_712 = tpu.memref_squeeze %dma_wait3A_711 : memref<1x128x256xf32, #tpu.memory_space<vmem>> -> memref<128x256xf32, #tpu.memory_space<vmem>>
    %dma_wait3A_713 = arith.constant 0 : i32
    %dma_wait3A_714 = tpu.memref_slice %arg5[%dma_wait3A_706, %dma_wait3A_713] : memref<16x128xi32, #tpu.memory_space<vmem>> -> memref<1x128xi32, #tpu.memory_space<vmem>>
    %dma_wait3A_715 = tpu.memref_squeeze %dma_wait3A_714 : memref<1x128xi32, #tpu.memory_space<vmem>> -> memref<128xi32, #tpu.memory_space<vmem>>
    %dma_wait3A_716 = arith.constant 0 : i32
    %dma_wait3A_717 = arith.constant 0 : i32
    %dma_wait3A_718 = tpu.memref_slice %arg3[%dma_wait3A_716, %dma_wait3A_717] : memref<8192x256xf32, #tpu.memory_space<hbm>> -> memref<8192x256xf32, #tpu.memory_space<hbm>>
    %dma_wait3A_719 = tpu.memref_slice %arg7[%dma_wait3A_708] : memref<3x!tpu.dma_semaphore, #tpu.memory_space<semaphore_mem>> -> memref<1x!tpu.dma_semaphore, #tpu.memory_space<semaphore_mem>>
    %dma_wait3A_720 = tpu.memref_squeeze %dma_wait3A_719 : memref<1x!tpu.dma_semaphore, #tpu.memory_space<semaphore_mem>> -> memref<!tpu.dma_semaphore, #tpu.memory_space<semaphore_mem>>
    tpu.wait_indirect_dma semaphore(%dma_wait3A_720 : memref<!tpu.dma_semaphore, #tpu.memory_space<semaphore_mem>>) src(%dma_wait3A_718 : memref<8192x256xf32, #tpu.memory_space<hbm>>) dst(%dma_wait3A_712 : memref<128x256xf32, #tpu.memory_space<vmem>>)
    %add3A_721 = arith.constant 1152 : i32
    %add3A_722 = arith.addi %mul3A_2, %add3A_721 : i32
    %add3A_723 = arith.constant 0 : i32
    %add3A_724 = arith.addi %add3A_722, %add3A_723 : i32
    %dma_start3A_725 = arith.constant 1 : i32
    %dma_start3A_726 = arith.constant 1 : i32
    %dma_start3A_727 = arith.constant 0 : i32
    %dma_start3A_728 = arith.constant 0 : i32
    %dma_start3A_729 = tpu.memref_slice %arg6[%dma_start3A_725, %dma_start3A_727, %dma_start3A_728] : memref<3x128x256xf32, #tpu.memory_space<vmem>> -> memref<1x128x256xf32, #tpu.memory_space<vmem>>
    %dma_start3A_730 = tpu.memref_squeeze %dma_start3A_729 : memref<1x128x256xf32, #tpu.memory_space<vmem>> -> memref<128x256xf32, #tpu.memory_space<vmem>>
    %dma_start3A_731 = arith.constant 0 : i32
    %dma_start3A_732 = tpu.memref_slice %arg4[%add3A_724, %dma_start3A_731] : memref<65536x256xf32, #tpu.memory_space<hbm>> -> memref<128x256xf32, #tpu.memory_space<hbm>>
    %dma_start3A_733 = tpu.memref_slice %arg8[%dma_start3A_726] : memref<3x!tpu.dma_semaphore, #tpu.memory_space<semaphore_mem>> -> memref<1x!tpu.dma_semaphore, #tpu.memory_space<semaphore_mem>>
    %dma_start3A_734 = tpu.memref_squeeze %dma_start3A_733 : memref<1x!tpu.dma_semaphore, #tpu.memory_space<semaphore_mem>> -> memref<!tpu.dma_semaphore, #tpu.memory_space<semaphore_mem>>
    %dma_start3A_735 = arith.constant 0 : i32
    %dma_start3A_736 = tpu.memref_slice %arg4[%add3A_724, %dma_start3A_735] : memref<65536x256xf32, #tpu.memory_space<hbm>> -> memref<128x256xf32, #tpu.memory_space<hbm>>
    %dma_start3A_737 = arith.constant 0 : i32
    %dma_start3A_738 = arith.constant 0 : i32
    %dma_start3A_739 = tpu.memref_slice %arg6[%dma_start3A_725, %dma_start3A_737, %dma_start3A_738] : memref<3x128x256xf32, #tpu.memory_space<vmem>> -> memref<1x128x256xf32, #tpu.memory_space<vmem>>
    %dma_start3A_740 = tpu.memref_squeeze %dma_start3A_739 : memref<1x128x256xf32, #tpu.memory_space<vmem>> -> memref<128x256xf32, #tpu.memory_space<vmem>>
    tpu.enqueue_dma source(%dma_start3A_740 : memref<128x256xf32, #tpu.memory_space<vmem>>) target(%dma_start3A_736 : memref<128x256xf32, #tpu.memory_space<hbm>>) target_semaphore(%dma_start3A_734 : memref<!tpu.dma_semaphore, #tpu.memory_space<semaphore_mem>>)
    %dma_wait3A_741 = arith.constant 1 : i32
    %dma_wait3A_742 = arith.constant 1 : i32
    %dma_wait3A_743 = arith.constant 0 : i32
    %dma_wait3A_744 = arith.constant 0 : i32
    %dma_wait3A_745 = tpu.memref_slice %arg6[%dma_wait3A_741, %dma_wait3A_743, %dma_wait3A_744] : memref<3x128x256xf32, #tpu.memory_space<vmem>> -> memref<1x128x256xf32, #tpu.memory_space<vmem>>
    %dma_wait3A_746 = tpu.memref_squeeze %dma_wait3A_745 : memref<1x128x256xf32, #tpu.memory_space<vmem>> -> memref<128x256xf32, #tpu.memory_space<vmem>>
    %dma_wait3A_747 = arith.constant 0 : i32
    %dma_wait3A_748 = tpu.memref_slice %arg4[%add3A_724, %dma_wait3A_747] : memref<65536x256xf32, #tpu.memory_space<hbm>> -> memref<128x256xf32, #tpu.memory_space<hbm>>
    %dma_wait3A_749 = tpu.memref_slice %arg8[%dma_wait3A_742] : memref<3x!tpu.dma_semaphore, #tpu.memory_space<semaphore_mem>> -> memref<1x!tpu.dma_semaphore, #tpu.memory_space<semaphore_mem>>
    %dma_wait3A_750 = tpu.memref_squeeze %dma_wait3A_749 : memref<1x!tpu.dma_semaphore, #tpu.memory_space<semaphore_mem>> -> memref<!tpu.dma_semaphore, #tpu.memory_space<semaphore_mem>>
    %dma_wait3A_751 = arith.constant 0 : i32
    %dma_wait3A_752 = tpu.memref_slice %arg4[%add3A_724, %dma_wait3A_751] : memref<65536x256xf32, #tpu.memory_space<hbm>> -> memref<128x256xf32, #tpu.memory_space<hbm>>
    %dma_wait3A_753 = arith.constant 0 : i32
    %dma_wait3A_754 = arith.constant 0 : i32
    %dma_wait3A_755 = tpu.memref_slice %arg6[%dma_wait3A_741, %dma_wait3A_753, %dma_wait3A_754] : memref<3x128x256xf32, #tpu.memory_space<vmem>> -> memref<1x128x256xf32, #tpu.memory_space<vmem>>
    %dma_wait3A_756 = tpu.memref_squeeze %dma_wait3A_755 : memref<1x128x256xf32, #tpu.memory_space<vmem>> -> memref<128x256xf32, #tpu.memory_space<vmem>>
    tpu.wait_dma2 semaphore(%dma_wait3A_750 : memref<!tpu.dma_semaphore, #tpu.memory_space<semaphore_mem>>) src(%dma_wait3A_756 : memref<128x256xf32, #tpu.memory_space<vmem>>) dst(%dma_wait3A_752 : memref<128x256xf32, #tpu.memory_space<hbm>>)
    %dma_start3A_757 = arith.constant 12 : i32
    %dma_start3A_758 = arith.constant 1 : i32
    %dma_start3A_759 = arith.constant 1 : i32
    %dma_start3A_760 = arith.constant 0 : i32
    %dma_start3A_761 = arith.constant 0 : i32
    %dma_start3A_762 = tpu.memref_slice %arg6[%dma_start3A_758, %dma_start3A_760, %dma_start3A_761] : memref<3x128x256xf32, #tpu.memory_space<vmem>> -> memref<1x128x256xf32, #tpu.memory_space<vmem>>
    %dma_start3A_763 = tpu.memref_squeeze %dma_start3A_762 : memref<1x128x256xf32, #tpu.memory_space<vmem>> -> memref<128x256xf32, #tpu.memory_space<vmem>>
    %dma_start3A_764 = arith.constant 0 : i32
    %dma_start3A_765 = tpu.memref_slice %arg5[%dma_start3A_757, %dma_start3A_764] : memref<16x128xi32, #tpu.memory_space<vmem>> -> memref<1x128xi32, #tpu.memory_space<vmem>>
    %dma_start3A_766 = tpu.memref_squeeze %dma_start3A_765 : memref<1x128xi32, #tpu.memory_space<vmem>> -> memref<128xi32, #tpu.memory_space<vmem>>
    %dma_start3A_767 = arith.constant 0 : i32
    %dma_start3A_768 = arith.constant 0 : i32
    %dma_start3A_769 = tpu.memref_slice %arg3[%dma_start3A_767, %dma_start3A_768] : memref<8192x256xf32, #tpu.memory_space<hbm>> -> memref<8192x256xf32, #tpu.memory_space<hbm>>
    %dma_start3A_770 = tpu.memref_slice %arg7[%dma_start3A_759] : memref<3x!tpu.dma_semaphore, #tpu.memory_space<semaphore_mem>> -> memref<1x!tpu.dma_semaphore, #tpu.memory_space<semaphore_mem>>
    %dma_start3A_771 = tpu.memref_squeeze %dma_start3A_770 : memref<1x!tpu.dma_semaphore, #tpu.memory_space<semaphore_mem>> -> memref<!tpu.dma_semaphore, #tpu.memory_space<semaphore_mem>>
    tpu.enqueue_indirect_dma source(%dma_start3A_769 : memref<8192x256xf32, #tpu.memory_space<hbm>>) target(%dma_start3A_763 : memref<128x256xf32, #tpu.memory_space<vmem>>) offsets(%dma_start3A_766 : memref<128xi32, #tpu.memory_space<vmem>>) semaphore(%dma_start3A_771 : memref<!tpu.dma_semaphore, #tpu.memory_space<semaphore_mem>>)
    %dma_wait3A_772 = arith.constant 10 : i32
    %dma_wait3A_773 = arith.constant 2 : i32
    %dma_wait3A_774 = arith.constant 2 : i32
    %dma_wait3A_775 = arith.constant 0 : i32
    %dma_wait3A_776 = arith.constant 0 : i32
    %dma_wait3A_777 = tpu.memref_slice %arg6[%dma_wait3A_773, %dma_wait3A_775, %dma_wait3A_776] : memref<3x128x256xf32, #tpu.memory_space<vmem>> -> memref<1x128x256xf32, #tpu.memory_space<vmem>>
    %dma_wait3A_778 = tpu.memref_squeeze %dma_wait3A_777 : memref<1x128x256xf32, #tpu.memory_space<vmem>> -> memref<128x256xf32, #tpu.memory_space<vmem>>
    %dma_wait3A_779 = arith.constant 0 : i32
    %dma_wait3A_780 = tpu.memref_slice %arg5[%dma_wait3A_772, %dma_wait3A_779] : memref<16x128xi32, #tpu.memory_space<vmem>> -> memref<1x128xi32, #tpu.memory_space<vmem>>
    %dma_wait3A_781 = tpu.memref_squeeze %dma_wait3A_780 : memref<1x128xi32, #tpu.memory_space<vmem>> -> memref<128xi32, #tpu.memory_space<vmem>>
    %dma_wait3A_782 = arith.constant 0 : i32
    %dma_wait3A_783 = arith.constant 0 : i32
    %dma_wait3A_784 = tpu.memref_slice %arg3[%dma_wait3A_782, %dma_wait3A_783] : memref<8192x256xf32, #tpu.memory_space<hbm>> -> memref<8192x256xf32, #tpu.memory_space<hbm>>
    %dma_wait3A_785 = tpu.memref_slice %arg7[%dma_wait3A_774] : memref<3x!tpu.dma_semaphore, #tpu.memory_space<semaphore_mem>> -> memref<1x!tpu.dma_semaphore, #tpu.memory_space<semaphore_mem>>
    %dma_wait3A_786 = tpu.memref_squeeze %dma_wait3A_785 : memref<1x!tpu.dma_semaphore, #tpu.memory_space<semaphore_mem>> -> memref<!tpu.dma_semaphore, #tpu.memory_space<semaphore_mem>>
    tpu.wait_indirect_dma semaphore(%dma_wait3A_786 : memref<!tpu.dma_semaphore, #tpu.memory_space<semaphore_mem>>) src(%dma_wait3A_784 : memref<8192x256xf32, #tpu.memory_space<hbm>>) dst(%dma_wait3A_778 : memref<128x256xf32, #tpu.memory_space<vmem>>)
    %add3A_787 = arith.constant 1280 : i32
    %add3A_788 = arith.addi %mul3A_2, %add3A_787 : i32
    %add3A_789 = arith.constant 0 : i32
    %add3A_790 = arith.addi %add3A_788, %add3A_789 : i32
    %dma_start3A_791 = arith.constant 2 : i32
    %dma_start3A_792 = arith.constant 2 : i32
    %dma_start3A_793 = arith.constant 0 : i32
    %dma_start3A_794 = arith.constant 0 : i32
    %dma_start3A_795 = tpu.memref_slice %arg6[%dma_start3A_791, %dma_start3A_793, %dma_start3A_794] : memref<3x128x256xf32, #tpu.memory_space<vmem>> -> memref<1x128x256xf32, #tpu.memory_space<vmem>>
    %dma_start3A_796 = tpu.memref_squeeze %dma_start3A_795 : memref<1x128x256xf32, #tpu.memory_space<vmem>> -> memref<128x256xf32, #tpu.memory_space<vmem>>
    %dma_start3A_797 = arith.constant 0 : i32
    %dma_start3A_798 = tpu.memref_slice %arg4[%add3A_790, %dma_start3A_797] : memref<65536x256xf32, #tpu.memory_space<hbm>> -> memref<128x256xf32, #tpu.memory_space<hbm>>
    %dma_start3A_799 = tpu.memref_slice %arg8[%dma_start3A_792] : memref<3x!tpu.dma_semaphore, #tpu.memory_space<semaphore_mem>> -> memref<1x!tpu.dma_semaphore, #tpu.memory_space<semaphore_mem>>
    %dma_start3A_800 = tpu.memref_squeeze %dma_start3A_799 : memref<1x!tpu.dma_semaphore, #tpu.memory_space<semaphore_mem>> -> memref<!tpu.dma_semaphore, #tpu.memory_space<semaphore_mem>>
    %dma_start3A_801 = arith.constant 0 : i32
    %dma_start3A_802 = tpu.memref_slice %arg4[%add3A_790, %dma_start3A_801] : memref<65536x256xf32, #tpu.memory_space<hbm>> -> memref<128x256xf32, #tpu.memory_space<hbm>>
    %dma_start3A_803 = arith.constant 0 : i32
    %dma_start3A_804 = arith.constant 0 : i32
    %dma_start3A_805 = tpu.memref_slice %arg6[%dma_start3A_791, %dma_start3A_803, %dma_start3A_804] : memref<3x128x256xf32, #tpu.memory_space<vmem>> -> memref<1x128x256xf32, #tpu.memory_space<vmem>>
    %dma_start3A_806 = tpu.memref_squeeze %dma_start3A_805 : memref<1x128x256xf32, #tpu.memory_space<vmem>> -> memref<128x256xf32, #tpu.memory_space<vmem>>
    tpu.enqueue_dma source(%dma_start3A_806 : memref<128x256xf32, #tpu.memory_space<vmem>>) target(%dma_start3A_802 : memref<128x256xf32, #tpu.memory_space<hbm>>) target_semaphore(%dma_start3A_800 : memref<!tpu.dma_semaphore, #tpu.memory_space<semaphore_mem>>)
    %dma_wait3A_807 = arith.constant 2 : i32
    %dma_wait3A_808 = arith.constant 2 : i32
    %dma_wait3A_809 = arith.constant 0 : i32
    %dma_wait3A_810 = arith.constant 0 : i32
    %dma_wait3A_811 = tpu.memref_slice %arg6[%dma_wait3A_807, %dma_wait3A_809, %dma_wait3A_810] : memref<3x128x256xf32, #tpu.memory_space<vmem>> -> memref<1x128x256xf32, #tpu.memory_space<vmem>>
    %dma_wait3A_812 = tpu.memref_squeeze %dma_wait3A_811 : memref<1x128x256xf32, #tpu.memory_space<vmem>> -> memref<128x256xf32, #tpu.memory_space<vmem>>
    %dma_wait3A_813 = arith.constant 0 : i32
    %dma_wait3A_814 = tpu.memref_slice %arg4[%add3A_790, %dma_wait3A_813] : memref<65536x256xf32, #tpu.memory_space<hbm>> -> memref<128x256xf32, #tpu.memory_space<hbm>>
    %dma_wait3A_815 = tpu.memref_slice %arg8[%dma_wait3A_808] : memref<3x!tpu.dma_semaphore, #tpu.memory_space<semaphore_mem>> -> memref<1x!tpu.dma_semaphore, #tpu.memory_space<semaphore_mem>>
    %dma_wait3A_816 = tpu.memref_squeeze %dma_wait3A_815 : memref<1x!tpu.dma_semaphore, #tpu.memory_space<semaphore_mem>> -> memref<!tpu.dma_semaphore, #tpu.memory_space<semaphore_mem>>
    %dma_wait3A_817 = arith.constant 0 : i32
    %dma_wait3A_818 = tpu.memref_slice %arg4[%add3A_790, %dma_wait3A_817] : memref<65536x256xf32, #tpu.memory_space<hbm>> -> memref<128x256xf32, #tpu.memory_space<hbm>>
    %dma_wait3A_819 = arith.constant 0 : i32
    %dma_wait3A_820 = arith.constant 0 : i32
    %dma_wait3A_821 = tpu.memref_slice %arg6[%dma_wait3A_807, %dma_wait3A_819, %dma_wait3A_820] : memref<3x128x256xf32, #tpu.memory_space<vmem>> -> memref<1x128x256xf32, #tpu.memory_space<vmem>>
    %dma_wait3A_822 = tpu.memref_squeeze %dma_wait3A_821 : memref<1x128x256xf32, #tpu.memory_space<vmem>> -> memref<128x256xf32, #tpu.memory_space<vmem>>
    tpu.wait_dma2 semaphore(%dma_wait3A_816 : memref<!tpu.dma_semaphore, #tpu.memory_space<semaphore_mem>>) src(%dma_wait3A_822 : memref<128x256xf32, #tpu.memory_space<vmem>>) dst(%dma_wait3A_818 : memref<128x256xf32, #tpu.memory_space<hbm>>)
    %dma_start3A_823 = arith.constant 13 : i32
    %dma_start3A_824 = arith.constant 2 : i32
    %dma_start3A_825 = arith.constant 2 : i32
    %dma_start3A_826 = arith.constant 0 : i32
    %dma_start3A_827 = arith.constant 0 : i32
    %dma_start3A_828 = tpu.memref_slice %arg6[%dma_start3A_824, %dma_start3A_826, %dma_start3A_827] : memref<3x128x256xf32, #tpu.memory_space<vmem>> -> memref<1x128x256xf32, #tpu.memory_space<vmem>>
    %dma_start3A_829 = tpu.memref_squeeze %dma_start3A_828 : memref<1x128x256xf32, #tpu.memory_space<vmem>> -> memref<128x256xf32, #tpu.memory_space<vmem>>
    %dma_start3A_830 = arith.constant 0 : i32
    %dma_start3A_831 = tpu.memref_slice %arg5[%dma_start3A_823, %dma_start3A_830] : memref<16x128xi32, #tpu.memory_space<vmem>> -> memref<1x128xi32, #tpu.memory_space<vmem>>
    %dma_start3A_832 = tpu.memref_squeeze %dma_start3A_831 : memref<1x128xi32, #tpu.memory_space<vmem>> -> memref<128xi32, #tpu.memory_space<vmem>>
    %dma_start3A_833 = arith.constant 0 : i32
    %dma_start3A_834 = arith.constant 0 : i32
    %dma_start3A_835 = tpu.memref_slice %arg3[%dma_start3A_833, %dma_start3A_834] : memref<8192x256xf32, #tpu.memory_space<hbm>> -> memref<8192x256xf32, #tpu.memory_space<hbm>>
    %dma_start3A_836 = tpu.memref_slice %arg7[%dma_start3A_825] : memref<3x!tpu.dma_semaphore, #tpu.memory_space<semaphore_mem>> -> memref<1x!tpu.dma_semaphore, #tpu.memory_space<semaphore_mem>>
    %dma_start3A_837 = tpu.memref_squeeze %dma_start3A_836 : memref<1x!tpu.dma_semaphore, #tpu.memory_space<semaphore_mem>> -> memref<!tpu.dma_semaphore, #tpu.memory_space<semaphore_mem>>
    tpu.enqueue_indirect_dma source(%dma_start3A_835 : memref<8192x256xf32, #tpu.memory_space<hbm>>) target(%dma_start3A_829 : memref<128x256xf32, #tpu.memory_space<vmem>>) offsets(%dma_start3A_832 : memref<128xi32, #tpu.memory_space<vmem>>) semaphore(%dma_start3A_837 : memref<!tpu.dma_semaphore, #tpu.memory_space<semaphore_mem>>)
    %dma_wait3A_838 = arith.constant 11 : i32
    %dma_wait3A_839 = arith.constant 0 : i32
    %dma_wait3A_840 = arith.constant 0 : i32
    %dma_wait3A_841 = arith.constant 0 : i32
    %dma_wait3A_842 = arith.constant 0 : i32
    %dma_wait3A_843 = tpu.memref_slice %arg6[%dma_wait3A_839, %dma_wait3A_841, %dma_wait3A_842] : memref<3x128x256xf32, #tpu.memory_space<vmem>> -> memref<1x128x256xf32, #tpu.memory_space<vmem>>
    %dma_wait3A_844 = tpu.memref_squeeze %dma_wait3A_843 : memref<1x128x256xf32, #tpu.memory_space<vmem>> -> memref<128x256xf32, #tpu.memory_space<vmem>>
    %dma_wait3A_845 = arith.constant 0 : i32
    %dma_wait3A_846 = tpu.memref_slice %arg5[%dma_wait3A_838, %dma_wait3A_845] : memref<16x128xi32, #tpu.memory_space<vmem>> -> memref<1x128xi32, #tpu.memory_space<vmem>>
    %dma_wait3A_847 = tpu.memref_squeeze %dma_wait3A_846 : memref<1x128xi32, #tpu.memory_space<vmem>> -> memref<128xi32, #tpu.memory_space<vmem>>
    %dma_wait3A_848 = arith.constant 0 : i32
    %dma_wait3A_849 = arith.constant 0 : i32
    %dma_wait3A_850 = tpu.memref_slice %arg3[%dma_wait3A_848, %dma_wait3A_849] : memref<8192x256xf32, #tpu.memory_space<hbm>> -> memref<8192x256xf32, #tpu.memory_space<hbm>>
    %dma_wait3A_851 = tpu.memref_slice %arg7[%dma_wait3A_840] : memref<3x!tpu.dma_semaphore, #tpu.memory_space<semaphore_mem>> -> memref<1x!tpu.dma_semaphore, #tpu.memory_space<semaphore_mem>>
    %dma_wait3A_852 = tpu.memref_squeeze %dma_wait3A_851 : memref<1x!tpu.dma_semaphore, #tpu.memory_space<semaphore_mem>> -> memref<!tpu.dma_semaphore, #tpu.memory_space<semaphore_mem>>
    tpu.wait_indirect_dma semaphore(%dma_wait3A_852 : memref<!tpu.dma_semaphore, #tpu.memory_space<semaphore_mem>>) src(%dma_wait3A_850 : memref<8192x256xf32, #tpu.memory_space<hbm>>) dst(%dma_wait3A_844 : memref<128x256xf32, #tpu.memory_space<vmem>>)
    %add3A_853 = arith.constant 1408 : i32
    %add3A_854 = arith.addi %mul3A_2, %add3A_853 : i32
    %add3A_855 = arith.constant 0 : i32
    %add3A_856 = arith.addi %add3A_854, %add3A_855 : i32
    %dma_start3A_857 = arith.constant 0 : i32
    %dma_start3A_858 = arith.constant 0 : i32
    %dma_start3A_859 = arith.constant 0 : i32
    %dma_start3A_860 = arith.constant 0 : i32
    %dma_start3A_861 = tpu.memref_slice %arg6[%dma_start3A_857, %dma_start3A_859, %dma_start3A_860] : memref<3x128x256xf32, #tpu.memory_space<vmem>> -> memref<1x128x256xf32, #tpu.memory_space<vmem>>
    %dma_start3A_862 = tpu.memref_squeeze %dma_start3A_861 : memref<1x128x256xf32, #tpu.memory_space<vmem>> -> memref<128x256xf32, #tpu.memory_space<vmem>>
    %dma_start3A_863 = arith.constant 0 : i32
    %dma_start3A_864 = tpu.memref_slice %arg4[%add3A_856, %dma_start3A_863] : memref<65536x256xf32, #tpu.memory_space<hbm>> -> memref<128x256xf32, #tpu.memory_space<hbm>>
    %dma_start3A_865 = tpu.memref_slice %arg8[%dma_start3A_858] : memref<3x!tpu.dma_semaphore, #tpu.memory_space<semaphore_mem>> -> memref<1x!tpu.dma_semaphore, #tpu.memory_space<semaphore_mem>>
    %dma_start3A_866 = tpu.memref_squeeze %dma_start3A_865 : memref<1x!tpu.dma_semaphore, #tpu.memory_space<semaphore_mem>> -> memref<!tpu.dma_semaphore, #tpu.memory_space<semaphore_mem>>
    %dma_start3A_867 = arith.constant 0 : i32
    %dma_start3A_868 = tpu.memref_slice %arg4[%add3A_856, %dma_start3A_867] : memref<65536x256xf32, #tpu.memory_space<hbm>> -> memref<128x256xf32, #tpu.memory_space<hbm>>
    %dma_start3A_869 = arith.constant 0 : i32
    %dma_start3A_870 = arith.constant 0 : i32
    %dma_start3A_871 = tpu.memref_slice %arg6[%dma_start3A_857, %dma_start3A_869, %dma_start3A_870] : memref<3x128x256xf32, #tpu.memory_space<vmem>> -> memref<1x128x256xf32, #tpu.memory_space<vmem>>
    %dma_start3A_872 = tpu.memref_squeeze %dma_start3A_871 : memref<1x128x256xf32, #tpu.memory_space<vmem>> -> memref<128x256xf32, #tpu.memory_space<vmem>>
    tpu.enqueue_dma source(%dma_start3A_872 : memref<128x256xf32, #tpu.memory_space<vmem>>) target(%dma_start3A_868 : memref<128x256xf32, #tpu.memory_space<hbm>>) target_semaphore(%dma_start3A_866 : memref<!tpu.dma_semaphore, #tpu.memory_space<semaphore_mem>>)
    %dma_wait3A_873 = arith.constant 0 : i32
    %dma_wait3A_874 = arith.constant 0 : i32
    %dma_wait3A_875 = arith.constant 0 : i32
    %dma_wait3A_876 = arith.constant 0 : i32
    %dma_wait3A_877 = tpu.memref_slice %arg6[%dma_wait3A_873, %dma_wait3A_875, %dma_wait3A_876] : memref<3x128x256xf32, #tpu.memory_space<vmem>> -> memref<1x128x256xf32, #tpu.memory_space<vmem>>
    %dma_wait3A_878 = tpu.memref_squeeze %dma_wait3A_877 : memref<1x128x256xf32, #tpu.memory_space<vmem>> -> memref<128x256xf32, #tpu.memory_space<vmem>>
    %dma_wait3A_879 = arith.constant 0 : i32
    %dma_wait3A_880 = tpu.memref_slice %arg4[%add3A_856, %dma_wait3A_879] : memref<65536x256xf32, #tpu.memory_space<hbm>> -> memref<128x256xf32, #tpu.memory_space<hbm>>
    %dma_wait3A_881 = tpu.memref_slice %arg8[%dma_wait3A_874] : memref<3x!tpu.dma_semaphore, #tpu.memory_space<semaphore_mem>> -> memref<1x!tpu.dma_semaphore, #tpu.memory_space<semaphore_mem>>
    %dma_wait3A_882 = tpu.memref_squeeze %dma_wait3A_881 : memref<1x!tpu.dma_semaphore, #tpu.memory_space<semaphore_mem>> -> memref<!tpu.dma_semaphore, #tpu.memory_space<semaphore_mem>>
    %dma_wait3A_883 = arith.constant 0 : i32
    %dma_wait3A_884 = tpu.memref_slice %arg4[%add3A_856, %dma_wait3A_883] : memref<65536x256xf32, #tpu.memory_space<hbm>> -> memref<128x256xf32, #tpu.memory_space<hbm>>
    %dma_wait3A_885 = arith.constant 0 : i32
    %dma_wait3A_886 = arith.constant 0 : i32
    %dma_wait3A_887 = tpu.memref_slice %arg6[%dma_wait3A_873, %dma_wait3A_885, %dma_wait3A_886] : memref<3x128x256xf32, #tpu.memory_space<vmem>> -> memref<1x128x256xf32, #tpu.memory_space<vmem>>
    %dma_wait3A_888 = tpu.memref_squeeze %dma_wait3A_887 : memref<1x128x256xf32, #tpu.memory_space<vmem>> -> memref<128x256xf32, #tpu.memory_space<vmem>>
    tpu.wait_dma2 semaphore(%dma_wait3A_882 : memref<!tpu.dma_semaphore, #tpu.memory_space<semaphore_mem>>) src(%dma_wait3A_888 : memref<128x256xf32, #tpu.memory_space<vmem>>) dst(%dma_wait3A_884 : memref<128x256xf32, #tpu.memory_space<hbm>>)
    %dma_start3A_889 = arith.constant 14 : i32
    %dma_start3A_890 = arith.constant 0 : i32
    %dma_start3A_891 = arith.constant 0 : i32
    %dma_start3A_892 = arith.constant 0 : i32
    %dma_start3A_893 = arith.constant 0 : i32
    %dma_start3A_894 = tpu.memref_slice %arg6[%dma_start3A_890, %dma_start3A_892, %dma_start3A_893] : memref<3x128x256xf32, #tpu.memory_space<vmem>> -> memref<1x128x256xf32, #tpu.memory_space<vmem>>
    %dma_start3A_895 = tpu.memref_squeeze %dma_start3A_894 : memref<1x128x256xf32, #tpu.memory_space<vmem>> -> memref<128x256xf32, #tpu.memory_space<vmem>>
    %dma_start3A_896 = arith.constant 0 : i32
    %dma_start3A_897 = tpu.memref_slice %arg5[%dma_start3A_889, %dma_start3A_896] : memref<16x128xi32, #tpu.memory_space<vmem>> -> memref<1x128xi32, #tpu.memory_space<vmem>>
    %dma_start3A_898 = tpu.memref_squeeze %dma_start3A_897 : memref<1x128xi32, #tpu.memory_space<vmem>> -> memref<128xi32, #tpu.memory_space<vmem>>
    %dma_start3A_899 = arith.constant 0 : i32
    %dma_start3A_900 = arith.constant 0 : i32
    %dma_start3A_901 = tpu.memref_slice %arg3[%dma_start3A_899, %dma_start3A_900] : memref<8192x256xf32, #tpu.memory_space<hbm>> -> memref<8192x256xf32, #tpu.memory_space<hbm>>
    %dma_start3A_902 = tpu.memref_slice %arg7[%dma_start3A_891] : memref<3x!tpu.dma_semaphore, #tpu.memory_space<semaphore_mem>> -> memref<1x!tpu.dma_semaphore, #tpu.memory_space<semaphore_mem>>
    %dma_start3A_903 = tpu.memref_squeeze %dma_start3A_902 : memref<1x!tpu.dma_semaphore, #tpu.memory_space<semaphore_mem>> -> memref<!tpu.dma_semaphore, #tpu.memory_space<semaphore_mem>>
    tpu.enqueue_indirect_dma source(%dma_start3A_901 : memref<8192x256xf32, #tpu.memory_space<hbm>>) target(%dma_start3A_895 : memref<128x256xf32, #tpu.memory_space<vmem>>) offsets(%dma_start3A_898 : memref<128xi32, #tpu.memory_space<vmem>>) semaphore(%dma_start3A_903 : memref<!tpu.dma_semaphore, #tpu.memory_space<semaphore_mem>>)
    %dma_wait3A_904 = arith.constant 12 : i32
    %dma_wait3A_905 = arith.constant 1 : i32
    %dma_wait3A_906 = arith.constant 1 : i32
    %dma_wait3A_907 = arith.constant 0 : i32
    %dma_wait3A_908 = arith.constant 0 : i32
    %dma_wait3A_909 = tpu.memref_slice %arg6[%dma_wait3A_905, %dma_wait3A_907, %dma_wait3A_908] : memref<3x128x256xf32, #tpu.memory_space<vmem>> -> memref<1x128x256xf32, #tpu.memory_space<vmem>>
    %dma_wait3A_910 = tpu.memref_squeeze %dma_wait3A_909 : memref<1x128x256xf32, #tpu.memory_space<vmem>> -> memref<128x256xf32, #tpu.memory_space<vmem>>
    %dma_wait3A_911 = arith.constant 0 : i32
    %dma_wait3A_912 = tpu.memref_slice %arg5[%dma_wait3A_904, %dma_wait3A_911] : memref<16x128xi32, #tpu.memory_space<vmem>> -> memref<1x128xi32, #tpu.memory_space<vmem>>
    %dma_wait3A_913 = tpu.memref_squeeze %dma_wait3A_912 : memref<1x128xi32, #tpu.memory_space<vmem>> -> memref<128xi32, #tpu.memory_space<vmem>>
    %dma_wait3A_914 = arith.constant 0 : i32
    %dma_wait3A_915 = arith.constant 0 : i32
    %dma_wait3A_916 = tpu.memref_slice %arg3[%dma_wait3A_914, %dma_wait3A_915] : memref<8192x256xf32, #tpu.memory_space<hbm>> -> memref<8192x256xf32, #tpu.memory_space<hbm>>
    %dma_wait3A_917 = tpu.memref_slice %arg7[%dma_wait3A_906] : memref<3x!tpu.dma_semaphore, #tpu.memory_space<semaphore_mem>> -> memref<1x!tpu.dma_semaphore, #tpu.memory_space<semaphore_mem>>
    %dma_wait3A_918 = tpu.memref_squeeze %dma_wait3A_917 : memref<1x!tpu.dma_semaphore, #tpu.memory_space<semaphore_mem>> -> memref<!tpu.dma_semaphore, #tpu.memory_space<semaphore_mem>>
    tpu.wait_indirect_dma semaphore(%dma_wait3A_918 : memref<!tpu.dma_semaphore, #tpu.memory_space<semaphore_mem>>) src(%dma_wait3A_916 : memref<8192x256xf32, #tpu.memory_space<hbm>>) dst(%dma_wait3A_910 : memref<128x256xf32, #tpu.memory_space<vmem>>)
    %add3A_919 = arith.constant 1536 : i32
    %add3A_920 = arith.addi %mul3A_2, %add3A_919 : i32
    %add3A_921 = arith.constant 0 : i32
    %add3A_922 = arith.addi %add3A_920, %add3A_921 : i32
    %dma_start3A_923 = arith.constant 1 : i32
    %dma_start3A_924 = arith.constant 1 : i32
    %dma_start3A_925 = arith.constant 0 : i32
    %dma_start3A_926 = arith.constant 0 : i32
    %dma_start3A_927 = tpu.memref_slice %arg6[%dma_start3A_923, %dma_start3A_925, %dma_start3A_926] : memref<3x128x256xf32, #tpu.memory_space<vmem>> -> memref<1x128x256xf32, #tpu.memory_space<vmem>>
    %dma_start3A_928 = tpu.memref_squeeze %dma_start3A_927 : memref<1x128x256xf32, #tpu.memory_space<vmem>> -> memref<128x256xf32, #tpu.memory_space<vmem>>
    %dma_start3A_929 = arith.constant 0 : i32
    %dma_start3A_930 = tpu.memref_slice %arg4[%add3A_922, %dma_start3A_929] : memref<65536x256xf32, #tpu.memory_space<hbm>> -> memref<128x256xf32, #tpu.memory_space<hbm>>
    %dma_start3A_931 = tpu.memref_slice %arg8[%dma_start3A_924] : memref<3x!tpu.dma_semaphore, #tpu.memory_space<semaphore_mem>> -> memref<1x!tpu.dma_semaphore, #tpu.memory_space<semaphore_mem>>
    %dma_start3A_932 = tpu.memref_squeeze %dma_start3A_931 : memref<1x!tpu.dma_semaphore, #tpu.memory_space<semaphore_mem>> -> memref<!tpu.dma_semaphore, #tpu.memory_space<semaphore_mem>>
    %dma_start3A_933 = arith.constant 0 : i32
    %dma_start3A_934 = tpu.memref_slice %arg4[%add3A_922, %dma_start3A_933] : memref<65536x256xf32, #tpu.memory_space<hbm>> -> memref<128x256xf32, #tpu.memory_space<hbm>>
    %dma_start3A_935 = arith.constant 0 : i32
    %dma_start3A_936 = arith.constant 0 : i32
    %dma_start3A_937 = tpu.memref_slice %arg6[%dma_start3A_923, %dma_start3A_935, %dma_start3A_936] : memref<3x128x256xf32, #tpu.memory_space<vmem>> -> memref<1x128x256xf32, #tpu.memory_space<vmem>>
    %dma_start3A_938 = tpu.memref_squeeze %dma_start3A_937 : memref<1x128x256xf32, #tpu.memory_space<vmem>> -> memref<128x256xf32, #tpu.memory_space<vmem>>
    tpu.enqueue_dma source(%dma_start3A_938 : memref<128x256xf32, #tpu.memory_space<vmem>>) target(%dma_start3A_934 : memref<128x256xf32, #tpu.memory_space<hbm>>) target_semaphore(%dma_start3A_932 : memref<!tpu.dma_semaphore, #tpu.memory_space<semaphore_mem>>)
    %dma_wait3A_939 = arith.constant 1 : i32
    %dma_wait3A_940 = arith.constant 1 : i32
    %dma_wait3A_941 = arith.constant 0 : i32
    %dma_wait3A_942 = arith.constant 0 : i32
    %dma_wait3A_943 = tpu.memref_slice %arg6[%dma_wait3A_939, %dma_wait3A_941, %dma_wait3A_942] : memref<3x128x256xf32, #tpu.memory_space<vmem>> -> memref<1x128x256xf32, #tpu.memory_space<vmem>>
    %dma_wait3A_944 = tpu.memref_squeeze %dma_wait3A_943 : memref<1x128x256xf32, #tpu.memory_space<vmem>> -> memref<128x256xf32, #tpu.memory_space<vmem>>
    %dma_wait3A_945 = arith.constant 0 : i32
    %dma_wait3A_946 = tpu.memref_slice %arg4[%add3A_922, %dma_wait3A_945] : memref<65536x256xf32, #tpu.memory_space<hbm>> -> memref<128x256xf32, #tpu.memory_space<hbm>>
    %dma_wait3A_947 = tpu.memref_slice %arg8[%dma_wait3A_940] : memref<3x!tpu.dma_semaphore, #tpu.memory_space<semaphore_mem>> -> memref<1x!tpu.dma_semaphore, #tpu.memory_space<semaphore_mem>>
    %dma_wait3A_948 = tpu.memref_squeeze %dma_wait3A_947 : memref<1x!tpu.dma_semaphore, #tpu.memory_space<semaphore_mem>> -> memref<!tpu.dma_semaphore, #tpu.memory_space<semaphore_mem>>
    %dma_wait3A_949 = arith.constant 0 : i32
    %dma_wait3A_950 = tpu.memref_slice %arg4[%add3A_922, %dma_wait3A_949] : memref<65536x256xf32, #tpu.memory_space<hbm>> -> memref<128x256xf32, #tpu.memory_space<hbm>>
    %dma_wait3A_951 = arith.constant 0 : i32
    %dma_wait3A_952 = arith.constant 0 : i32
    %dma_wait3A_953 = tpu.memref_slice %arg6[%dma_wait3A_939, %dma_wait3A_951, %dma_wait3A_952] : memref<3x128x256xf32, #tpu.memory_space<vmem>> -> memref<1x128x256xf32, #tpu.memory_space<vmem>>
    %dma_wait3A_954 = tpu.memref_squeeze %dma_wait3A_953 : memref<1x128x256xf32, #tpu.memory_space<vmem>> -> memref<128x256xf32, #tpu.memory_space<vmem>>
    tpu.wait_dma2 semaphore(%dma_wait3A_948 : memref<!tpu.dma_semaphore, #tpu.memory_space<semaphore_mem>>) src(%dma_wait3A_954 : memref<128x256xf32, #tpu.memory_space<vmem>>) dst(%dma_wait3A_950 : memref<128x256xf32, #tpu.memory_space<hbm>>)
    %dma_start3A_955 = arith.constant 15 : i32
    %dma_start3A_956 = arith.constant 1 : i32
    %dma_start3A_957 = arith.constant 1 : i32
    %dma_start3A_958 = arith.constant 0 : i32
    %dma_start3A_959 = arith.constant 0 : i32
    %dma_start3A_960 = tpu.memref_slice %arg6[%dma_start3A_956, %dma_start3A_958, %dma_start3A_959] : memref<3x128x256xf32, #tpu.memory_space<vmem>> -> memref<1x64x256xf32, #tpu.memory_space<vmem>>
    %dma_start3A_961 = tpu.memref_squeeze %dma_start3A_960 : memref<1x64x256xf32, #tpu.memory_space<vmem>> -> memref<64x256xf32, #tpu.memory_space<vmem>>
    %dma_start3A_962 = arith.constant 0 : i32
    %dma_start3A_963 = tpu.memref_slice %arg5[%dma_start3A_955, %dma_start3A_962] : memref<16x128xi32, #tpu.memory_space<vmem>> -> memref<1x64xi32, #tpu.memory_space<vmem>>
    %dma_start3A_964 = tpu.memref_squeeze %dma_start3A_963 : memref<1x64xi32, #tpu.memory_space<vmem>> -> memref<64xi32, #tpu.memory_space<vmem>>
    %dma_start3A_965 = arith.constant 0 : i32
    %dma_start3A_966 = arith.constant 0 : i32
    %dma_start3A_967 = tpu.memref_slice %arg3[%dma_start3A_965, %dma_start3A_966] : memref<8192x256xf32, #tpu.memory_space<hbm>> -> memref<8192x256xf32, #tpu.memory_space<hbm>>
    %dma_start3A_968 = tpu.memref_slice %arg7[%dma_start3A_957] : memref<3x!tpu.dma_semaphore, #tpu.memory_space<semaphore_mem>> -> memref<1x!tpu.dma_semaphore, #tpu.memory_space<semaphore_mem>>
    %dma_start3A_969 = tpu.memref_squeeze %dma_start3A_968 : memref<1x!tpu.dma_semaphore, #tpu.memory_space<semaphore_mem>> -> memref<!tpu.dma_semaphore, #tpu.memory_space<semaphore_mem>>
    tpu.enqueue_indirect_dma source(%dma_start3A_967 : memref<8192x256xf32, #tpu.memory_space<hbm>>) target(%dma_start3A_961 : memref<64x256xf32, #tpu.memory_space<vmem>>) offsets(%dma_start3A_964 : memref<64xi32, #tpu.memory_space<vmem>>) semaphore(%dma_start3A_969 : memref<!tpu.dma_semaphore, #tpu.memory_space<semaphore_mem>>)
    %dma_wait3A_970 = arith.constant 13 : i32
    %dma_wait3A_971 = arith.constant 2 : i32
    %dma_wait3A_972 = arith.constant 2 : i32
    %dma_wait3A_973 = arith.constant 0 : i32
    %dma_wait3A_974 = arith.constant 0 : i32
    %dma_wait3A_975 = tpu.memref_slice %arg6[%dma_wait3A_971, %dma_wait3A_973, %dma_wait3A_974] : memref<3x128x256xf32, #tpu.memory_space<vmem>> -> memref<1x128x256xf32, #tpu.memory_space<vmem>>
    %dma_wait3A_976 = tpu.memref_squeeze %dma_wait3A_975 : memref<1x128x256xf32, #tpu.memory_space<vmem>> -> memref<128x256xf32, #tpu.memory_space<vmem>>
    %dma_wait3A_977 = arith.constant 0 : i32
    %dma_wait3A_978 = tpu.memref_slice %arg5[%dma_wait3A_970, %dma_wait3A_977] : memref<16x128xi32, #tpu.memory_space<vmem>> -> memref<1x128xi32, #tpu.memory_space<vmem>>
    %dma_wait3A_979 = tpu.memref_squeeze %dma_wait3A_978 : memref<1x128xi32, #tpu.memory_space<vmem>> -> memref<128xi32, #tpu.memory_space<vmem>>
    %dma_wait3A_980 = arith.constant 0 : i32
    %dma_wait3A_981 = arith.constant 0 : i32
    %dma_wait3A_982 = tpu.memref_slice %arg3[%dma_wait3A_980, %dma_wait3A_981] : memref<8192x256xf32, #tpu.memory_space<hbm>> -> memref<8192x256xf32, #tpu.memory_space<hbm>>
    %dma_wait3A_983 = tpu.memref_slice %arg7[%dma_wait3A_972] : memref<3x!tpu.dma_semaphore, #tpu.memory_space<semaphore_mem>> -> memref<1x!tpu.dma_semaphore, #tpu.memory_space<semaphore_mem>>
    %dma_wait3A_984 = tpu.memref_squeeze %dma_wait3A_983 : memref<1x!tpu.dma_semaphore, #tpu.memory_space<semaphore_mem>> -> memref<!tpu.dma_semaphore, #tpu.memory_space<semaphore_mem>>
    tpu.wait_indirect_dma semaphore(%dma_wait3A_984 : memref<!tpu.dma_semaphore, #tpu.memory_space<semaphore_mem>>) src(%dma_wait3A_982 : memref<8192x256xf32, #tpu.memory_space<hbm>>) dst(%dma_wait3A_976 : memref<128x256xf32, #tpu.memory_space<vmem>>)
    %add3A_985 = arith.constant 1664 : i32
    %add3A_986 = arith.addi %mul3A_2, %add3A_985 : i32
    %add3A_987 = arith.constant 0 : i32
    %add3A_988 = arith.addi %add3A_986, %add3A_987 : i32
    %dma_start3A_989 = arith.constant 2 : i32
    %dma_start3A_990 = arith.constant 2 : i32
    %dma_start3A_991 = arith.constant 0 : i32
    %dma_start3A_992 = arith.constant 0 : i32
    %dma_start3A_993 = tpu.memref_slice %arg6[%dma_start3A_989, %dma_start3A_991, %dma_start3A_992] : memref<3x128x256xf32, #tpu.memory_space<vmem>> -> memref<1x128x256xf32, #tpu.memory_space<vmem>>
    %dma_start3A_994 = tpu.memref_squeeze %dma_start3A_993 : memref<1x128x256xf32, #tpu.memory_space<vmem>> -> memref<128x256xf32, #tpu.memory_space<vmem>>
    %dma_start3A_995 = arith.constant 0 : i32
    %dma_start3A_996 = tpu.memref_slice %arg4[%add3A_988, %dma_start3A_995] : memref<65536x256xf32, #tpu.memory_space<hbm>> -> memref<128x256xf32, #tpu.memory_space<hbm>>
    %dma_start3A_997 = tpu.memref_slice %arg8[%dma_start3A_990] : memref<3x!tpu.dma_semaphore, #tpu.memory_space<semaphore_mem>> -> memref<1x!tpu.dma_semaphore, #tpu.memory_space<semaphore_mem>>
    %dma_start3A_998 = tpu.memref_squeeze %dma_start3A_997 : memref<1x!tpu.dma_semaphore, #tpu.memory_space<semaphore_mem>> -> memref<!tpu.dma_semaphore, #tpu.memory_space<semaphore_mem>>
    %dma_start3A_999 = arith.constant 0 : i32
    %dma_start3A_1000 = tpu.memref_slice %arg4[%add3A_988, %dma_start3A_999] : memref<65536x256xf32, #tpu.memory_space<hbm>> -> memref<128x256xf32, #tpu.memory_space<hbm>>
    %dma_start3A_1001 = arith.constant 0 : i32
    %dma_start3A_1002 = arith.constant 0 : i32
    %dma_start3A_1003 = tpu.memref_slice %arg6[%dma_start3A_989, %dma_start3A_1001, %dma_start3A_1002] : memref<3x128x256xf32, #tpu.memory_space<vmem>> -> memref<1x128x256xf32, #tpu.memory_space<vmem>>
    %dma_start3A_1004 = tpu.memref_squeeze %dma_start3A_1003 : memref<1x128x256xf32, #tpu.memory_space<vmem>> -> memref<128x256xf32, #tpu.memory_space<vmem>>
    tpu.enqueue_dma source(%dma_start3A_1004 : memref<128x256xf32, #tpu.memory_space<vmem>>) target(%dma_start3A_1000 : memref<128x256xf32, #tpu.memory_space<hbm>>) target_semaphore(%dma_start3A_998 : memref<!tpu.dma_semaphore, #tpu.memory_space<semaphore_mem>>)
    %dma_wait3A_1005 = arith.constant 2 : i32
    %dma_wait3A_1006 = arith.constant 2 : i32
    %dma_wait3A_1007 = arith.constant 0 : i32
    %dma_wait3A_1008 = arith.constant 0 : i32
    %dma_wait3A_1009 = tpu.memref_slice %arg6[%dma_wait3A_1005, %dma_wait3A_1007, %dma_wait3A_1008] : memref<3x128x256xf32, #tpu.memory_space<vmem>> -> memref<1x128x256xf32, #tpu.memory_space<vmem>>
    %dma_wait3A_1010 = tpu.memref_squeeze %dma_wait3A_1009 : memref<1x128x256xf32, #tpu.memory_space<vmem>> -> memref<128x256xf32, #tpu.memory_space<vmem>>
    %dma_wait3A_1011 = arith.constant 0 : i32
    %dma_wait3A_1012 = tpu.memref_slice %arg4[%add3A_988, %dma_wait3A_1011] : memref<65536x256xf32, #tpu.memory_space<hbm>> -> memref<128x256xf32, #tpu.memory_space<hbm>>
    %dma_wait3A_1013 = tpu.memref_slice %arg8[%dma_wait3A_1006] : memref<3x!tpu.dma_semaphore, #tpu.memory_space<semaphore_mem>> -> memref<1x!tpu.dma_semaphore, #tpu.memory_space<semaphore_mem>>
    %dma_wait3A_1014 = tpu.memref_squeeze %dma_wait3A_1013 : memref<1x!tpu.dma_semaphore, #tpu.memory_space<semaphore_mem>> -> memref<!tpu.dma_semaphore, #tpu.memory_space<semaphore_mem>>
    %dma_wait3A_1015 = arith.constant 0 : i32
    %dma_wait3A_1016 = tpu.memref_slice %arg4[%add3A_988, %dma_wait3A_1015] : memref<65536x256xf32, #tpu.memory_space<hbm>> -> memref<128x256xf32, #tpu.memory_space<hbm>>
    %dma_wait3A_1017 = arith.constant 0 : i32
    %dma_wait3A_1018 = arith.constant 0 : i32
    %dma_wait3A_1019 = tpu.memref_slice %arg6[%dma_wait3A_1005, %dma_wait3A_1017, %dma_wait3A_1018] : memref<3x128x256xf32, #tpu.memory_space<vmem>> -> memref<1x128x256xf32, #tpu.memory_space<vmem>>
    %dma_wait3A_1020 = tpu.memref_squeeze %dma_wait3A_1019 : memref<1x128x256xf32, #tpu.memory_space<vmem>> -> memref<128x256xf32, #tpu.memory_space<vmem>>
    tpu.wait_dma2 semaphore(%dma_wait3A_1014 : memref<!tpu.dma_semaphore, #tpu.memory_space<semaphore_mem>>) src(%dma_wait3A_1020 : memref<128x256xf32, #tpu.memory_space<vmem>>) dst(%dma_wait3A_1016 : memref<128x256xf32, #tpu.memory_space<hbm>>)
    %dma_start3A_1021 = arith.constant 15 : i32
    %dma_start3A_1022 = arith.constant 2 : i32
    %dma_start3A_1023 = arith.constant 2 : i32
    %dma_start3A_1024 = arith.constant 0 : i32
    %dma_start3A_1025 = arith.constant 0 : i32
    %dma_start3A_1026 = tpu.memref_slice %arg6[%dma_start3A_1022, %dma_start3A_1024, %dma_start3A_1025] : memref<3x128x256xf32, #tpu.memory_space<vmem>> -> memref<1x64x256xf32, #tpu.memory_space<vmem>>
    %dma_start3A_1027 = tpu.memref_squeeze %dma_start3A_1026 : memref<1x64x256xf32, #tpu.memory_space<vmem>> -> memref<64x256xf32, #tpu.memory_space<vmem>>
    %dma_start3A_1028 = arith.constant 64 : i32
    %dma_start3A_1029 = tpu.memref_slice %arg5[%dma_start3A_1021, %dma_start3A_1028] : memref<16x128xi32, #tpu.memory_space<vmem>> -> memref<1x64xi32, #tpu.memory_space<vmem>>
    %dma_start3A_1030 = tpu.memref_squeeze %dma_start3A_1029 : memref<1x64xi32, #tpu.memory_space<vmem>> -> memref<64xi32, #tpu.memory_space<vmem>>
    %dma_start3A_1031 = arith.constant 0 : i32
    %dma_start3A_1032 = arith.constant 0 : i32
    %dma_start3A_1033 = tpu.memref_slice %arg3[%dma_start3A_1031, %dma_start3A_1032] : memref<8192x256xf32, #tpu.memory_space<hbm>> -> memref<8192x256xf32, #tpu.memory_space<hbm>>
    %dma_start3A_1034 = tpu.memref_slice %arg7[%dma_start3A_1023] : memref<3x!tpu.dma_semaphore, #tpu.memory_space<semaphore_mem>> -> memref<1x!tpu.dma_semaphore, #tpu.memory_space<semaphore_mem>>
    %dma_start3A_1035 = tpu.memref_squeeze %dma_start3A_1034 : memref<1x!tpu.dma_semaphore, #tpu.memory_space<semaphore_mem>> -> memref<!tpu.dma_semaphore, #tpu.memory_space<semaphore_mem>>
    tpu.enqueue_indirect_dma source(%dma_start3A_1033 : memref<8192x256xf32, #tpu.memory_space<hbm>>) target(%dma_start3A_1027 : memref<64x256xf32, #tpu.memory_space<vmem>>) offsets(%dma_start3A_1030 : memref<64xi32, #tpu.memory_space<vmem>>) semaphore(%dma_start3A_1035 : memref<!tpu.dma_semaphore, #tpu.memory_space<semaphore_mem>>)
    %dma_wait3A_1036 = arith.constant 14 : i32
    %dma_wait3A_1037 = arith.constant 0 : i32
    %dma_wait3A_1038 = arith.constant 0 : i32
    %dma_wait3A_1039 = arith.constant 0 : i32
    %dma_wait3A_1040 = arith.constant 0 : i32
    %dma_wait3A_1041 = tpu.memref_slice %arg6[%dma_wait3A_1037, %dma_wait3A_1039, %dma_wait3A_1040] : memref<3x128x256xf32, #tpu.memory_space<vmem>> -> memref<1x128x256xf32, #tpu.memory_space<vmem>>
    %dma_wait3A_1042 = tpu.memref_squeeze %dma_wait3A_1041 : memref<1x128x256xf32, #tpu.memory_space<vmem>> -> memref<128x256xf32, #tpu.memory_space<vmem>>
    %dma_wait3A_1043 = arith.constant 0 : i32
    %dma_wait3A_1044 = tpu.memref_slice %arg5[%dma_wait3A_1036, %dma_wait3A_1043] : memref<16x128xi32, #tpu.memory_space<vmem>> -> memref<1x128xi32, #tpu.memory_space<vmem>>
    %dma_wait3A_1045 = tpu.memref_squeeze %dma_wait3A_1044 : memref<1x128xi32, #tpu.memory_space<vmem>> -> memref<128xi32, #tpu.memory_space<vmem>>
    %dma_wait3A_1046 = arith.constant 0 : i32
    %dma_wait3A_1047 = arith.constant 0 : i32
    %dma_wait3A_1048 = tpu.memref_slice %arg3[%dma_wait3A_1046, %dma_wait3A_1047] : memref<8192x256xf32, #tpu.memory_space<hbm>> -> memref<8192x256xf32, #tpu.memory_space<hbm>>
    %dma_wait3A_1049 = tpu.memref_slice %arg7[%dma_wait3A_1038] : memref<3x!tpu.dma_semaphore, #tpu.memory_space<semaphore_mem>> -> memref<1x!tpu.dma_semaphore, #tpu.memory_space<semaphore_mem>>
    %dma_wait3A_1050 = tpu.memref_squeeze %dma_wait3A_1049 : memref<1x!tpu.dma_semaphore, #tpu.memory_space<semaphore_mem>> -> memref<!tpu.dma_semaphore, #tpu.memory_space<semaphore_mem>>
    tpu.wait_indirect_dma semaphore(%dma_wait3A_1050 : memref<!tpu.dma_semaphore, #tpu.memory_space<semaphore_mem>>) src(%dma_wait3A_1048 : memref<8192x256xf32, #tpu.memory_space<hbm>>) dst(%dma_wait3A_1042 : memref<128x256xf32, #tpu.memory_space<vmem>>)
    %add3A_1051 = arith.constant 1792 : i32
    %add3A_1052 = arith.addi %mul3A_2, %add3A_1051 : i32
    %add3A_1053 = arith.constant 0 : i32
    %add3A_1054 = arith.addi %add3A_1052, %add3A_1053 : i32
    %dma_start3A_1055 = arith.constant 0 : i32
    %dma_start3A_1056 = arith.constant 0 : i32
    %dma_start3A_1057 = arith.constant 0 : i32
    %dma_start3A_1058 = arith.constant 0 : i32
    %dma_start3A_1059 = tpu.memref_slice %arg6[%dma_start3A_1055, %dma_start3A_1057, %dma_start3A_1058] : memref<3x128x256xf32, #tpu.memory_space<vmem>> -> memref<1x128x256xf32, #tpu.memory_space<vmem>>
    %dma_start3A_1060 = tpu.memref_squeeze %dma_start3A_1059 : memref<1x128x256xf32, #tpu.memory_space<vmem>> -> memref<128x256xf32, #tpu.memory_space<vmem>>
    %dma_start3A_1061 = arith.constant 0 : i32
    %dma_start3A_1062 = tpu.memref_slice %arg4[%add3A_1054, %dma_start3A_1061] : memref<65536x256xf32, #tpu.memory_space<hbm>> -> memref<128x256xf32, #tpu.memory_space<hbm>>
    %dma_start3A_1063 = tpu.memref_slice %arg8[%dma_start3A_1056] : memref<3x!tpu.dma_semaphore, #tpu.memory_space<semaphore_mem>> -> memref<1x!tpu.dma_semaphore, #tpu.memory_space<semaphore_mem>>
    %dma_start3A_1064 = tpu.memref_squeeze %dma_start3A_1063 : memref<1x!tpu.dma_semaphore, #tpu.memory_space<semaphore_mem>> -> memref<!tpu.dma_semaphore, #tpu.memory_space<semaphore_mem>>
    %dma_start3A_1065 = arith.constant 0 : i32
    %dma_start3A_1066 = tpu.memref_slice %arg4[%add3A_1054, %dma_start3A_1065] : memref<65536x256xf32, #tpu.memory_space<hbm>> -> memref<128x256xf32, #tpu.memory_space<hbm>>
    %dma_start3A_1067 = arith.constant 0 : i32
    %dma_start3A_1068 = arith.constant 0 : i32
    %dma_start3A_1069 = tpu.memref_slice %arg6[%dma_start3A_1055, %dma_start3A_1067, %dma_start3A_1068] : memref<3x128x256xf32, #tpu.memory_space<vmem>> -> memref<1x128x256xf32, #tpu.memory_space<vmem>>
    %dma_start3A_1070 = tpu.memref_squeeze %dma_start3A_1069 : memref<1x128x256xf32, #tpu.memory_space<vmem>> -> memref<128x256xf32, #tpu.memory_space<vmem>>
    tpu.enqueue_dma source(%dma_start3A_1070 : memref<128x256xf32, #tpu.memory_space<vmem>>) target(%dma_start3A_1066 : memref<128x256xf32, #tpu.memory_space<hbm>>) target_semaphore(%dma_start3A_1064 : memref<!tpu.dma_semaphore, #tpu.memory_space<semaphore_mem>>)
    %dma_wait3A_1071 = arith.constant 15 : i32
    %dma_wait3A_1072 = arith.constant 1 : i32
    %dma_wait3A_1073 = arith.constant 1 : i32
    %dma_wait3A_1074 = arith.constant 0 : i32
    %dma_wait3A_1075 = arith.constant 0 : i32
    %dma_wait3A_1076 = tpu.memref_slice %arg6[%dma_wait3A_1072, %dma_wait3A_1074, %dma_wait3A_1075] : memref<3x128x256xf32, #tpu.memory_space<vmem>> -> memref<1x64x256xf32, #tpu.memory_space<vmem>>
    %dma_wait3A_1077 = tpu.memref_squeeze %dma_wait3A_1076 : memref<1x64x256xf32, #tpu.memory_space<vmem>> -> memref<64x256xf32, #tpu.memory_space<vmem>>
    %dma_wait3A_1078 = arith.constant 0 : i32
    %dma_wait3A_1079 = tpu.memref_slice %arg5[%dma_wait3A_1071, %dma_wait3A_1078] : memref<16x128xi32, #tpu.memory_space<vmem>> -> memref<1x64xi32, #tpu.memory_space<vmem>>
    %dma_wait3A_1080 = tpu.memref_squeeze %dma_wait3A_1079 : memref<1x64xi32, #tpu.memory_space<vmem>> -> memref<64xi32, #tpu.memory_space<vmem>>
    %dma_wait3A_1081 = arith.constant 0 : i32
    %dma_wait3A_1082 = arith.constant 0 : i32
    %dma_wait3A_1083 = tpu.memref_slice %arg3[%dma_wait3A_1081, %dma_wait3A_1082] : memref<8192x256xf32, #tpu.memory_space<hbm>> -> memref<8192x256xf32, #tpu.memory_space<hbm>>
    %dma_wait3A_1084 = tpu.memref_slice %arg7[%dma_wait3A_1073] : memref<3x!tpu.dma_semaphore, #tpu.memory_space<semaphore_mem>> -> memref<1x!tpu.dma_semaphore, #tpu.memory_space<semaphore_mem>>
    %dma_wait3A_1085 = tpu.memref_squeeze %dma_wait3A_1084 : memref<1x!tpu.dma_semaphore, #tpu.memory_space<semaphore_mem>> -> memref<!tpu.dma_semaphore, #tpu.memory_space<semaphore_mem>>
    tpu.wait_indirect_dma semaphore(%dma_wait3A_1085 : memref<!tpu.dma_semaphore, #tpu.memory_space<semaphore_mem>>) src(%dma_wait3A_1083 : memref<8192x256xf32, #tpu.memory_space<hbm>>) dst(%dma_wait3A_1077 : memref<64x256xf32, #tpu.memory_space<vmem>>)
    %add3A_1086 = arith.constant 1920 : i32
    %add3A_1087 = arith.addi %mul3A_2, %add3A_1086 : i32
    %add3A_1088 = arith.constant 0 : i32
    %add3A_1089 = arith.addi %add3A_1087, %add3A_1088 : i32
    %dma_start3A_1090 = arith.constant 1 : i32
    %dma_start3A_1091 = arith.constant 1 : i32
    %dma_start3A_1092 = arith.constant 0 : i32
    %dma_start3A_1093 = arith.constant 0 : i32
    %dma_start3A_1094 = tpu.memref_slice %arg6[%dma_start3A_1090, %dma_start3A_1092, %dma_start3A_1093] : memref<3x128x256xf32, #tpu.memory_space<vmem>> -> memref<1x64x256xf32, #tpu.memory_space<vmem>>
    %dma_start3A_1095 = tpu.memref_squeeze %dma_start3A_1094 : memref<1x64x256xf32, #tpu.memory_space<vmem>> -> memref<64x256xf32, #tpu.memory_space<vmem>>
    %dma_start3A_1096 = arith.constant 0 : i32
    %dma_start3A_1097 = tpu.memref_slice %arg4[%add3A_1089, %dma_start3A_1096] : memref<65536x256xf32, #tpu.memory_space<hbm>> -> memref<64x256xf32, #tpu.memory_space<hbm>>
    %dma_start3A_1098 = tpu.memref_slice %arg8[%dma_start3A_1091] : memref<3x!tpu.dma_semaphore, #tpu.memory_space<semaphore_mem>> -> memref<1x!tpu.dma_semaphore, #tpu.memory_space<semaphore_mem>>
    %dma_start3A_1099 = tpu.memref_squeeze %dma_start3A_1098 : memref<1x!tpu.dma_semaphore, #tpu.memory_space<semaphore_mem>> -> memref<!tpu.dma_semaphore, #tpu.memory_space<semaphore_mem>>
    %dma_start3A_1100 = arith.constant 0 : i32
    %dma_start3A_1101 = tpu.memref_slice %arg4[%add3A_1089, %dma_start3A_1100] : memref<65536x256xf32, #tpu.memory_space<hbm>> -> memref<64x256xf32, #tpu.memory_space<hbm>>
    %dma_start3A_1102 = arith.constant 0 : i32
    %dma_start3A_1103 = arith.constant 0 : i32
    %dma_start3A_1104 = tpu.memref_slice %arg6[%dma_start3A_1090, %dma_start3A_1102, %dma_start3A_1103] : memref<3x128x256xf32, #tpu.memory_space<vmem>> -> memref<1x64x256xf32, #tpu.memory_space<vmem>>
    %dma_start3A_1105 = tpu.memref_squeeze %dma_start3A_1104 : memref<1x64x256xf32, #tpu.memory_space<vmem>> -> memref<64x256xf32, #tpu.memory_space<vmem>>
    tpu.enqueue_dma source(%dma_start3A_1105 : memref<64x256xf32, #tpu.memory_space<vmem>>) target(%dma_start3A_1101 : memref<64x256xf32, #tpu.memory_space<hbm>>) target_semaphore(%dma_start3A_1099 : memref<!tpu.dma_semaphore, #tpu.memory_space<semaphore_mem>>)
    %dma_wait3A_1106 = arith.constant 15 : i32
    %dma_wait3A_1107 = arith.constant 2 : i32
    %dma_wait3A_1108 = arith.constant 2 : i32
    %dma_wait3A_1109 = arith.constant 0 : i32
    %dma_wait3A_1110 = arith.constant 0 : i32
    %dma_wait3A_1111 = tpu.memref_slice %arg6[%dma_wait3A_1107, %dma_wait3A_1109, %dma_wait3A_1110] : memref<3x128x256xf32, #tpu.memory_space<vmem>> -> memref<1x64x256xf32, #tpu.memory_space<vmem>>
    %dma_wait3A_1112 = tpu.memref_squeeze %dma_wait3A_1111 : memref<1x64x256xf32, #tpu.memory_space<vmem>> -> memref<64x256xf32, #tpu.memory_space<vmem>>
    %dma_wait3A_1113 = arith.constant 64 : i32
    %dma_wait3A_1114 = tpu.memref_slice %arg5[%dma_wait3A_1106, %dma_wait3A_1113] : memref<16x128xi32, #tpu.memory_space<vmem>> -> memref<1x64xi32, #tpu.memory_space<vmem>>
    %dma_wait3A_1115 = tpu.memref_squeeze %dma_wait3A_1114 : memref<1x64xi32, #tpu.memory_space<vmem>> -> memref<64xi32, #tpu.memory_space<vmem>>
    %dma_wait3A_1116 = arith.constant 0 : i32
    %dma_wait3A_1117 = arith.constant 0 : i32
    %dma_wait3A_1118 = tpu.memref_slice %arg3[%dma_wait3A_1116, %dma_wait3A_1117] : memref<8192x256xf32, #tpu.memory_space<hbm>> -> memref<8192x256xf32, #tpu.memory_space<hbm>>
    %dma_wait3A_1119 = tpu.memref_slice %arg7[%dma_wait3A_1108] : memref<3x!tpu.dma_semaphore, #tpu.memory_space<semaphore_mem>> -> memref<1x!tpu.dma_semaphore, #tpu.memory_space<semaphore_mem>>
    %dma_wait3A_1120 = tpu.memref_squeeze %dma_wait3A_1119 : memref<1x!tpu.dma_semaphore, #tpu.memory_space<semaphore_mem>> -> memref<!tpu.dma_semaphore, #tpu.memory_space<semaphore_mem>>
    tpu.wait_indirect_dma semaphore(%dma_wait3A_1120 : memref<!tpu.dma_semaphore, #tpu.memory_space<semaphore_mem>>) src(%dma_wait3A_1118 : memref<8192x256xf32, #tpu.memory_space<hbm>>) dst(%dma_wait3A_1112 : memref<64x256xf32, #tpu.memory_space<vmem>>)
    %add3A_1121 = arith.constant 1920 : i32
    %add3A_1122 = arith.addi %mul3A_2, %add3A_1121 : i32
    %add3A_1123 = arith.constant 64 : i32
    %add3A_1124 = arith.addi %add3A_1122, %add3A_1123 : i32
    %dma_start3A_1125 = arith.constant 2 : i32
    %dma_start3A_1126 = arith.constant 2 : i32
    %dma_start3A_1127 = arith.constant 0 : i32
    %dma_start3A_1128 = arith.constant 0 : i32
    %dma_start3A_1129 = tpu.memref_slice %arg6[%dma_start3A_1125, %dma_start3A_1127, %dma_start3A_1128] : memref<3x128x256xf32, #tpu.memory_space<vmem>> -> memref<1x64x256xf32, #tpu.memory_space<vmem>>
    %dma_start3A_1130 = tpu.memref_squeeze %dma_start3A_1129 : memref<1x64x256xf32, #tpu.memory_space<vmem>> -> memref<64x256xf32, #tpu.memory_space<vmem>>
    %dma_start3A_1131 = arith.constant 0 : i32
    %dma_start3A_1132 = tpu.memref_slice %arg4[%add3A_1124, %dma_start3A_1131] : memref<65536x256xf32, #tpu.memory_space<hbm>> -> memref<64x256xf32, #tpu.memory_space<hbm>>
    %dma_start3A_1133 = tpu.memref_slice %arg8[%dma_start3A_1126] : memref<3x!tpu.dma_semaphore, #tpu.memory_space<semaphore_mem>> -> memref<1x!tpu.dma_semaphore, #tpu.memory_space<semaphore_mem>>
    %dma_start3A_1134 = tpu.memref_squeeze %dma_start3A_1133 : memref<1x!tpu.dma_semaphore, #tpu.memory_space<semaphore_mem>> -> memref<!tpu.dma_semaphore, #tpu.memory_space<semaphore_mem>>
    %dma_start3A_1135 = arith.constant 0 : i32
    %dma_start3A_1136 = tpu.memref_slice %arg4[%add3A_1124, %dma_start3A_1135] : memref<65536x256xf32, #tpu.memory_space<hbm>> -> memref<64x256xf32, #tpu.memory_space<hbm>>
    %dma_start3A_1137 = arith.constant 0 : i32
    %dma_start3A_1138 = arith.constant 0 : i32
    %dma_start3A_1139 = tpu.memref_slice %arg6[%dma_start3A_1125, %dma_start3A_1137, %dma_start3A_1138] : memref<3x128x256xf32, #tpu.memory_space<vmem>> -> memref<1x64x256xf32, #tpu.memory_space<vmem>>
    %dma_start3A_1140 = tpu.memref_squeeze %dma_start3A_1139 : memref<1x64x256xf32, #tpu.memory_space<vmem>> -> memref<64x256xf32, #tpu.memory_space<vmem>>
    tpu.enqueue_dma source(%dma_start3A_1140 : memref<64x256xf32, #tpu.memory_space<vmem>>) target(%dma_start3A_1136 : memref<64x256xf32, #tpu.memory_space<hbm>>) target_semaphore(%dma_start3A_1134 : memref<!tpu.dma_semaphore, #tpu.memory_space<semaphore_mem>>)
    %dma_wait3A_1141 = arith.constant 0 : i32
    %dma_wait3A_1142 = arith.constant 0 : i32
    %dma_wait3A_1143 = arith.constant 0 : i32
    %dma_wait3A_1144 = arith.constant 0 : i32
    %dma_wait3A_1145 = tpu.memref_slice %arg6[%dma_wait3A_1141, %dma_wait3A_1143, %dma_wait3A_1144] : memref<3x128x256xf32, #tpu.memory_space<vmem>> -> memref<1x128x256xf32, #tpu.memory_space<vmem>>
    %dma_wait3A_1146 = tpu.memref_squeeze %dma_wait3A_1145 : memref<1x128x256xf32, #tpu.memory_space<vmem>> -> memref<128x256xf32, #tpu.memory_space<vmem>>
    %dma_wait3A_1147 = arith.constant 0 : i32
    %dma_wait3A_1148 = tpu.memref_slice %arg4[%add3A_1054, %dma_wait3A_1147] : memref<65536x256xf32, #tpu.memory_space<hbm>> -> memref<128x256xf32, #tpu.memory_space<hbm>>
    %dma_wait3A_1149 = tpu.memref_slice %arg8[%dma_wait3A_1142] : memref<3x!tpu.dma_semaphore, #tpu.memory_space<semaphore_mem>> -> memref<1x!tpu.dma_semaphore, #tpu.memory_space<semaphore_mem>>
    %dma_wait3A_1150 = tpu.memref_squeeze %dma_wait3A_1149 : memref<1x!tpu.dma_semaphore, #tpu.memory_space<semaphore_mem>> -> memref<!tpu.dma_semaphore, #tpu.memory_space<semaphore_mem>>
    %dma_wait3A_1151 = arith.constant 0 : i32
    %dma_wait3A_1152 = tpu.memref_slice %arg4[%add3A_1054, %dma_wait3A_1151] : memref<65536x256xf32, #tpu.memory_space<hbm>> -> memref<128x256xf32, #tpu.memory_space<hbm>>
    %dma_wait3A_1153 = arith.constant 0 : i32
    %dma_wait3A_1154 = arith.constant 0 : i32
    %dma_wait3A_1155 = tpu.memref_slice %arg6[%dma_wait3A_1141, %dma_wait3A_1153, %dma_wait3A_1154] : memref<3x128x256xf32, #tpu.memory_space<vmem>> -> memref<1x128x256xf32, #tpu.memory_space<vmem>>
    %dma_wait3A_1156 = tpu.memref_squeeze %dma_wait3A_1155 : memref<1x128x256xf32, #tpu.memory_space<vmem>> -> memref<128x256xf32, #tpu.memory_space<vmem>>
    tpu.wait_dma2 semaphore(%dma_wait3A_1150 : memref<!tpu.dma_semaphore, #tpu.memory_space<semaphore_mem>>) src(%dma_wait3A_1156 : memref<128x256xf32, #tpu.memory_space<vmem>>) dst(%dma_wait3A_1152 : memref<128x256xf32, #tpu.memory_space<hbm>>)
    %dma_wait3A_1157 = arith.constant 1 : i32
    %dma_wait3A_1158 = arith.constant 1 : i32
    %dma_wait3A_1159 = arith.constant 0 : i32
    %dma_wait3A_1160 = arith.constant 0 : i32
    %dma_wait3A_1161 = tpu.memref_slice %arg6[%dma_wait3A_1157, %dma_wait3A_1159, %dma_wait3A_1160] : memref<3x128x256xf32, #tpu.memory_space<vmem>> -> memref<1x64x256xf32, #tpu.memory_space<vmem>>
    %dma_wait3A_1162 = tpu.memref_squeeze %dma_wait3A_1161 : memref<1x64x256xf32, #tpu.memory_space<vmem>> -> memref<64x256xf32, #tpu.memory_space<vmem>>
    %dma_wait3A_1163 = arith.constant 0 : i32
    %dma_wait3A_1164 = tpu.memref_slice %arg4[%add3A_1089, %dma_wait3A_1163] : memref<65536x256xf32, #tpu.memory_space<hbm>> -> memref<64x256xf32, #tpu.memory_space<hbm>>
    %dma_wait3A_1165 = tpu.memref_slice %arg8[%dma_wait3A_1158] : memref<3x!tpu.dma_semaphore, #tpu.memory_space<semaphore_mem>> -> memref<1x!tpu.dma_semaphore, #tpu.memory_space<semaphore_mem>>
    %dma_wait3A_1166 = tpu.memref_squeeze %dma_wait3A_1165 : memref<1x!tpu.dma_semaphore, #tpu.memory_space<semaphore_mem>> -> memref<!tpu.dma_semaphore, #tpu.memory_space<semaphore_mem>>
    %dma_wait3A_1167 = arith.constant 0 : i32
    %dma_wait3A_1168 = tpu.memref_slice %arg4[%add3A_1089, %dma_wait3A_1167] : memref<65536x256xf32, #tpu.memory_space<hbm>> -> memref<64x256xf32, #tpu.memory_space<hbm>>
    %dma_wait3A_1169 = arith.constant 0 : i32
    %dma_wait3A_1170 = arith.constant 0 : i32
    %dma_wait3A_1171 = tpu.memref_slice %arg6[%dma_wait3A_1157, %dma_wait3A_1169, %dma_wait3A_1170] : memref<3x128x256xf32, #tpu.memory_space<vmem>> -> memref<1x64x256xf32, #tpu.memory_space<vmem>>
    %dma_wait3A_1172 = tpu.memref_squeeze %dma_wait3A_1171 : memref<1x64x256xf32, #tpu.memory_space<vmem>> -> memref<64x256xf32, #tpu.memory_space<vmem>>
    tpu.wait_dma2 semaphore(%dma_wait3A_1166 : memref<!tpu.dma_semaphore, #tpu.memory_space<semaphore_mem>>) src(%dma_wait3A_1172 : memref<64x256xf32, #tpu.memory_space<vmem>>) dst(%dma_wait3A_1168 : memref<64x256xf32, #tpu.memory_space<hbm>>)
    %dma_wait3A_1173 = arith.constant 2 : i32
    %dma_wait3A_1174 = arith.constant 2 : i32
    %dma_wait3A_1175 = arith.constant 0 : i32
    %dma_wait3A_1176 = arith.constant 0 : i32
    %dma_wait3A_1177 = tpu.memref_slice %arg6[%dma_wait3A_1173, %dma_wait3A_1175, %dma_wait3A_1176] : memref<3x128x256xf32, #tpu.memory_space<vmem>> -> memref<1x64x256xf32, #tpu.memory_space<vmem>>
    %dma_wait3A_1178 = tpu.memref_squeeze %dma_wait3A_1177 : memref<1x64x256xf32, #tpu.memory_space<vmem>> -> memref<64x256xf32, #tpu.memory_space<vmem>>
    %dma_wait3A_1179 = arith.constant 0 : i32
    %dma_wait3A_1180 = tpu.memref_slice %arg4[%add3A_1124, %dma_wait3A_1179] : memref<65536x256xf32, #tpu.memory_space<hbm>> -> memref<64x256xf32, #tpu.memory_space<hbm>>
    %dma_wait3A_1181 = tpu.memref_slice %arg8[%dma_wait3A_1174] : memref<3x!tpu.dma_semaphore, #tpu.memory_space<semaphore_mem>> -> memref<1x!tpu.dma_semaphore, #tpu.memory_space<semaphore_mem>>
    %dma_wait3A_1182 = tpu.memref_squeeze %dma_wait3A_1181 : memref<1x!tpu.dma_semaphore, #tpu.memory_space<semaphore_mem>> -> memref<!tpu.dma_semaphore, #tpu.memory_space<semaphore_mem>>
    %dma_wait3A_1183 = arith.constant 0 : i32
    %dma_wait3A_1184 = tpu.memref_slice %arg4[%add3A_1124, %dma_wait3A_1183] : memref<65536x256xf32, #tpu.memory_space<hbm>> -> memref<64x256xf32, #tpu.memory_space<hbm>>
    %dma_wait3A_1185 = arith.constant 0 : i32
    %dma_wait3A_1186 = arith.constant 0 : i32
    %dma_wait3A_1187 = tpu.memref_slice %arg6[%dma_wait3A_1173, %dma_wait3A_1185, %dma_wait3A_1186] : memref<3x128x256xf32, #tpu.memory_space<vmem>> -> memref<1x64x256xf32, #tpu.memory_space<vmem>>
    %dma_wait3A_1188 = tpu.memref_squeeze %dma_wait3A_1187 : memref<1x64x256xf32, #tpu.memory_space<vmem>> -> memref<64x256xf32, #tpu.memory_space<vmem>>
    tpu.wait_dma2 semaphore(%dma_wait3A_1182 : memref<!tpu.dma_semaphore, #tpu.memory_space<semaphore_mem>>) src(%dma_wait3A_1188 : memref<64x256xf32, #tpu.memory_space<vmem>>) dst(%dma_wait3A_1184 : memref<64x256xf32, #tpu.memory_space<hbm>>)
    return
  }
}

</mosaic_0001>

<sc_bundles>
// kernel: kernel.3.cloned.1.call-start
scs
__scs_entry_jumppad:
0x0: {  	(pc) =	sbr.rel $0x88, $3  }
0x1: {  	(tag) =	ssettag $0x0;
	lr =	simm.s32 $0x1  }
0x2: {  	[smem:$0x3F9F] =	sst lr;
	_ =	strace $0xD0000000  }
0x3: {  	_ = 	snop  }
0x4: {  	_ = 	snop  }
0x5: {  	_ = 	snop  }
0x6: {  	_ = 	snop  }
0x7: {  	_ = 	snop  }
__scs_overlays_trampoline_lowered:
0x8: {  	[smem:$0x3FAE] =	sst s0  }
0x9: {  	[smem:$0x3FAF] =	sst s1  }
0xa: {  	[smem:$0x3FB0] =	sst s2  }
0xb: {  	[smem:$0x3FB1] =	sst s3  }
0xc: {  	[smem:$0x3FB2] =	sst s4  }
0xd: {  	[smem:$0x3FB3] =	sst s5  }
0xe: {  	[smem:$0x3FB4] =	sst s6  }
0xf: {  	[smem:$0x3FB5] =	sst s7  }
0x10: {  	[smem:$0x3FB6] =	sst s8  }
0x11: {  	[smem:$0x3FB7] =	sst s9;
	s0 =	simm.s32 @!p0 $0x0  }
0x12: {  	s1 =	sld [smem:$0x3F9D];
	s0 =	simm.s32 @p0 $0x1  }
0x13: {  	[smem:$0x3FB8] =	sst s0;
	s0 =	simm.s32 @!p1 $0x0  }
0x14: {  	s2 =	sld [smem:$0x3F9C];
	s0 =	simm.s32 @p1 $0x1  }
0x15: {  	[smem:$0x3FB9] =	sst s0;
	s0 =	simm.s32 @!p2 $0x0  }
0x16: {  	s3 =	sld [smem:$0x3FDB];
	s0 =	simm.s32 @p2 $0x1  }
0x17: {  	s4 =	simm.s32 $0x1BF5;
	[smem:$0x3FBB] =	sst s0  }
0x18: {  	s0 =	sld [smem:$0x3F9E];
	_ =	swait.ge [sflag:s4], $0x0  }
0x19: {  	s7 =	sld [smem:$0x3F9F]  }
0x1a: {  	s8 =	sadd.s32 $0xFFFFE003, lr  }
0x1b: {  	s9 =	sadd.s32 $0xFFFFFEF7, lr;
	s5 =	simm.s32 $0xFFFFFFFF;
	p2 =	slt.u32 s8, $0xFFFFF086  }
0x1c: {  	p1 =	slt.u32 s9, $0xF7A;
	s5 =	simm.s32 @!p2 $0x0  }
0x1d: {  	s5 =	simm.s32 @p1 $0x1;
	p0 =	seq.s32 s7, s2  }
0x1e: {  	s7 =	smul.u32 @!p0 $0xF7A, s2;
	p2 =	seq.s32 @!p0 s5, $0x0  }
0x1f: {  	s9 =	smul.u32 $0xF7A, s1;
	s8 =	simm.s32 @!p0 $0x1BF5;
	p2 =	por !p2, p0  }
0x20: {  	[sflag:s8] =	ssyncset.s32 @!p0 $0xFFFFF086;
	s6 =	sadd.s32 @!p0 s3, s7;
	s7 =	simm.s32 @!p0 $0x108  }
0x21: {  	s3 =	sadd.s32 s3, s9;
	s6 =	sadd.s32 @!p0 $0x88, s6;
	s7 =	simm.s32 @p2 $0x1082  }
0x22: {  	[simem:s7], [sflag:s8] =	dma.local @!p0 [hbm:s6], $0xF7A  }
0x23: {  	s9 =	sor.u32 $0xD0000000, s2;
	s6 =	simm.s32 $0x108;
	_ =	swait.ge @!p0 [sflag:s8], $0x0  }
0x24: {  	s3 =	sadd.s32 $0x88, s3;
	s6 =	simm.s32 @!p1 $0x1082;
	[sflag:s4] =	ssyncset.s32 $0xFFFFF086  }
0x25: {  	[simem:s6], [sflag:s4] =	dma.local [hbm:s3], $0xF7A  }
0x26: {  	[smem:$0x3F9F] =	sst s1;
	(tag) =	ssettag s2;
	_ =	strace s9  }
0x27: {  	s1 =	sld [smem:$0x3FAF]  }
0x28: {  	s2 =	sld [smem:$0x3FB0]  }
0x29: {  	s4 =	sld [smem:$0x3FB2]  }
0x2a: {  	p0 =	seq.s32 s5, $0x0;
	s5 =	sld [smem:$0x3FB3]  }
0x2b: {  	s6 =	sld [smem:$0x3FB4]  }
0x2c: {  	s7 =	sld [smem:$0x3FB5]  }
0x2d: {  	s3 =	simm.s32 $0x108;
	s8 =	sld [smem:$0x3FB6]  }
0x2e: {  	s3 =	simm.s32 @!p0 $0x1082;
	s9 =	sld [smem:$0x3FB7]  }
0x2f: {  	lr =	sadd.s32 s0, s3;
	s0 =	sld [smem:$0x3FAE]  }
0x30: {  	s3 =	sld [smem:$0x3FB1]  }
0x31: {  	[smem:$0x3FBA] =	sst s10  }
0x32: {  	s10 =	sld [smem:$0x3FB8];
	_ =	sdelay $0x3  }
0x33: {  	p0 =	seq.s32 s10, $0x1;
	s10 =	sld [smem:$0x3FBA];
	_ =	sdelay $0x3  }
0x34: {  	[smem:$0x3FBA] =	sst s10  }
0x35: {  	s10 =	sld [smem:$0x3FB9];
	_ =	sdelay $0x3  }
0x36: {  	p1 =	seq.s32 s10, $0x1;
	s10 =	sld [smem:$0x3FBA];
	_ =	sdelay $0x3  }
0x37: {  	[smem:$0x3FBA] =	sst s10  }
0x38: {  	s10 =	sld [smem:$0x3FBB]  }
0x39: {  	_ = 	snop;
	(pc) =	sbr.ind lr, $3  }
0x3a: {  	_ = 	snop  }
0x3b: {  	_ = 	snop  }
0x3c: {  	p2 =	seq.s32 s10, $0x1;
	s10 =	sld [smem:$0x3FBA]  }
0x3d: {  	_ =	shalt  }
0x3e: {  	_ =	shalt  }
0x3f: {  	_ =	shalt  }
0x40: {  	_ =	shalt  }
0x41: {  	_ =	shalt  }
0x42: {  	_ =	shalt  }
0x43: {  	_ =	shalt  }
0x44: {  	_ =	shalt  }
0x45: {  	_ =	shalt  }
0x46: {  	_ =	shalt  }
0x47: {  	_ =	shalt  }
0x48: {  	_ =	shalt  }
0x49: {  	_ =	shalt  }
0x4a: {  	_ =	shalt  }
0x4b: {  	_ =	shalt  }
0x4c: {  	_ =	shalt  }
0x4d: {  	_ =	shalt  }
0x4e: {  	_ =	shalt  }
0x4f: {  	_ =	shalt  }
0x50: {  	_ =	shalt  }
0x51: {  	_ =	shalt  }
0x52: {  	_ =	shalt  }
0x53: {  	_ =	shalt  }
0x54: {  	_ =	shalt  }
0x55: {  	_ =	shalt  }
0x56: {  	_ =	shalt  }
0x57: {  	_ =	shalt  }
0x58: {  	_ =	shalt  }
0x59: {  	_ =	shalt  }
0x5a: {  	_ =	shalt  }
0x5b: {  	_ =	shalt  }
0x5c: {  	_ =	shalt  }
0x5d: {  	_ =	shalt  }
0x5e: {  	_ =	shalt  }
0x5f: {  	_ =	shalt  }
0x60: {  	_ =	shalt  }
0x61: {  	_ =	shalt  }
0x62: {  	_ =	shalt  }
0x63: {  	_ =	shalt  }
0x64: {  	_ =	shalt  }
0x65: {  	_ =	shalt  }
0x66: {  	_ =	shalt  }
0x67: {  	_ =	shalt  }
0x68: {  	_ =	shalt  }
0x69: {  	_ =	shalt  }
0x6a: {  	_ =	shalt  }
0x6b: {  	_ =	shalt  }
0x6c: {  	_ =	shalt  }
0x6d: {  	_ =	shalt  }
0x6e: {  	_ =	shalt  }
0x6f: {  	_ =	shalt  }
0x70: {  	_ =	shalt  }
0x71: {  	_ =	shalt  }
0x72: {  	_ =	shalt  }
0x73: {  	_ =	shalt  }
0x74: {  	_ =	shalt  }
0x75: {  	_ =	shalt  }
0x76: {  	_ =	shalt  }
0x77: {  	_ =	shalt  }
0x78: {  	_ =	shalt  }
0x79: {  	_ =	shalt  }
0x7a: {  	_ =	shalt  }
0x7b: {  	_ =	shalt  }
0x7c: {  	_ =	shalt  }
0x7d: {  	_ =	shalt  }
0x7e: {  	_ =	shalt  }
0x7f: {  	_ =	shalt  }
0x80: {  	_ =	shalt  }
0x81: {  	_ =	shalt  }
0x82: {  	_ =	shalt  }
0x83: {  	_ =	shalt  }
0x84: {  	_ =	shalt  }
0x85: {  	_ =	shalt  }
0x86: {  	_ =	shalt  }
0x87: {  	_ =	shalt  }
.Lfunc_end0:
.L_simem_size_0:
called_computation_lowered:
.L_overlay_start_0:
0x88: {  	s2 =	sld [smem:$0x3FD9]  }
0x89: {  	s3 =	sld [smem:$0x3FFE];
	_ =	sdelay $0x1  }
0x8a: {  	s1 =	srdreg.scid  }
0x8b: {  	s0 =	sand.u32 $0x1, s1  }
0x8c: {  	s17 =	sshll.u32 s0, $0xA;
	s2 =	sadd.s32 s3, s2  }
0x8d: {  	s2 =	sadd.s32 s2, s17  }
0x8e: {  	[smem:$0x3FC6] =	sst s2  }
0x8f: {  	_ = 	snop  }
0x90: {  	s2 =	sld [smem:$0x3FC8]  }
0x91: {  	s18 =	sld [smem:$0x3FD0];
	(tm) =	ssettm $0x1  }
0x92: {  	s4 =	sld [smem:$0x3FFB];
	_ =	sdelay $0x3  }
0x93: {  	_ =	strace s4  }
0x94: {  	s4 =	sld [smem:$0x3FFC];
	_ =	sdelay $0x3  }
0x95: {  	_ =	strace s4  }
0x96: {  	s4 =	sld [smem:$0x3FFD];
	_ =	sdelay $0x3  }
0x97: {  	_ =	strace s4  }
0x98: {  	_ =	strace $0x8FFFFFFF  }
0x99: {  	s19 =	sld [smem:$0x3FDB];
	_ =	sdelay $0x1  }
0x9a: {  	s5 =	simm.s32 $_scs_section_size  }
0x9b: {  	s6 =	simm.s32 $_size__tile_overlayer_lowered;
	s7 =	simm.s32 $_tile_overlayer_lowered  }
0x9c: {  	s22 =	simm.s32 $0x1BFF;
	s21 =	sshll.u32 s7, $0x1;
	s4 =	sadd.s32 s5, s19  }
0x9d: {  	s8 =	simm.s32 $0x0;
	s20 =	sshll.u32 s6, $0x1;
	s6 =	sadd.s32 s21, s4  }
0x9e: {  	[timem:s8], [sflag:s22] =	dma.local [hbm:s6], s20  }
0x9f: {  	_ =	swait.ge [sflag:s22], s20  }
0xa0: {  	s5 =	ssub.s32 $0x0, s20;
	[sflag:s22] =	ssyncset.done $0x0  }
0xa1: {  	[sflag:s22] =	ssyncadd.s32 s5;
	_ =	sdelay $0x1  }
0xa2: {  	s23 =	simm.s32 $0x1B8B  }
0xa3: {  	_ =	swait.ge [sflag:s23], $0x1  }
0xa4: {  	[sflag:s23] =	ssyncset.done $0x0  }
0xa5: {  	s25 =	simm.s32 $0x1B8E;
	s24 =	sld [smem:$0x3FFE];
	[sflag:s23] =	ssyncadd.s32 $0xFFFFFFFF  }
0xa6: {  	s26 =	simm.s32 $execute0_lowered;
	[smem:$0x3FD2] =	sst s25  }
0xa7: {  	s6 =	sshll.u32 s26, $0x1;
	_ =	strace $0x80000046;
	[dreg:$0x1] =	wrdreg $0xFFFFFFFF  }
0xa8: {  	s28 =	simm.s32 $_size_execute0_lowered;
	s4 =	sadd.s32 s4, s6;
	[dreg:$0x0] =	wrdreg $0x0  }
0xa9: {  	s6 =	sshll.u32 s28, $0x1;
	[dreg:$0x2] =	wrdreg s4  }
0xaa: {  	[dreg:$0x3] =	wrdreg s6  }
0xab: {  	[dreg:$0x4] =	wrdreg $0xC0  }
0xac: {  	_ =	task [dreg:s8], $0x5FFFF  }
0xad: {  	[dreg:$0x1] =	wrdreg $0xFFFFFFFF  }
0xae: {  	[dreg:$0x0] =	wrdreg $0x60  }
0xaf: {  	[dreg:$0x2] =	wrdreg s24  }
0xb0: {  	[dreg:$0x3] =	wrdreg s2  }
0xb1: {  	[dreg:$0x4] =	wrdreg s18  }
0xb2: {  	[dreg:$0x5] =	wrdreg $0x9  }
0xb3: {  	_ =	task.clear_ibuf [dreg:s8], $0x6FFFF;
	_ =	strace $0x90000046  }
0xb4: {  	s29 =	simm.s32 $0x9;
	_ =	strace $0x80000048  }
0xb5: {  	_ =	swait.ge [sflag:s29], $0x1  }
0xb6: {  	[sflag:s29] =	ssyncadd.s32 $0xFFFFFFFF  }
0xb7: {  	_ =	strace $0x90000048  }
0xb8: {  	_ =	sfence  }
0xb9: {  	s30 =	sld [smem:$0x0];
	_ =	sdelay $0x2  }
0xba: {  	s31 =	sshll.u32 s1, $0xD;
	s1 =	sshrl.u32 s1, $0x2  }
0xbb: {  	s3 =	sand.u32 $0x4000, s31;
	s1 =	sadd.s32 s1, s30  }
0xbc: {  	s0 =	sor.u32 s3, s0;
	s1 =	sshll.u32 s1, $0x11  }
0xbd: {  	s0 =	sor.u32 s1, s0  }
0xbe: {  	s0 =	sadd.s32 $0x8F2B, s0  }
0xbf: {  	[sflag:s0] =	ssyncadd.remote.s32 $0x1  }
0xc0: {  	_ =	sfence.sel $0xFFFF  }
0xc1: {  	[dreg:$0x0] =	wrdreg $0xFFFFFFFF;
	(pc) =	sbr.abs _section_cstart, $3  }
0xc2: {  	[dreg:$0x1] =	wrdreg $0xFFFFFFFF  }
0xc3: {  	_ =	task.clear_ibuf [dreg:s8], $0x2FFFF;
	_ =	strace $0x9FFFFFFF  }
0xc4: {  	(tm) =	ssettm $0x7FFFFFFF  }
0xc5: {  	_ =	shalt  }
tec
execute0_lowered:
.L_overlay_start_1:
0x0: {  	(tag) =	ssettag $0x1  }
0x1: {  	s0 =	rddreg [dreg:$0x0]  }
0x2: {  	s1 =	rddreg [dreg:$0x1]  }
0x3: {  	s2 =	rddreg [dreg:$0x2];
	s4 =	srdreg.scid  }
0x4: {  	s3 =	simm.s32 $0x0;
	s5 =	stileid.u32;
	s4 =	sand.u32 $0x1, s4  }
0x5: {  	s31 =	simm.s32 $0x400;
	s5 =	sshll.u32 s5, $0xC;
	s6 =	sshll.u32 s4, $0xB  }
0x6: {  	[smem:$0x7FF] =	sst s3;
	s0 =	sadd.s32 $0x400, s0;
	s5 =	sor.u32 s6, s5  }
0x7: {  	_ =	strace $0x80000047;
	[dreg:$0x17] =	wrdreg s31;
	s6 =	sshrl.u32 s5, $0x3  }
0x8: {  	s7 =	sor.u32 $0x400, s5;
	s5 =	sshll.u32 s5, $0x5;
	s6 =	sadd.s32 s0, s6  }
0x9: {  	s8 =	sshrl.u32 s7, $0x3;
	s10 =	sadd.s32 s2, s5;
	[dreg:$0x4] =	wrdreg s6  }
0xa: {  	s0 =	sadd.s32 s0, s8;
	[dreg:$0x18] =	wrdreg s10  }
0xb: {  	s11 =	sadd.s32 $0x800, s10;
	[dreg:$0x5] =	wrdreg s0  }
0xc: {  	s12 =	sadd.s32 $0x1000, s10;
	[dreg:$0x6] =	wrdreg s11  }
0xd: {  	s13 =	sadd.s32 $0x2000, s10;
	[dreg:$0x7] =	wrdreg s12  }
0xe: {  	s14 =	sadd.s32 $0x3000, s10;
	[dreg:$0x8] =	wrdreg s13  }
0xf: {  	s15 =	sadd.s32 $0x4000, s10;
	[dreg:$0x9] =	wrdreg s14  }
0x10: {  	s16 =	sadd.s32 $0x5000, s10;
	[dreg:$0xa] =	wrdreg s15  }
0x11: {  	s17 =	sadd.s32 $0x6000, s10;
	[dreg:$0xb] =	wrdreg s16  }
0x12: {  	s19 =	sshll.u32 s7, $0x5;
	s18 =	sadd.s32 $0x7000, s10;
	[dreg:$0xc] =	wrdreg s17  }
0x13: {  	s20 =	sadd.s32 s2, s19;
	[dreg:$0xd] =	wrdreg s18  }
0x14: {  	s21 =	sadd.s32 $0x9000, s10;
	[dreg:$0xe] =	wrdreg s20  }
0x15: {  	s22 =	sadd.s32 $0xA000, s10;
	[dreg:$0xf] =	wrdreg s21  }
0x16: {  	s23 =	sadd.s32 $0xB000, s10;
	[dreg:$0x10] =	wrdreg s22  }
0x17: {  	s9 =	simm.s32 $0x6;
	s24 =	sadd.s32 $0xC000, s10;
	[dreg:$0x11] =	wrdreg s23  }
0x18: {  	s26 =	ssub.s32 $0x2, s4;
	s25 =	sadd.s32 $0xD000, s10;
	[dreg:$0x12] =	wrdreg s24  }
0x19: {  	s4 =	sshrl.u32 s26, $0x1;
	s28 =	sadd.s32 $0xE000, s10;
	[dreg:$0x13] =	wrdreg s25  }
0x1a: {  	s29 =	sadd.s32 $0xF000, s10;
	s2 =	ssub.s32 s26, s4;
	[dreg:$0x14] =	wrdreg s28  }
0x1b: {  	v2 =	vlaneseq.u32;
	s30 =	sadd.s32 $0xF800, s10;
	s6 =	simm.s32 $0x5;
	[dreg:$0x15] =	wrdreg s29  }
0x1c: {  	vm0 =	vmmov $0xffff;
	v1 =	vshrl.u32 v2, $0x3;
	s8 =	simm.s32 $0x3;
	[dreg:$0x16] =	wrdreg s30;
	s5 =	smax.u32 s2, $0x1  }
0x1d: {  	v0 =	vand.u32 $0x7, v2;
	v2 =	vor.u32 $0x8, v2;
	v1 =	vmul.u32 $0x8, v1;
	s13 =	simm.s32 $0x1;
	s0 =	simm.s32 $0x4;
	s2 =	simm.s32 $0x2  }
.LBB2_1:
0x1e: {  	[dreg:$0x19] =	wrdreg s5  }
0x1f: {  	s10 =	rddreg [dreg:$0x4];
	s12 =	simm.s32 $0x7  }
0x20: {  	[tilespmem:s3], [sflag:$0x7] =	stream.linear.gather [hbm4b:s10+s3], $0x400, $0x38;
	[tilespmem:$0x18800] =	vst v63  }
0x21: {  	_ =	swait.ge [sflag:s12], $0x400  }
0x22: {  	[sflag:s12] =	ssyncset.done $0x0  }
0x23: {  	[sflag:s12] =	ssyncadd.s32 $0xFFFFFC00  }
0x24: {  	v3 =	vld [tilespmem:$0x0];
	_ =	sdelay $0x4  }
0x25: {  	v4 =	vshll.u32 v3, $0x1  }
0x26: {  	v3 =	vand.u32 $0x7, v3;
	v4 =	vand.u32 $0xFFFFFFF0, v4  }
0x27: {  	v3 =	vor.u32 v3, v4  }
0x28: {  	v4 =	vperm.xlane v3, v0;
	_ =	sdelay $0x1  }
0x29: {  	v3 =	vperm.xlane v3, v2;
	v4 =	vadd.s32 v1, v4;
	_ =	sdelay $0x1  }
0x2a: {  	v3 =	vadd.s32 v1, v3;
	_ =	sdelay $0x1  }
0x2b: {  	s4 =	simm.s32 $0x800  }
0x2c: {  	[tilespmem:s4], [sflag:$0x1] =	stream.indirect_vreg.gather [hbm4b:s1+s3], $0x80, v4, vm0, $0xb8;
	[tilespmem:$0x18800] =	vst v63  }
0x2d: {  	s7 =	simm.s32 $0x1000  }
0x2e: {  	[tilespmem:s7], [sflag:$0x1] =	stream.indirect_vreg.gather [hbm4b:s1+s3], $0x80, v3, vm0, $0xb8;
	[tilespmem:$0x18800] =	vst v63  }
0x2f: {  	v3 =	vld [tilespmem:$0x10];
	_ =	sdelay $0x4  }
0x30: {  	v49 =	vshll.u32 v3, $0x1  }
0x31: {  	v3 =	vand.u32 $0x7, v3;
	v4 =	vand.u32 $0xFFFFFFF0, v49  }
0x32: {  	v3 =	vor.u32 v3, v4  }
0x33: {  	v4 =	vperm.xlane v3, v0;
	_ =	sdelay $0x1  }
0x34: {  	v3 =	vperm.xlane v3, v2;
	v4 =	vadd.s32 v1, v4;
	_ =	sdelay $0x1  }
0x35: {  	v3 =	vadd.s32 v1, v3;
	_ =	sdelay $0x1  }
0x36: {  	s5 =	simm.s32 $0x1800  }
0x37: {  	[tilespmem:s5], [sflag:$0x1] =	stream.indirect_vreg.gather [hbm4b:s1+s3], $0x80, v4, vm0, $0xb8;
	[tilespmem:$0x18800] =	vst v63  }
0x38: {  	s10 =	simm.s32 $0x2000  }
0x39: {  	[tilespmem:s10], [sflag:$0x1] =	stream.indirect_vreg.gather [hbm4b:s1+s3], $0x80, v3, vm0, $0xb8;
	[tilespmem:$0x18800] =	vst v63  }
0x3a: {  	v3 =	vld [tilespmem:$0x20];
	_ =	sdelay $0x4  }
0x3b: {  	v50 =	vshll.u32 v3, $0x1  }
0x3c: {  	v3 =	vand.u32 $0x7, v3;
	v4 =	vand.u32 $0xFFFFFFF0, v50  }
0x3d: {  	v3 =	vor.u32 v3, v4  }
0x3e: {  	v4 =	vperm.xlane v3, v0;
	_ =	sdelay $0x1  }
0x3f: {  	v3 =	vperm.xlane v3, v2;
	v4 =	vadd.s32 v1, v4;
	_ =	sdelay $0x1  }
0x40: {  	v3 =	vadd.s32 v1, v3;
	_ =	sdelay $0x1  }
0x41: {  	s11 =	simm.s32 $0x2800  }
0x42: {  	[tilespmem:s11], [sflag:$0x1] =	stream.indirect_vreg.gather [hbm4b:s1+s3], $0x80, v4, vm0, $0xb8;
	[tilespmem:$0x18800] =	vst v63  }
0x43: {  	s14 =	simm.s32 $0x3000  }
0x44: {  	[tilespmem:s14], [sflag:$0x1] =	stream.indirect_vreg.gather [hbm4b:s1+s3], $0x80, v3, vm0, $0xb8;
	[tilespmem:$0x18800] =	vst v63  }
0x45: {  	v3 =	vld [tilespmem:$0x30];
	_ =	sdelay $0x4  }
0x46: {  	v51 =	vshll.u32 v3, $0x1  }
0x47: {  	v3 =	vand.u32 $0x7, v3;
	v4 =	vand.u32 $0xFFFFFFF0, v51  }
0x48: {  	v3 =	vor.u32 v3, v4  }
0x49: {  	v4 =	vperm.xlane v3, v0;
	_ =	sdelay $0x1  }
0x4a: {  	v3 =	vperm.xlane v3, v2;
	v4 =	vadd.s32 v1, v4;
	_ =	sdelay $0x1  }
0x4b: {  	v3 =	vadd.s32 v1, v3;
	_ =	sdelay $0x1  }
0x4c: {  	s15 =	simm.s32 $0x3800  }
0x4d: {  	[tilespmem:s15], [sflag:$0x1] =	stream.indirect_vreg.gather [hbm4b:s1+s3], $0x80, v4, vm0, $0xb8;
	[tilespmem:$0x18800] =	vst v63  }
0x4e: {  	s16 =	simm.s32 $0x4000  }
0x4f: {  	[tilespmem:s16], [sflag:$0x1] =	stream.indirect_vreg.gather [hbm4b:s1+s3], $0x80, v3, vm0, $0xb8;
	[tilespmem:$0x18800] =	vst v63  }
0x50: {  	v3 =	vld [tilespmem:$0x40];
	_ =	sdelay $0x4  }
0x51: {  	v52 =	vshll.u32 v3, $0x1  }
0x52: {  	v3 =	vand.u32 $0x7, v3;
	v4 =	vand.u32 $0xFFFFFFF0, v52  }
0x53: {  	v3 =	vor.u32 v3, v4  }
0x54: {  	v4 =	vperm.xlane v3, v0;
	_ =	sdelay $0x1  }
0x55: {  	v3 =	vperm.xlane v3, v2;
	v4 =	vadd.s32 v1, v4;
	_ =	sdelay $0x1  }
0x56: {  	v3 =	vadd.s32 v1, v3;
	_ =	sdelay $0x1  }
0x57: {  	s17 =	simm.s32 $0x8800  }
0x58: {  	[tilespmem:s17], [sflag:$0x2] =	stream.indirect_vreg.gather [hbm4b:s1+s3], $0x80, v4, vm0, $0xb8;
	[tilespmem:$0x18800] =	vst v63  }
0x59: {  	s18 =	simm.s32 $0x9000  }
0x5a: {  	[tilespmem:s18], [sflag:$0x2] =	stream.indirect_vreg.gather [hbm4b:s1+s3], $0x80, v3, vm0, $0xb8;
	[tilespmem:$0x18800] =	vst v63  }
0x5b: {  	v3 =	vld [tilespmem:$0x50];
	_ =	sdelay $0x4  }
0x5c: {  	v53 =	vshll.u32 v3, $0x1  }
0x5d: {  	v3 =	vand.u32 $0x7, v3;
	v4 =	vand.u32 $0xFFFFFFF0, v53  }
0x5e: {  	v3 =	vor.u32 v3, v4  }
0x5f: {  	v4 =	vperm.xlane v3, v0;
	_ =	sdelay $0x1  }
0x60: {  	v3 =	vperm.xlane v3, v2;
	v4 =	vadd.s32 v1, v4;
	_ =	sdelay $0x1  }
0x61: {  	v3 =	vadd.s32 v1, v3;
	_ =	sdelay $0x1  }
0x62: {  	s19 =	simm.s32 $0x9800  }
0x63: {  	[tilespmem:s19], [sflag:$0x2] =	stream.indirect_vreg.gather [hbm4b:s1+s3], $0x80, v4, vm0, $0xb8;
	[tilespmem:$0x18800] =	vst v63  }
0x64: {  	s23 =	simm.s32 $0xA000  }
0x65: {  	[tilespmem:s23], [sflag:$0x2] =	stream.indirect_vreg.gather [hbm4b:s1+s3], $0x80, v3, vm0, $0xb8;
	[tilespmem:$0x18800] =	vst v63  }
0x66: {  	v3 =	vld [tilespmem:$0x60];
	_ =	sdelay $0x4  }
0x67: {  	v54 =	vshll.u32 v3, $0x1  }
0x68: {  	v3 =	vand.u32 $0x7, v3;
	v4 =	vand.u32 $0xFFFFFFF0, v54  }
0x69: {  	v3 =	vor.u32 v3, v4  }
0x6a: {  	v4 =	vperm.xlane v3, v0;
	_ =	sdelay $0x1  }
0x6b: {  	v3 =	vperm.xlane v3, v2;
	v4 =	vadd.s32 v1, v4;
	_ =	sdelay $0x1  }
0x6c: {  	v3 =	vadd.s32 v1, v3;
	_ =	sdelay $0x1  }
0x6d: {  	s30 =	simm.s32 $0xA800  }
0x6e: {  	[tilespmem:s30], [sflag:$0x2] =	stream.indirect_vreg.gather [hbm4b:s1+s3], $0x80, v4, vm0, $0xb8;
	[tilespmem:$0x18800] =	vst v63  }
0x6f: {  	s31 =	simm.s32 $0xB000  }
0x70: {  	[tilespmem:s31], [sflag:$0x2] =	stream.indirect_vreg.gather [hbm4b:s1+s3], $0x80, v3, vm0, $0xb8;
	[tilespmem:$0x18800] =	vst v63  }
0x71: {  	v3 =	vld [tilespmem:$0x70];
	_ =	sdelay $0x4  }
0x72: {  	v55 =	vshll.u32 v3, $0x1  }
0x73: {  	v3 =	vand.u32 $0x7, v3;
	v4 =	vand.u32 $0xFFFFFFF0, v55  }
0x74: {  	v3 =	vor.u32 v3, v4  }
0x75: {  	v4 =	vperm.xlane v3, v0;
	_ =	sdelay $0x1  }
0x76: {  	v3 =	vperm.xlane v3, v2;
	v4 =	vadd.s32 v1, v4;
	_ =	sdelay $0x1  }
0x77: {  	v3 =	vadd.s32 v1, v3;
	_ =	sdelay $0x1  }
0x78: {  	s5 =	simm.s32 $0xB800  }
0x79: {  	[tilespmem:s5], [sflag:$0x2] =	stream.indirect_vreg.gather [hbm4b:s1+s3], $0x80, v4, vm0, $0xb8;
	[tilespmem:$0x18800] =	vst v63  }
0x7a: {  	s10 =	simm.s32 $0xC000  }
0x7b: {  	[tilespmem:s10], [sflag:$0x2] =	stream.indirect_vreg.gather [hbm4b:s1+s3], $0x80, v3, vm0, $0xb8;
	[tilespmem:$0x18800] =	vst v63  }
0x7c: {  	v3 =	vld [tilespmem:$0x80];
	_ =	sdelay $0x4  }
0x7d: {  	v56 =	vshll.u32 v3, $0x1  }
0x7e: {  	v3 =	vand.u32 $0x7, v3;
	v4 =	vand.u32 $0xFFFFFFF0, v56  }
0x7f: {  	v3 =	vor.u32 v3, v4  }
0x80: {  	v4 =	vperm.xlane v3, v0;
	_ =	sdelay $0x1  }
0x81: {  	v3 =	vperm.xlane v3, v2;
	v4 =	vadd.s32 v1, v4;
	_ =	sdelay $0x1  }
0x82: {  	v3 =	vadd.s32 v1, v3;
	_ =	sdelay $0x1  }
0x83: {  	s11 =	simm.s32 $0x10800  }
0x84: {  	[tilespmem:s11], [sflag:$0x3] =	stream.indirect_vreg.gather [hbm4b:s1+s3], $0x80, v4, vm0, $0xb8;
	[tilespmem:$0x18800] =	vst v63  }
0x85: {  	s15 =	simm.s32 $0x11000  }
0x86: {  	[tilespmem:s15], [sflag:$0x3] =	stream.indirect_vreg.gather [hbm4b:s1+s3], $0x80, v3, vm0, $0xb8;
	[tilespmem:$0x18800] =	vst v63  }
0x87: {  	v3 =	vld [tilespmem:$0x90];
	_ =	sdelay $0x4  }
0x88: {  	v57 =	vshll.u32 v3, $0x1  }
0x89: {  	v3 =	vand.u32 $0x7, v3;
	v4 =	vand.u32 $0xFFFFFFF0, v57  }
0x8a: {  	v3 =	vor.u32 v3, v4  }
0x8b: {  	v4 =	vperm.xlane v3, v0;
	_ =	sdelay $0x1  }
0x8c: {  	v3 =	vperm.xlane v3, v2;
	v4 =	vadd.s32 v1, v4;
	_ =	sdelay $0x1  }
0x8d: {  	v3 =	vadd.s32 v1, v3;
	_ =	sdelay $0x1  }
0x8e: {  	s19 =	simm.s32 $0x11800  }
0x8f: {  	[tilespmem:s19], [sflag:$0x3] =	stream.indirect_vreg.gather [hbm4b:s1+s3], $0x80, v4, vm0, $0xb8;
	[tilespmem:$0x18800] =	vst v63  }
0x90: {  	s23 =	simm.s32 $0x12000  }
0x91: {  	[tilespmem:s23], [sflag:$0x3] =	stream.indirect_vreg.gather [hbm4b:s1+s3], $0x80, v3, vm0, $0xb8;
	[tilespmem:$0x18800] =	vst v63  }
0x92: {  	v3 =	vld [tilespmem:$0xA0];
	_ =	sdelay $0x4  }
0x93: {  	v58 =	vshll.u32 v3, $0x1  }
0x94: {  	v3 =	vand.u32 $0x7, v3;
	v4 =	vand.u32 $0xFFFFFFF0, v58  }
0x95: {  	v3 =	vor.u32 v3, v4  }
0x96: {  	v4 =	vperm.xlane v3, v0;
	_ =	sdelay $0x1  }
0x97: {  	v3 =	vperm.xlane v3, v2;
	v4 =	vadd.s32 v1, v4;
	_ =	sdelay $0x1  }
0x98: {  	v3 =	vadd.s32 v1, v3;
	_ =	sdelay $0x1  }
0x99: {  	s30 =	simm.s32 $0x12800  }
0x9a: {  	[tilespmem:s30], [sflag:$0x3] =	stream.indirect_vreg.gather [hbm4b:s1+s3], $0x80, v4, vm0, $0xb8;
	[tilespmem:$0x18800] =	vst v63  }
0x9b: {  	s31 =	simm.s32 $0x13000  }
0x9c: {  	[tilespmem:s31], [sflag:$0x3] =	stream.indirect_vreg.gather [hbm4b:s1+s3], $0x80, v3, vm0, $0xb8;
	[tilespmem:$0x18800] =	vst v63  }
0x9d: {  	v3 =	vld [tilespmem:$0xB0];
	_ =	sdelay $0x4  }
0x9e: {  	v59 =	vshll.u32 v3, $0x1  }
0x9f: {  	v3 =	vand.u32 $0x7, v3;
	v4 =	vand.u32 $0xFFFFFFF0, v59  }
0xa0: {  	v3 =	vor.u32 v3, v4  }
0xa1: {  	v4 =	vperm.xlane v3, v0;
	_ =	sdelay $0x1  }
0xa2: {  	v3 =	vperm.xlane v3, v2;
	v4 =	vadd.s32 v1, v4;
	_ =	sdelay $0x1  }
0xa3: {  	v3 =	vadd.s32 v1, v3;
	_ =	sdelay $0x1  }
0xa4: {  	s5 =	simm.s32 $0x13800  }
0xa5: {  	[tilespmem:s5], [sflag:$0x3] =	stream.indirect_vreg.gather [hbm4b:s1+s3], $0x80, v4, vm0, $0xb8;
	[tilespmem:$0x18800] =	vst v63  }
0xa6: {  	s11 =	simm.s32 $0x14000  }
0xa7: {  	[tilespmem:s11], [sflag:$0x3] =	stream.indirect_vreg.gather [hbm4b:s1+s3], $0x80, v3, vm0, $0xb8;
	[tilespmem:$0x18800] =	vst v63  }
0xa8: {  	v3 =	vld [tilespmem:$0xC0];
	_ =	sdelay $0x4  }
0xa9: {  	v60 =	vshll.u32 v3, $0x1  }
0xaa: {  	v3 =	vand.u32 $0x7, v3;
	v4 =	vand.u32 $0xFFFFFFF0, v60  }
0xab: {  	v3 =	vor.u32 v3, v4  }
0xac: {  	v4 =	vperm.xlane v3, v0;
	_ =	sdelay $0x1  }
0xad: {  	v3 =	vperm.xlane v3, v2;
	v4 =	vadd.s32 v1, v4;
	_ =	sdelay $0x1  }
0xae: {  	v3 =	vadd.s32 v1, v3;
	_ =	sdelay $0x1  }
0xaf: {  	s15 =	simm.s32 $0x14800  }
0xb0: {  	[tilespmem:s15], [sflag:$0x3] =	stream.indirect_vreg.gather [hbm4b:s1+s3], $0x80, v4, vm0, $0xb8;
	[tilespmem:$0x18800] =	vst v63  }
0xb1: {  	s19 =	simm.s32 $0x15000  }
0xb2: {  	[tilespmem:s19], [sflag:$0x3] =	stream.indirect_vreg.gather [hbm4b:s1+s3], $0x80, v3, vm0, $0xb8;
	[tilespmem:$0x18800] =	vst v63  }
0xb3: {  	v3 =	vld [tilespmem:$0xD0];
	_ =	sdelay $0x4  }
0xb4: {  	v61 =	vshll.u32 v3, $0x1  }
0xb5: {  	v3 =	vand.u32 $0x7, v3;
	v4 =	vand.u32 $0xFFFFFFF0, v61  }
0xb6: {  	v3 =	vor.u32 v3, v4  }
0xb7: {  	v4 =	vperm.xlane v3, v0;
	_ =	sdelay $0x1  }
0xb8: {  	v3 =	vperm.xlane v3, v2;
	v4 =	vadd.s32 v1, v4;
	_ =	sdelay $0x1  }
0xb9: {  	v3 =	vadd.s32 v1, v3;
	_ =	sdelay $0x1  }
0xba: {  	s23 =	simm.s32 $0x15800  }
0xbb: {  	[tilespmem:s23], [sflag:$0x3] =	stream.indirect_vreg.gather [hbm4b:s1+s3], $0x80, v4, vm0, $0xb8;
	[tilespmem:$0x18800] =	vst v63  }
0xbc: {  	s30 =	simm.s32 $0x16000  }
0xbd: {  	[tilespmem:s30], [sflag:$0x3] =	stream.indirect_vreg.gather [hbm4b:s1+s3], $0x80, v3, vm0, $0xb8;
	[tilespmem:$0x18800] =	vst v63  }
0xbe: {  	v3 =	vld [tilespmem:$0xE0];
	_ =	sdelay $0x4  }
0xbf: {  	v62 =	vshll.u32 v3, $0x1  }
0xc0: {  	v3 =	vand.u32 $0x7, v3;
	v4 =	vand.u32 $0xFFFFFFF0, v62  }
0xc1: {  	v3 =	vor.u32 v3, v4  }
0xc2: {  	v4 =	vperm.xlane v3, v0;
	_ =	sdelay $0x1  }
0xc3: {  	v3 =	vperm.xlane v3, v2;
	v4 =	vadd.s32 v1, v4;
	_ =	sdelay $0x1  }
0xc4: {  	v3 =	vadd.s32 v1, v3;
	_ =	sdelay $0x1  }
0xc5: {  	s31 =	simm.s32 $0x16800  }
0xc6: {  	[tilespmem:s31], [sflag:$0x3] =	stream.indirect_vreg.gather [hbm4b:s1+s3], $0x80, v4, vm0, $0xb8;
	[tilespmem:$0x18800] =	vst v63  }
0xc7: {  	s5 =	simm.s32 $0x17000  }
0xc8: {  	[tilespmem:s5], [sflag:$0x3] =	stream.indirect_vreg.gather [hbm4b:s1+s3], $0x80, v3, vm0, $0xb8;
	[tilespmem:$0x18800] =	vst v63  }
0xc9: {  	v3 =	vld [tilespmem:$0xF0];
	_ =	sdelay $0x4  }
0xca: {  	v63 =	vshll.u32 v3, $0x1  }
0xcb: {  	v3 =	vand.u32 $0x7, v3;
	v4 =	vand.u32 $0xFFFFFFF0, v63  }
0xcc: {  	v3 =	vor.u32 v3, v4  }
0xcd: {  	v4 =	vperm.xlane v3, v0;
	_ =	sdelay $0x1  }
0xce: {  	v3 =	vperm.xlane v3, v2;
	v4 =	vadd.s32 v1, v4;
	_ =	sdelay $0x1  }
0xcf: {  	v3 =	vadd.s32 v1, v3;
	_ =	sdelay $0x1  }
0xd0: {  	s11 =	simm.s32 $0x17800  }
0xd1: {  	[tilespmem:s11], [sflag:$0x3] =	stream.indirect_vreg.gather [hbm4b:s1+s3], $0x80, v4, vm0, $0xb8;
	[tilespmem:$0x18800] =	vst v63  }
0xd2: {  	s15 =	rddreg [dreg:$0x5];
	s30 =	simm.s32 $0x18000  }
0xd3: {  	[tilespmem:s30], [sflag:$0x3] =	stream.indirect_vreg.gather [hbm4b:s1+s3], $0x80, v3, vm0, $0xb8;
	[tilespmem:$0x18800] =	vst v63  }
0xd4: {  	s11 =	rddreg [dreg:$0x17]  }
0xd5: {  	[tilespmem:s11], [sflag:$0x7] =	stream.linear.gather [hbm4b:s15+s3], $0x400, $0x38;
	[tilespmem:$0x18800] =	vst v63  }
0xd6: {  	_ =	swait.ge [sflag:s12], $0x400  }
0xd7: {  	[sflag:s12] =	ssyncset.done $0x0  }
0xd8: {  	[sflag:s12] =	ssyncadd.s32 $0xFFFFFC00  }
0xd9: {  	_ =	swait.ge [sflag:s13], $0x4000  }
0xda: {  	[sflag:s13] =	ssyncset.done $0x0  }
0xdb: {  	s23 =	simm.s32 $0x800;
	s19 =	rddreg [dreg:$0x18];
	[sflag:s13] =	ssyncadd.s32 $0xFFFFC000  }
0xdc: {  	[hbm4b:s19+s3] =	stream.linear.scatter [tilespmem:s23], [sflag:$0x4], $0x4000, $0x38;
	[tilespmem:$0x18800] =	vst v63  }
0xdd: {  	_ =	swait.ge [sflag:s0], $0x4000  }
0xde: {  	[sflag:s0] =	ssyncset.done $0x0  }
0xdf: {  	[sflag:s0] =	ssyncadd.s32 $0xFFFFC000  }
0xe0: {  	v3 =	vld [tilespmem:$0x100];
	_ =	sdelay $0x4  }
0xe1: {  	v8 =	vshll.u32 v3, $0x1  }
0xe2: {  	v3 =	vand.u32 $0x7, v3;
	v4 =	vand.u32 $0xFFFFFFF0, v8  }
0xe3: {  	v3 =	vor.u32 v3, v4  }
0xe4: {  	v4 =	vperm.xlane v3, v0;
	_ =	sdelay $0x1  }
0xe5: {  	v3 =	vperm.xlane v3, v2;
	v4 =	vadd.s32 v1, v4;
	_ =	sdelay $0x1  }
0xe6: {  	v3 =	vadd.s32 v1, v3;
	_ =	sdelay $0x2  }
0xe7: {  	[tilespmem:s23], [sflag:$0x1] =	stream.indirect_vreg.gather [hbm4b:s1+s3], $0x80, v4, vm0, $0xb8;
	[tilespmem:$0x18800] =	vst v63  }
0xe8: {  	s21 =	simm.s32 $0x1000  }
0xe9: {  	[tilespmem:s21], [sflag:$0x1] =	stream.indirect_vreg.gather [hbm4b:s1+s3], $0x80, v3, vm0, $0xb8;
	[tilespmem:$0x18800] =	vst v63  }
0xea: {  	v3 =	vld [tilespmem:$0x110];
	_ =	sdelay $0x4  }
0xeb: {  	v9 =	vshll.u32 v3, $0x1  }
0xec: {  	v3 =	vand.u32 $0x7, v3;
	v4 =	vand.u32 $0xFFFFFFF0, v9  }
0xed: {  	v3 =	vor.u32 v3, v4  }
0xee: {  	v4 =	vperm.xlane v3, v0;
	_ =	sdelay $0x1  }
0xef: {  	v3 =	vperm.xlane v3, v2;
	v4 =	vadd.s32 v1, v4;
	_ =	sdelay $0x1  }
0xf0: {  	v3 =	vadd.s32 v1, v3;
	_ =	sdelay $0x1  }
0xf1: {  	s20 =	simm.s32 $0x1800  }
0xf2: {  	[tilespmem:s20], [sflag:$0x1] =	stream.indirect_vreg.gather [hbm4b:s1+s3], $0x80, v4, vm0, $0xb8;
	[tilespmem:$0x18800] =	vst v63  }
0xf3: {  	s22 =	simm.s32 $0x2000  }
0xf4: {  	[tilespmem:s22], [sflag:$0x1] =	stream.indirect_vreg.gather [hbm4b:s1+s3], $0x80, v3, vm0, $0xb8;
	[tilespmem:$0x18800] =	vst v63  }
0xf5: {  	v3 =	vld [tilespmem:$0x120];
	_ =	sdelay $0x4  }
0xf6: {  	v10 =	vshll.u32 v3, $0x1  }
0xf7: {  	v3 =	vand.u32 $0x7, v3;
	v4 =	vand.u32 $0xFFFFFFF0, v10  }
0xf8: {  	v3 =	vor.u32 v3, v4  }
0xf9: {  	v4 =	vperm.xlane v3, v0;
	_ =	sdelay $0x1  }
0xfa: {  	v3 =	vperm.xlane v3, v2;
	v4 =	vadd.s32 v1, v4;
	_ =	sdelay $0x1  }
0xfb: {  	v3 =	vadd.s32 v1, v3;
	_ =	sdelay $0x1  }
0xfc: {  	s24 =	simm.s32 $0x2800  }
0xfd: {  	[tilespmem:s24], [sflag:$0x1] =	stream.indirect_vreg.gather [hbm4b:s1+s3], $0x80, v4, vm0, $0xb8;
	[tilespmem:$0x18800] =	vst v63  }
0xfe: {  	s25 =	simm.s32 $0x3000  }
0xff: {  	[tilespmem:s25], [sflag:$0x1] =	stream.indirect_vreg.gather [hbm4b:s1+s3], $0x80, v3, vm0, $0xb8;
	[tilespmem:$0x18800] =	vst v63  }
0x100: {  	v3 =	vld [tilespmem:$0x130];
	_ =	sdelay $0x4  }
0x101: {  	v11 =	vshll.u32 v3, $0x1  }
0x102: {  	v3 =	vand.u32 $0x7, v3;
	v4 =	vand.u32 $0xFFFFFFF0, v11  }
0x103: {  	v3 =	vor.u32 v3, v4  }
0x104: {  	v4 =	vperm.xlane v3, v0;
	_ =	sdelay $0x1  }
0x105: {  	v3 =	vperm.xlane v3, v2;
	v4 =	vadd.s32 v1, v4;
	_ =	sdelay $0x1  }
0x106: {  	v3 =	vadd.s32 v1, v3;
	_ =	sdelay $0x1  }
0x107: {  	s26 =	simm.s32 $0x3800  }
0x108: {  	[tilespmem:s26], [sflag:$0x1] =	stream.indirect_vreg.gather [hbm4b:s1+s3], $0x80, v4, vm0, $0xb8;
	[tilespmem:$0x18800] =	vst v63  }
0x109: {  	s29 =	simm.s32 $0x4000  }
0x10a: {  	[tilespmem:s29], [sflag:$0x1] =	stream.indirect_vreg.gather [hbm4b:s1+s3], $0x80, v3, vm0, $0xb8;
	[tilespmem:$0x18800] =	vst v63  }
0x10b: {  	v3 =	vld [tilespmem:$0x140];
	_ =	sdelay $0x4  }
0x10c: {  	v12 =	vshll.u32 v3, $0x1  }
0x10d: {  	v3 =	vand.u32 $0x7, v3;
	v4 =	vand.u32 $0xFFFFFFF0, v12  }
0x10e: {  	v3 =	vor.u32 v3, v4  }
0x10f: {  	v4 =	vperm.xlane v3, v0;
	_ =	sdelay $0x1  }
0x110: {  	v3 =	vperm.xlane v3, v2;
	v4 =	vadd.s32 v1, v4;
	_ =	sdelay $0x1  }
0x111: {  	v3 =	vadd.s32 v1, v3;
	_ =	sdelay $0x1  }
0x112: {  	s25 =	simm.s32 $0x4800  }
0x113: {  	[tilespmem:s25], [sflag:$0x1] =	stream.indirect_vreg.gather [hbm4b:s1+s3], $0x80, v4, vm0, $0xb8;
	[tilespmem:$0x18800] =	vst v63  }
0x114: {  	s26 =	simm.s32 $0x5000  }
0x115: {  	[tilespmem:s26], [sflag:$0x1] =	stream.indirect_vreg.gather [hbm4b:s1+s3], $0x80, v3, vm0, $0xb8;
	[tilespmem:$0x18800] =	vst v63  }
0x116: {  	v3 =	vld [tilespmem:$0x150];
	_ =	sdelay $0x4  }
0x117: {  	v13 =	vshll.u32 v3, $0x1  }
0x118: {  	v3 =	vand.u32 $0x7, v3;
	v4 =	vand.u32 $0xFFFFFFF0, v13  }
0x119: {  	v3 =	vor.u32 v3, v4  }
0x11a: {  	v4 =	vperm.xlane v3, v0;
	_ =	sdelay $0x1  }
0x11b: {  	v3 =	vperm.xlane v3, v2;
	v4 =	vadd.s32 v1, v4;
	_ =	sdelay $0x1  }
0x11c: {  	v3 =	vadd.s32 v1, v3;
	_ =	sdelay $0x1  }
0x11d: {  	s29 =	simm.s32 $0x5800  }
0x11e: {  	[tilespmem:s29], [sflag:$0x1] =	stream.indirect_vreg.gather [hbm4b:s1+s3], $0x80, v4, vm0, $0xb8;
	[tilespmem:$0x18800] =	vst v63  }
0x11f: {  	s30 =	simm.s32 $0x6000  }
0x120: {  	[tilespmem:s30], [sflag:$0x1] =	stream.indirect_vreg.gather [hbm4b:s1+s3], $0x80, v3, vm0, $0xb8;
	[tilespmem:$0x18800] =	vst v63  }
0x121: {  	v3 =	vld [tilespmem:$0x160];
	_ =	sdelay $0x4  }
0x122: {  	v14 =	vshll.u32 v3, $0x1  }
0x123: {  	v3 =	vand.u32 $0x7, v3;
	v4 =	vand.u32 $0xFFFFFFF0, v14  }
0x124: {  	v3 =	vor.u32 v3, v4  }
0x125: {  	v4 =	vperm.xlane v3, v0;
	_ =	sdelay $0x1  }
0x126: {  	v3 =	vperm.xlane v3, v2;
	v4 =	vadd.s32 v1, v4;
	_ =	sdelay $0x1  }
0x127: {  	v3 =	vadd.s32 v1, v3;
	_ =	sdelay $0x1  }
0x128: {  	s31 =	simm.s32 $0x6800  }
0x129: {  	[tilespmem:s31], [sflag:$0x1] =	stream.indirect_vreg.gather [hbm4b:s1+s3], $0x80, v4, vm0, $0xb8;
	[tilespmem:$0x18800] =	vst v63  }
0x12a: {  	s5 =	simm.s32 $0x7000  }
0x12b: {  	[tilespmem:s5], [sflag:$0x1] =	stream.indirect_vreg.gather [hbm4b:s1+s3], $0x80, v3, vm0, $0xb8;
	[tilespmem:$0x18800] =	vst v63  }
0x12c: {  	v3 =	vld [tilespmem:$0x170];
	_ =	sdelay $0x4  }
0x12d: {  	v15 =	vshll.u32 v3, $0x1  }
0x12e: {  	v3 =	vand.u32 $0x7, v3;
	v4 =	vand.u32 $0xFFFFFFF0, v15  }
0x12f: {  	v3 =	vor.u32 v3, v4  }
0x130: {  	v4 =	vperm.xlane v3, v0;
	_ =	sdelay $0x1  }
0x131: {  	v3 =	vperm.xlane v3, v2;
	v4 =	vadd.s32 v1, v4;
	_ =	sdelay $0x1  }
0x132: {  	v3 =	vadd.s32 v1, v3;
	_ =	sdelay $0x1  }
0x133: {  	s11 =	simm.s32 $0x7800  }
0x134: {  	[tilespmem:s11], [sflag:$0x1] =	stream.indirect_vreg.gather [hbm4b:s1+s3], $0x80, v4, vm0, $0xb8;
	[tilespmem:$0x18800] =	vst v63  }
0x135: {  	s15 =	simm.s32 $0x8000  }
0x136: {  	[tilespmem:s15], [sflag:$0x1] =	stream.indirect_vreg.gather [hbm4b:s1+s3], $0x80, v3, vm0, $0xb8;
	[tilespmem:$0x18800] =	vst v63  }
0x137: {  	_ =	swait.ge [sflag:s2], $0x4000  }
0x138: {  	[sflag:s2] =	ssyncset.done $0x0  }
0x139: {  	s20 =	simm.s32 $0x8800;
	s19 =	rddreg [dreg:$0x6];
	[sflag:s2] =	ssyncadd.s32 $0xFFFFC000  }
0x13a: {  	[hbm4b:s19+s3] =	stream.linear.scatter [tilespmem:s20], [sflag:$0x5], $0x4000, $0x38;
	[tilespmem:$0x18800] =	vst v63  }
0x13b: {  	_ =	swait.ge [sflag:s6], $0x4000  }
0x13c: {  	[sflag:s6] =	ssyncset.done $0x0  }
0x13d: {  	[sflag:s6] =	ssyncadd.s32 $0xFFFFC000  }
0x13e: {  	v3 =	vld [tilespmem:$0x180];
	_ =	sdelay $0x4  }
0x13f: {  	v16 =	vshll.u32 v3, $0x1  }
0x140: {  	v3 =	vand.u32 $0x7, v3;
	v4 =	vand.u32 $0xFFFFFFF0, v16  }
0x141: {  	v3 =	vor.u32 v3, v4  }
0x142: {  	v4 =	vperm.xlane v3, v0;
	_ =	sdelay $0x1  }
0x143: {  	v3 =	vperm.xlane v3, v2;
	v4 =	vadd.s32 v1, v4;
	_ =	sdelay $0x1  }
0x144: {  	v3 =	vadd.s32 v1, v3;
	_ =	sdelay $0x2  }
0x145: {  	[tilespmem:s20], [sflag:$0x2] =	stream.indirect_vreg.gather [hbm4b:s1+s3], $0x80, v4, vm0, $0xb8;
	[tilespmem:$0x18800] =	vst v63  }
0x146: {  	s16 =	simm.s32 $0x9000  }
0x147: {  	[tilespmem:s16], [sflag:$0x2] =	stream.indirect_vreg.gather [hbm4b:s1+s3], $0x80, v3, vm0, $0xb8;
	[tilespmem:$0x18800] =	vst v63  }
0x148: {  	v3 =	vld [tilespmem:$0x190];
	_ =	sdelay $0x4  }
0x149: {  	v17 =	vshll.u32 v3, $0x1  }
0x14a: {  	v3 =	vand.u32 $0x7, v3;
	v4 =	vand.u32 $0xFFFFFFF0, v17  }
0x14b: {  	v3 =	vor.u32 v3, v4  }
0x14c: {  	v4 =	vperm.xlane v3, v0;
	_ =	sdelay $0x1  }
0x14d: {  	v3 =	vperm.xlane v3, v2;
	v4 =	vadd.s32 v1, v4;
	_ =	sdelay $0x1  }
0x14e: {  	v3 =	vadd.s32 v1, v3;
	_ =	sdelay $0x1  }
0x14f: {  	s28 =	simm.s32 $0x9800  }
0x150: {  	[tilespmem:s28], [sflag:$0x2] =	stream.indirect_vreg.gather [hbm4b:s1+s3], $0x80, v4, vm0, $0xb8;
	[tilespmem:$0x18800] =	vst v63  }
0x151: {  	s17 =	simm.s32 $0xA000  }
0x152: {  	[tilespmem:s17], [sflag:$0x2] =	stream.indirect_vreg.gather [hbm4b:s1+s3], $0x80, v3, vm0, $0xb8;
	[tilespmem:$0x18800] =	vst v63  }
0x153: {  	v3 =	vld [tilespmem:$0x1A0];
	_ =	sdelay $0x4  }
0x154: {  	v18 =	vshll.u32 v3, $0x1  }
0x155: {  	v3 =	vand.u32 $0x7, v3;
	v4 =	vand.u32 $0xFFFFFFF0, v18  }
0x156: {  	v3 =	vor.u32 v3, v4  }
0x157: {  	v4 =	vperm.xlane v3, v0;
	_ =	sdelay $0x1  }
0x158: {  	v3 =	vperm.xlane v3, v2;
	v4 =	vadd.s32 v1, v4;
	_ =	sdelay $0x1  }
0x159: {  	v3 =	vadd.s32 v1, v3;
	_ =	sdelay $0x1  }
0x15a: {  	s4 =	simm.s32 $0xA800  }
0x15b: {  	[tilespmem:s4], [sflag:$0x2] =	stream.indirect_vreg.gather [hbm4b:s1+s3], $0x80, v4, vm0, $0xb8;
	[tilespmem:$0x18800] =	vst v63  }
0x15c: {  	s18 =	simm.s32 $0xB000  }
0x15d: {  	[tilespmem:s18], [sflag:$0x2] =	stream.indirect_vreg.gather [hbm4b:s1+s3], $0x80, v3, vm0, $0xb8;
	[tilespmem:$0x18800] =	vst v63  }
0x15e: {  	v3 =	vld [tilespmem:$0x1B0];
	_ =	sdelay $0x4  }
0x15f: {  	v19 =	vshll.u32 v3, $0x1  }
0x160: {  	v3 =	vand.u32 $0x7, v3;
	v4 =	vand.u32 $0xFFFFFFF0, v19  }
0x161: {  	v3 =	vor.u32 v3, v4  }
0x162: {  	v4 =	vperm.xlane v3, v0;
	_ =	sdelay $0x1  }
0x163: {  	v3 =	vperm.xlane v3, v2;
	v4 =	vadd.s32 v1, v4;
	_ =	sdelay $0x1  }
0x164: {  	v3 =	vadd.s32 v1, v3;
	_ =	sdelay $0x1  }
0x165: {  	s14 =	simm.s32 $0xB800  }
0x166: {  	[tilespmem:s14], [sflag:$0x2] =	stream.indirect_vreg.gather [hbm4b:s1+s3], $0x80, v4, vm0, $0xb8;
	[tilespmem:$0x18800] =	vst v63  }
0x167: {  	s7 =	simm.s32 $0xC000  }
0x168: {  	[tilespmem:s7], [sflag:$0x2] =	stream.indirect_vreg.gather [hbm4b:s1+s3], $0x80, v3, vm0, $0xb8;
	[tilespmem:$0x18800] =	vst v63  }
0x169: {  	v3 =	vld [tilespmem:$0x1C0];
	_ =	sdelay $0x4  }
0x16a: {  	v20 =	vshll.u32 v3, $0x1  }
0x16b: {  	v3 =	vand.u32 $0x7, v3;
	v4 =	vand.u32 $0xFFFFFFF0, v20  }
0x16c: {  	v3 =	vor.u32 v3, v4  }
0x16d: {  	v4 =	vperm.xlane v3, v0;
	_ =	sdelay $0x1  }
0x16e: {  	v3 =	vperm.xlane v3, v2;
	v4 =	vadd.s32 v1, v4;
	_ =	sdelay $0x1  }
0x16f: {  	v3 =	vadd.s32 v1, v3;
	_ =	sdelay $0x1  }
0x170: {  	s21 =	simm.s32 $0xC800  }
0x171: {  	[tilespmem:s21], [sflag:$0x2] =	stream.indirect_vreg.gather [hbm4b:s1+s3], $0x80, v4, vm0, $0xb8;
	[tilespmem:$0x18800] =	vst v63  }
0x172: {  	s22 =	simm.s32 $0xD000  }
0x173: {  	[tilespmem:s22], [sflag:$0x2] =	stream.indirect_vreg.gather [hbm4b:s1+s3], $0x80, v3, vm0, $0xb8;
	[tilespmem:$0x18800] =	vst v63  }
0x174: {  	v3 =	vld [tilespmem:$0x1D0];
	_ =	sdelay $0x4  }
0x175: {  	v21 =	vshll.u32 v3, $0x1  }
0x176: {  	v3 =	vand.u32 $0x7, v3;
	v4 =	vand.u32 $0xFFFFFFF0, v21  }
0x177: {  	v3 =	vor.u32 v3, v4  }
0x178: {  	v4 =	vperm.xlane v3, v0;
	_ =	sdelay $0x1  }
0x179: {  	v3 =	vperm.xlane v3, v2;
	v4 =	vadd.s32 v1, v4;
	_ =	sdelay $0x1  }
0x17a: {  	v3 =	vadd.s32 v1, v3;
	_ =	sdelay $0x1  }
0x17b: {  	s24 =	simm.s32 $0xD800  }
0x17c: {  	[tilespmem:s24], [sflag:$0x2] =	stream.indirect_vreg.gather [hbm4b:s1+s3], $0x80, v4, vm0, $0xb8;
	[tilespmem:$0x18800] =	vst v63  }
0x17d: {  	s25 =	simm.s32 $0xE000  }
0x17e: {  	[tilespmem:s25], [sflag:$0x2] =	stream.indirect_vreg.gather [hbm4b:s1+s3], $0x80, v3, vm0, $0xb8;
	[tilespmem:$0x18800] =	vst v63  }
0x17f: {  	v3 =	vld [tilespmem:$0x1E0];
	_ =	sdelay $0x4  }
0x180: {  	v22 =	vshll.u32 v3, $0x1  }
0x181: {  	v3 =	vand.u32 $0x7, v3;
	v4 =	vand.u32 $0xFFFFFFF0, v22  }
0x182: {  	v3 =	vor.u32 v3, v4  }
0x183: {  	v4 =	vperm.xlane v3, v0;
	_ =	sdelay $0x1  }
0x184: {  	v3 =	vperm.xlane v3, v2;
	v4 =	vadd.s32 v1, v4;
	_ =	sdelay $0x1  }
0x185: {  	v3 =	vadd.s32 v1, v3;
	_ =	sdelay $0x1  }
0x186: {  	s26 =	simm.s32 $0xE800  }
0x187: {  	[tilespmem:s26], [sflag:$0x2] =	stream.indirect_vreg.gather [hbm4b:s1+s3], $0x80, v4, vm0, $0xb8;
	[tilespmem:$0x18800] =	vst v63  }
0x188: {  	s28 =	simm.s32 $0xF000  }
0x189: {  	[tilespmem:s28], [sflag:$0x2] =	stream.indirect_vreg.gather [hbm4b:s1+s3], $0x80, v3, vm0, $0xb8;
	[tilespmem:$0x18800] =	vst v63  }
0x18a: {  	v3 =	vld [tilespmem:$0x1F0];
	_ =	sdelay $0x4  }
0x18b: {  	v23 =	vshll.u32 v3, $0x1  }
0x18c: {  	v3 =	vand.u32 $0x7, v3;
	v4 =	vand.u32 $0xFFFFFFF0, v23  }
0x18d: {  	v3 =	vor.u32 v3, v4  }
0x18e: {  	v4 =	vperm.xlane v3, v0;
	_ =	sdelay $0x1  }
0x18f: {  	v3 =	vperm.xlane v3, v2;
	v4 =	vadd.s32 v1, v4;
	_ =	sdelay $0x1  }
0x190: {  	v3 =	vadd.s32 v1, v3;
	_ =	sdelay $0x1  }
0x191: {  	s29 =	simm.s32 $0xF800  }
0x192: {  	[tilespmem:s29], [sflag:$0x2] =	stream.indirect_vreg.gather [hbm4b:s1+s3], $0x80, v4, vm0, $0xb8;
	[tilespmem:$0x18800] =	vst v63  }
0x193: {  	s30 =	simm.s32 $0x10000  }
0x194: {  	[tilespmem:s30], [sflag:$0x2] =	stream.indirect_vreg.gather [hbm4b:s1+s3], $0x80, v3, vm0, $0xb8;
	[tilespmem:$0x18800] =	vst v63  }
0x195: {  	_ =	swait.ge [sflag:s8], $0x8000  }
0x196: {  	[sflag:s8] =	ssyncset.done $0x0  }
0x197: {  	s4 =	simm.s32 $0x10800;
	s31 =	rddreg [dreg:$0x7];
	[sflag:s8] =	ssyncadd.s32 $0xFFFF8000  }
0x198: {  	[hbm4b:s31+s3] =	stream.linear.scatter [tilespmem:s4], [sflag:$0x6], $0x8000, $0x38;
	[tilespmem:$0x18800] =	vst v63  }
0x199: {  	_ =	swait.ge [sflag:s9], $0x8000  }
0x19a: {  	[sflag:s9] =	ssyncset.done $0x0  }
0x19b: {  	[sflag:s9] =	ssyncadd.s32 $0xFFFF8000  }
0x19c: {  	v3 =	vld [tilespmem:$0x200];
	_ =	sdelay $0x4  }
0x19d: {  	v24 =	vshll.u32 v3, $0x1  }
0x19e: {  	v3 =	vand.u32 $0x7, v3;
	v4 =	vand.u32 $0xFFFFFFF0, v24  }
0x19f: {  	v3 =	vor.u32 v3, v4  }
0x1a0: {  	v4 =	vperm.xlane v3, v0;
	_ =	sdelay $0x1  }
0x1a1: {  	v3 =	vperm.xlane v3, v2;
	v4 =	vadd.s32 v1, v4;
	_ =	sdelay $0x1  }
0x1a2: {  	v3 =	vadd.s32 v1, v3;
	_ =	sdelay $0x2  }
0x1a3: {  	[tilespmem:s4], [sflag:$0x3] =	stream.indirect_vreg.gather [hbm4b:s1+s3], $0x80, v4, vm0, $0xb8;
	[tilespmem:$0x18800] =	vst v63  }
0x1a4: {  	s31 =	simm.s32 $0x11000  }
0x1a5: {  	[tilespmem:s31], [sflag:$0x3] =	stream.indirect_vreg.gather [hbm4b:s1+s3], $0x80, v3, vm0, $0xb8;
	[tilespmem:$0x18800] =	vst v63  }
0x1a6: {  	v3 =	vld [tilespmem:$0x210];
	_ =	sdelay $0x4  }
0x1a7: {  	v25 =	vshll.u32 v3, $0x1  }
0x1a8: {  	v3 =	vand.u32 $0x7, v3;
	v4 =	vand.u32 $0xFFFFFFF0, v25  }
0x1a9: {  	v3 =	vor.u32 v3, v4  }
0x1aa: {  	v4 =	vperm.xlane v3, v0;
	_ =	sdelay $0x1  }
0x1ab: {  	v3 =	vperm.xlane v3, v2;
	v4 =	vadd.s32 v1, v4;
	_ =	sdelay $0x1  }
0x1ac: {  	v3 =	vadd.s32 v1, v3;
	_ =	sdelay $0x1  }
0x1ad: {  	s7 =	simm.s32 $0x11800  }
0x1ae: {  	[tilespmem:s7], [sflag:$0x3] =	stream.indirect_vreg.gather [hbm4b:s1+s3], $0x80, v4, vm0, $0xb8;
	[tilespmem:$0x18800] =	vst v63  }
0x1af: {  	s20 =	simm.s32 $0x12000  }
0x1b0: {  	[tilespmem:s20], [sflag:$0x3] =	stream.indirect_vreg.gather [hbm4b:s1+s3], $0x80, v3, vm0, $0xb8;
	[tilespmem:$0x18800] =	vst v63  }
0x1b1: {  	v3 =	vld [tilespmem:$0x220];
	_ =	sdelay $0x4  }
0x1b2: {  	v26 =	vshll.u32 v3, $0x1  }
0x1b3: {  	v3 =	vand.u32 $0x7, v3;
	v4 =	vand.u32 $0xFFFFFFF0, v26  }
0x1b4: {  	v3 =	vor.u32 v3, v4  }
0x1b5: {  	v4 =	vperm.xlane v3, v0;
	_ =	sdelay $0x1  }
0x1b6: {  	v3 =	vperm.xlane v3, v2;
	v4 =	vadd.s32 v1, v4;
	_ =	sdelay $0x1  }
0x1b7: {  	v3 =	vadd.s32 v1, v3;
	_ =	sdelay $0x1  }
0x1b8: {  	s29 =	simm.s32 $0x12800  }
0x1b9: {  	[tilespmem:s29], [sflag:$0x3] =	stream.indirect_vreg.gather [hbm4b:s1+s3], $0x80, v4, vm0, $0xb8;
	[tilespmem:$0x18800] =	vst v63  }
0x1ba: {  	s21 =	simm.s32 $0x13000  }
0x1bb: {  	[tilespmem:s21], [sflag:$0x3] =	stream.indirect_vreg.gather [hbm4b:s1+s3], $0x80, v3, vm0, $0xb8;
	[tilespmem:$0x18800] =	vst v63  }
0x1bc: {  	v3 =	vld [tilespmem:$0x230];
	_ =	sdelay $0x4  }
0x1bd: {  	v27 =	vshll.u32 v3, $0x1  }
0x1be: {  	v3 =	vand.u32 $0x7, v3;
	v4 =	vand.u32 $0xFFFFFFF0, v27  }
0x1bf: {  	v3 =	vor.u32 v3, v4  }
0x1c0: {  	v4 =	vperm.xlane v3, v0;
	_ =	sdelay $0x1  }
0x1c1: {  	v3 =	vperm.xlane v3, v2;
	v4 =	vadd.s32 v1, v4;
	_ =	sdelay $0x1  }
0x1c2: {  	v3 =	vadd.s32 v1, v3;
	_ =	sdelay $0x1  }
0x1c3: {  	s30 =	simm.s32 $0x13800  }
0x1c4: {  	[tilespmem:s30], [sflag:$0x3] =	stream.indirect_vreg.gather [hbm4b:s1+s3], $0x80, v4, vm0, $0xb8;
	[tilespmem:$0x18800] =	vst v63  }
0x1c5: {  	s22 =	simm.s32 $0x14000  }
0x1c6: {  	[tilespmem:s22], [sflag:$0x3] =	stream.indirect_vreg.gather [hbm4b:s1+s3], $0x80, v3, vm0, $0xb8;
	[tilespmem:$0x18800] =	vst v63  }
0x1c7: {  	v3 =	vld [tilespmem:$0x240];
	_ =	sdelay $0x4  }
0x1c8: {  	v28 =	vshll.u32 v3, $0x1  }
0x1c9: {  	v3 =	vand.u32 $0x7, v3;
	v4 =	vand.u32 $0xFFFFFFF0, v28  }
0x1ca: {  	v3 =	vor.u32 v3, v4  }
0x1cb: {  	v4 =	vperm.xlane v3, v0;
	_ =	sdelay $0x1  }
0x1cc: {  	v3 =	vperm.xlane v3, v2;
	v4 =	vadd.s32 v1, v4;
	_ =	sdelay $0x1  }
0x1cd: {  	v3 =	vadd.s32 v1, v3;
	_ =	sdelay $0x1  }
0x1ce: {  	s24 =	simm.s32 $0x14800  }
0x1cf: {  	[tilespmem:s24], [sflag:$0x3] =	stream.indirect_vreg.gather [hbm4b:s1+s3], $0x80, v4, vm0, $0xb8;
	[tilespmem:$0x18800] =	vst v63  }
0x1d0: {  	s28 =	simm.s32 $0x15000  }
0x1d1: {  	[tilespmem:s28], [sflag:$0x3] =	stream.indirect_vreg.gather [hbm4b:s1+s3], $0x80, v3, vm0, $0xb8;
	[tilespmem:$0x18800] =	vst v63  }
0x1d2: {  	v3 =	vld [tilespmem:$0x250];
	_ =	sdelay $0x4  }
0x1d3: {  	v29 =	vshll.u32 v3, $0x1  }
0x1d4: {  	v3 =	vand.u32 $0x7, v3;
	v4 =	vand.u32 $0xFFFFFFF0, v29  }
0x1d5: {  	v3 =	vor.u32 v3, v4  }
0x1d6: {  	v4 =	vperm.xlane v3, v0;
	_ =	sdelay $0x1  }
0x1d7: {  	v3 =	vperm.xlane v3, v2;
	v4 =	vadd.s32 v1, v4;
	_ =	sdelay $0x1  }
0x1d8: {  	v3 =	vadd.s32 v1, v3;
	_ =	sdelay $0x1  }
0x1d9: {  	s25 =	simm.s32 $0x15800  }
0x1da: {  	[tilespmem:s25], [sflag:$0x3] =	stream.indirect_vreg.gather [hbm4b:s1+s3], $0x80, v4, vm0, $0xb8;
	[tilespmem:$0x18800] =	vst v63  }
0x1db: {  	s10 =	simm.s32 $0x16000  }
0x1dc: {  	[tilespmem:s10], [sflag:$0x3] =	stream.indirect_vreg.gather [hbm4b:s1+s3], $0x80, v3, vm0, $0xb8;
	[tilespmem:$0x18800] =	vst v63  }
0x1dd: {  	v3 =	vld [tilespmem:$0x260];
	_ =	sdelay $0x4  }
0x1de: {  	v30 =	vshll.u32 v3, $0x1  }
0x1df: {  	v3 =	vand.u32 $0x7, v3;
	v4 =	vand.u32 $0xFFFFFFF0, v30  }
0x1e0: {  	v3 =	vor.u32 v3, v4  }
0x1e1: {  	v4 =	vperm.xlane v3, v0;
	_ =	sdelay $0x1  }
0x1e2: {  	v3 =	vperm.xlane v3, v2;
	v4 =	vadd.s32 v1, v4;
	_ =	sdelay $0x1  }
0x1e3: {  	v3 =	vadd.s32 v1, v3;
	_ =	sdelay $0x1  }
0x1e4: {  	s26 =	simm.s32 $0x16800  }
0x1e5: {  	[tilespmem:s26], [sflag:$0x3] =	stream.indirect_vreg.gather [hbm4b:s1+s3], $0x80, v4, vm0, $0xb8;
	[tilespmem:$0x18800] =	vst v63  }
0x1e6: {  	s14 =	simm.s32 $0x17000  }
0x1e7: {  	[tilespmem:s14], [sflag:$0x3] =	stream.indirect_vreg.gather [hbm4b:s1+s3], $0x80, v3, vm0, $0xb8;
	[tilespmem:$0x18800] =	vst v63  }
0x1e8: {  	v3 =	vld [tilespmem:$0x270];
	_ =	sdelay $0x4  }
0x1e9: {  	v31 =	vshll.u32 v3, $0x1  }
0x1ea: {  	v3 =	vand.u32 $0x7, v3;
	v4 =	vand.u32 $0xFFFFFFF0, v31  }
0x1eb: {  	v3 =	vor.u32 v3, v4  }
0x1ec: {  	v4 =	vperm.xlane v3, v0;
	_ =	sdelay $0x1  }
0x1ed: {  	v3 =	vperm.xlane v3, v2;
	v4 =	vadd.s32 v1, v4;
	_ =	sdelay $0x1  }
0x1ee: {  	v3 =	vadd.s32 v1, v3;
	_ =	sdelay $0x1  }
0x1ef: {  	s16 =	simm.s32 $0x17800  }
0x1f0: {  	[tilespmem:s16], [sflag:$0x3] =	stream.indirect_vreg.gather [hbm4b:s1+s3], $0x80, v4, vm0, $0xb8;
	[tilespmem:$0x18800] =	vst v63  }
0x1f1: {  	s17 =	simm.s32 $0x18000  }
0x1f2: {  	[tilespmem:s17], [sflag:$0x3] =	stream.indirect_vreg.gather [hbm4b:s1+s3], $0x80, v3, vm0, $0xb8;
	[tilespmem:$0x18800] =	vst v63  }
0x1f3: {  	_ =	swait.ge [sflag:s13], $0x8000  }
0x1f4: {  	[sflag:s13] =	ssyncset.done $0x0  }
0x1f5: {  	s4 =	simm.s32 $0x800;
	s11 =	rddreg [dreg:$0x8];
	[sflag:s13] =	ssyncadd.s32 $0xFFFF8000  }
0x1f6: {  	[hbm4b:s11+s3] =	stream.linear.scatter [tilespmem:s4], [sflag:$0x4], $0x8000, $0x38;
	[tilespmem:$0x18800] =	vst v63  }
0x1f7: {  	_ =	swait.ge [sflag:s0], $0x8000  }
0x1f8: {  	[sflag:s0] =	ssyncset.done $0x0  }
0x1f9: {  	[sflag:s0] =	ssyncadd.s32 $0xFFFF8000  }
0x1fa: {  	v3 =	vld [tilespmem:$0x280];
	_ =	sdelay $0x4  }
0x1fb: {  	v32 =	vshll.u32 v3, $0x1  }
0x1fc: {  	v3 =	vand.u32 $0x7, v3;
	v4 =	vand.u32 $0xFFFFFFF0, v32  }
0x1fd: {  	v3 =	vor.u32 v3, v4  }
0x1fe: {  	v4 =	vperm.xlane v3, v0;
	_ =	sdelay $0x1  }
0x1ff: {  	v3 =	vperm.xlane v3, v2;
	v4 =	vadd.s32 v1, v4;
	_ =	sdelay $0x1  }
0x200: {  	v3 =	vadd.s32 v1, v3;
	_ =	sdelay $0x2  }
0x201: {  	[tilespmem:s4], [sflag:$0x1] =	stream.indirect_vreg.gather [hbm4b:s1+s3], $0x80, v4, vm0, $0xb8;
	[tilespmem:$0x18800] =	vst v63  }
0x202: {  	s10 =	simm.s32 $0x1000  }
0x203: {  	[tilespmem:s10], [sflag:$0x1] =	stream.indirect_vreg.gather [hbm4b:s1+s3], $0x80, v3, vm0, $0xb8;
	[tilespmem:$0x18800] =	vst v63  }
0x204: {  	v3 =	vld [tilespmem:$0x290];
	_ =	sdelay $0x4  }
0x205: {  	v33 =	vshll.u32 v3, $0x1  }
0x206: {  	v3 =	vand.u32 $0x7, v3;
	v4 =	vand.u32 $0xFFFFFFF0, v33  }
0x207: {  	v3 =	vor.u32 v3, v4  }
0x208: {  	v4 =	vperm.xlane v3, v0;
	_ =	sdelay $0x1  }
0x209: {  	v3 =	vperm.xlane v3, v2;
	v4 =	vadd.s32 v1, v4;
	_ =	sdelay $0x1  }
0x20a: {  	v3 =	vadd.s32 v1, v3;
	_ =	sdelay $0x1  }
0x20b: {  	s11 =	simm.s32 $0x1800  }
0x20c: {  	[tilespmem:s11], [sflag:$0x1] =	stream.indirect_vreg.gather [hbm4b:s1+s3], $0x80, v4, vm0, $0xb8;
	[tilespmem:$0x18800] =	vst v63  }
0x20d: {  	s10 =	simm.s32 $0x2000  }
0x20e: {  	[tilespmem:s10], [sflag:$0x1] =	stream.indirect_vreg.gather [hbm4b:s1+s3], $0x80, v3, vm0, $0xb8;
	[tilespmem:$0x18800] =	vst v63  }
0x20f: {  	v3 =	vld [tilespmem:$0x2A0];
	_ =	sdelay $0x4  }
0x210: {  	v34 =	vshll.u32 v3, $0x1  }
0x211: {  	v3 =	vand.u32 $0x7, v3;
	v4 =	vand.u32 $0xFFFFFFF0, v34  }
0x212: {  	v3 =	vor.u32 v3, v4  }
0x213: {  	v4 =	vperm.xlane v3, v0;
	_ =	sdelay $0x1  }
0x214: {  	v3 =	vperm.xlane v3, v2;
	v4 =	vadd.s32 v1, v4;
	_ =	sdelay $0x1  }
0x215: {  	v3 =	vadd.s32 v1, v3;
	_ =	sdelay $0x1  }
0x216: {  	s11 =	simm.s32 $0x2800  }
0x217: {  	[tilespmem:s11], [sflag:$0x1] =	stream.indirect_vreg.gather [hbm4b:s1+s3], $0x80, v4, vm0, $0xb8;
	[tilespmem:$0x18800] =	vst v63  }
0x218: {  	s10 =	simm.s32 $0x3000  }
0x219: {  	[tilespmem:s10], [sflag:$0x1] =	stream.indirect_vreg.gather [hbm4b:s1+s3], $0x80, v3, vm0, $0xb8;
	[tilespmem:$0x18800] =	vst v63  }
0x21a: {  	v3 =	vld [tilespmem:$0x2B0];
	_ =	sdelay $0x4  }
0x21b: {  	v35 =	vshll.u32 v3, $0x1  }
0x21c: {  	v3 =	vand.u32 $0x7, v3;
	v4 =	vand.u32 $0xFFFFFFF0, v35  }
0x21d: {  	v3 =	vor.u32 v3, v4  }
0x21e: {  	v4 =	vperm.xlane v3, v0;
	_ =	sdelay $0x1  }
0x21f: {  	v3 =	vperm.xlane v3, v2;
	v4 =	vadd.s32 v1, v4;
	_ =	sdelay $0x1  }
0x220: {  	v3 =	vadd.s32 v1, v3;
	_ =	sdelay $0x1  }
0x221: {  	s11 =	simm.s32 $0x3800  }
0x222: {  	[tilespmem:s11], [sflag:$0x1] =	stream.indirect_vreg.gather [hbm4b:s1+s3], $0x80, v4, vm0, $0xb8;
	[tilespmem:$0x18800] =	vst v63  }
0x223: {  	s10 =	simm.s32 $0x4000  }
0x224: {  	[tilespmem:s10], [sflag:$0x1] =	stream.indirect_vreg.gather [hbm4b:s1+s3], $0x80, v3, vm0, $0xb8;
	[tilespmem:$0x18800] =	vst v63  }
0x225: {  	v3 =	vld [tilespmem:$0x2C0];
	_ =	sdelay $0x4  }
0x226: {  	v36 =	vshll.u32 v3, $0x1  }
0x227: {  	v3 =	vand.u32 $0x7, v3;
	v4 =	vand.u32 $0xFFFFFFF0, v36  }
0x228: {  	v3 =	vor.u32 v3, v4  }
0x229: {  	v4 =	vperm.xlane v3, v0;
	_ =	sdelay $0x1  }
0x22a: {  	v3 =	vperm.xlane v3, v2;
	v4 =	vadd.s32 v1, v4;
	_ =	sdelay $0x1  }
0x22b: {  	v3 =	vadd.s32 v1, v3;
	_ =	sdelay $0x1  }
0x22c: {  	s12 =	simm.s32 $0x4800  }
0x22d: {  	[tilespmem:s12], [sflag:$0x1] =	stream.indirect_vreg.gather [hbm4b:s1+s3], $0x80, v4, vm0, $0xb8;
	[tilespmem:$0x18800] =	vst v63  }
0x22e: {  	s11 =	simm.s32 $0x5000  }
0x22f: {  	[tilespmem:s11], [sflag:$0x1] =	stream.indirect_vreg.gather [hbm4b:s1+s3], $0x80, v3, vm0, $0xb8;
	[tilespmem:$0x18800] =	vst v63  }
0x230: {  	v3 =	vld [tilespmem:$0x2D0];
	_ =	sdelay $0x4  }
0x231: {  	v37 =	vshll.u32 v3, $0x1  }
0x232: {  	v3 =	vand.u32 $0x7, v3;
	v4 =	vand.u32 $0xFFFFFFF0, v37  }
0x233: {  	v3 =	vor.u32 v3, v4  }
0x234: {  	v4 =	vperm.xlane v3, v0;
	_ =	sdelay $0x1  }
0x235: {  	v3 =	vperm.xlane v3, v2;
	v4 =	vadd.s32 v1, v4;
	_ =	sdelay $0x1  }
0x236: {  	v3 =	vadd.s32 v1, v3;
	_ =	sdelay $0x1  }
0x237: {  	s23 =	simm.s32 $0x5800  }
0x238: {  	[tilespmem:s23], [sflag:$0x1] =	stream.indirect_vreg.gather [hbm4b:s1+s3], $0x80, v4, vm0, $0xb8;
	[tilespmem:$0x18800] =	vst v63  }
0x239: {  	s12 =	simm.s32 $0x6000  }
0x23a: {  	[tilespmem:s12], [sflag:$0x1] =	stream.indirect_vreg.gather [hbm4b:s1+s3], $0x80, v3, vm0, $0xb8;
	[tilespmem:$0x18800] =	vst v63  }
0x23b: {  	v3 =	vld [tilespmem:$0x2E0];
	_ =	sdelay $0x4  }
0x23c: {  	v38 =	vshll.u32 v3, $0x1  }
0x23d: {  	v3 =	vand.u32 $0x7, v3;
	v4 =	vand.u32 $0xFFFFFFF0, v38  }
0x23e: {  	v3 =	vor.u32 v3, v4  }
0x23f: {  	v4 =	vperm.xlane v3, v0;
	_ =	sdelay $0x1  }
0x240: {  	v3 =	vperm.xlane v3, v2;
	v4 =	vadd.s32 v1, v4;
	_ =	sdelay $0x1  }
0x241: {  	v3 =	vadd.s32 v1, v3;
	_ =	sdelay $0x1  }
0x242: {  	s23 =	simm.s32 $0x6800  }
0x243: {  	[tilespmem:s23], [sflag:$0x1] =	stream.indirect_vreg.gather [hbm4b:s1+s3], $0x80, v4, vm0, $0xb8;
	[tilespmem:$0x18800] =	vst v63  }
0x244: {  	s10 =	simm.s32 $0x7000  }
0x245: {  	[tilespmem:s10], [sflag:$0x1] =	stream.indirect_vreg.gather [hbm4b:s1+s3], $0x80, v3, vm0, $0xb8;
	[tilespmem:$0x18800] =	vst v63  }
0x246: {  	v3 =	vld [tilespmem:$0x2F0];
	_ =	sdelay $0x4  }
0x247: {  	v39 =	vshll.u32 v3, $0x1  }
0x248: {  	v3 =	vand.u32 $0x7, v3;
	v4 =	vand.u32 $0xFFFFFFF0, v39  }
0x249: {  	v3 =	vor.u32 v3, v4  }
0x24a: {  	v4 =	vperm.xlane v3, v0;
	_ =	sdelay $0x1  }
0x24b: {  	v3 =	vperm.xlane v3, v2;
	v4 =	vadd.s32 v1, v4;
	_ =	sdelay $0x1  }
0x24c: {  	v3 =	vadd.s32 v1, v3;
	_ =	sdelay $0x1  }
0x24d: {  	s11 =	simm.s32 $0x7800  }
0x24e: {  	[tilespmem:s11], [sflag:$0x1] =	stream.indirect_vreg.gather [hbm4b:s1+s3], $0x80, v4, vm0, $0xb8;
	[tilespmem:$0x18800] =	vst v63  }
0x24f: {  	s12 =	simm.s32 $0x8000  }
0x250: {  	[tilespmem:s12], [sflag:$0x1] =	stream.indirect_vreg.gather [hbm4b:s1+s3], $0x80, v3, vm0, $0xb8;
	[tilespmem:$0x18800] =	vst v63  }
0x251: {  	_ =	swait.ge [sflag:s2], $0x8000  }
0x252: {  	[sflag:s2] =	ssyncset.done $0x0  }
0x253: {  	s4 =	simm.s32 $0x8800;
	s23 =	rddreg [dreg:$0x9];
	[sflag:s2] =	ssyncadd.s32 $0xFFFF8000  }
0x254: {  	[hbm4b:s23+s3] =	stream.linear.scatter [tilespmem:s4], [sflag:$0x5], $0x8000, $0x38;
	[tilespmem:$0x18800] =	vst v63  }
0x255: {  	_ =	swait.ge [sflag:s6], $0x8000  }
0x256: {  	[sflag:s6] =	ssyncset.done $0x0  }
0x257: {  	[sflag:s6] =	ssyncadd.s32 $0xFFFF8000  }
0x258: {  	v3 =	vld [tilespmem:$0x300];
	_ =	sdelay $0x4  }
0x259: {  	v40 =	vshll.u32 v3, $0x1  }
0x25a: {  	v3 =	vand.u32 $0x7, v3;
	v4 =	vand.u32 $0xFFFFFFF0, v40  }
0x25b: {  	v3 =	vor.u32 v3, v4  }
0x25c: {  	v4 =	vperm.xlane v3, v0;
	_ =	sdelay $0x1  }
0x25d: {  	v3 =	vperm.xlane v3, v2;
	v4 =	vadd.s32 v1, v4;
	_ =	sdelay $0x1  }
0x25e: {  	v3 =	vadd.s32 v1, v3;
	_ =	sdelay $0x2  }
0x25f: {  	[tilespmem:s4], [sflag:$0x2] =	stream.indirect_vreg.gather [hbm4b:s1+s3], $0x80, v4, vm0, $0xb8;
	[tilespmem:$0x18800] =	vst v63  }
0x260: {  	s10 =	simm.s32 $0x9000  }
0x261: {  	[tilespmem:s10], [sflag:$0x2] =	stream.indirect_vreg.gather [hbm4b:s1+s3], $0x80, v3, vm0, $0xb8;
	[tilespmem:$0x18800] =	vst v63  }
0x262: {  	v3 =	vld [tilespmem:$0x310];
	_ =	sdelay $0x4  }
0x263: {  	v41 =	vshll.u32 v3, $0x1  }
0x264: {  	v3 =	vand.u32 $0x7, v3;
	v4 =	vand.u32 $0xFFFFFFF0, v41  }
0x265: {  	v3 =	vor.u32 v3, v4  }
0x266: {  	v4 =	vperm.xlane v3, v0;
	_ =	sdelay $0x1  }
0x267: {  	v3 =	vperm.xlane v3, v2;
	v4 =	vadd.s32 v1, v4;
	_ =	sdelay $0x1  }
0x268: {  	v3 =	vadd.s32 v1, v3;
	_ =	sdelay $0x1  }
0x269: {  	s19 =	simm.s32 $0x9800  }
0x26a: {  	[tilespmem:s19], [sflag:$0x2] =	stream.indirect_vreg.gather [hbm4b:s1+s3], $0x80, v4, vm0, $0xb8;
	[tilespmem:$0x18800] =	vst v63  }
0x26b: {  	s11 =	simm.s32 $0xA000  }
0x26c: {  	[tilespmem:s11], [sflag:$0x2] =	stream.indirect_vreg.gather [hbm4b:s1+s3], $0x80, v3, vm0, $0xb8;
	[tilespmem:$0x18800] =	vst v63  }
0x26d: {  	v3 =	vld [tilespmem:$0x320];
	_ =	sdelay $0x4  }
0x26e: {  	v42 =	vshll.u32 v3, $0x1  }
0x26f: {  	v3 =	vand.u32 $0x7, v3;
	v4 =	vand.u32 $0xFFFFFFF0, v42  }
0x270: {  	v3 =	vor.u32 v3, v4  }
0x271: {  	v4 =	vperm.xlane v3, v0;
	_ =	sdelay $0x1  }
0x272: {  	v3 =	vperm.xlane v3, v2;
	v4 =	vadd.s32 v1, v4;
	_ =	sdelay $0x1  }
0x273: {  	v3 =	vadd.s32 v1, v3;
	_ =	sdelay $0x1  }
0x274: {  	s5 =	simm.s32 $0xA800  }
0x275: {  	[tilespmem:s5], [sflag:$0x2] =	stream.indirect_vreg.gather [hbm4b:s1+s3], $0x80, v4, vm0, $0xb8;
	[tilespmem:$0x18800] =	vst v63  }
0x276: {  	s12 =	simm.s32 $0xB000  }
0x277: {  	[tilespmem:s12], [sflag:$0x2] =	stream.indirect_vreg.gather [hbm4b:s1+s3], $0x80, v3, vm0, $0xb8;
	[tilespmem:$0x18800] =	vst v63  }
0x278: {  	v3 =	vld [tilespmem:$0x330];
	_ =	sdelay $0x4  }
0x279: {  	v43 =	vshll.u32 v3, $0x1  }
0x27a: {  	v3 =	vand.u32 $0x7, v3;
	v4 =	vand.u32 $0xFFFFFFF0, v43  }
0x27b: {  	v3 =	vor.u32 v3, v4  }
0x27c: {  	v4 =	vperm.xlane v3, v0;
	_ =	sdelay $0x1  }
0x27d: {  	v3 =	vperm.xlane v3, v2;
	v4 =	vadd.s32 v1, v4;
	_ =	sdelay $0x1  }
0x27e: {  	v3 =	vadd.s32 v1, v3;
	_ =	sdelay $0x1  }
0x27f: {  	s18 =	simm.s32 $0xB800  }
0x280: {  	[tilespmem:s18], [sflag:$0x2] =	stream.indirect_vreg.gather [hbm4b:s1+s3], $0x80, v4, vm0, $0xb8;
	[tilespmem:$0x18800] =	vst v63  }
0x281: {  	s19 =	simm.s32 $0xC000  }
0x282: {  	[tilespmem:s19], [sflag:$0x2] =	stream.indirect_vreg.gather [hbm4b:s1+s3], $0x80, v3, vm0, $0xb8;
	[tilespmem:$0x18800] =	vst v63  }
0x283: {  	v3 =	vld [tilespmem:$0x340];
	_ =	sdelay $0x4  }
0x284: {  	v44 =	vshll.u32 v3, $0x1  }
0x285: {  	v3 =	vand.u32 $0x7, v3;
	v4 =	vand.u32 $0xFFFFFFF0, v44  }
0x286: {  	v3 =	vor.u32 v3, v4  }
0x287: {  	v4 =	vperm.xlane v3, v0;
	_ =	sdelay $0x1  }
0x288: {  	v3 =	vperm.xlane v3, v2;
	v4 =	vadd.s32 v1, v4;
	_ =	sdelay $0x1  }
0x289: {  	v3 =	vadd.s32 v1, v3;
	_ =	sdelay $0x1  }
0x28a: {  	s18 =	simm.s32 $0xC800  }
0x28b: {  	[tilespmem:s18], [sflag:$0x2] =	stream.indirect_vreg.gather [hbm4b:s1+s3], $0x80, v4, vm0, $0xb8;
	[tilespmem:$0x18800] =	vst v63  }
0x28c: {  	s15 =	simm.s32 $0xD000  }
0x28d: {  	[tilespmem:s15], [sflag:$0x2] =	stream.indirect_vreg.gather [hbm4b:s1+s3], $0x80, v3, vm0, $0xb8;
	[tilespmem:$0x18800] =	vst v63  }
0x28e: {  	v3 =	vld [tilespmem:$0x350];
	_ =	sdelay $0x4  }
0x28f: {  	v45 =	vshll.u32 v3, $0x1  }
0x290: {  	v3 =	vand.u32 $0x7, v3;
	v4 =	vand.u32 $0xFFFFFFF0, v45  }
0x291: {  	v3 =	vor.u32 v3, v4  }
0x292: {  	v4 =	vperm.xlane v3, v0;
	_ =	sdelay $0x1  }
0x293: {  	v3 =	vperm.xlane v3, v2;
	v4 =	vadd.s32 v1, v4;
	_ =	sdelay $0x1  }
0x294: {  	v3 =	vadd.s32 v1, v3;
	_ =	sdelay $0x1  }
0x295: {  	s19 =	simm.s32 $0xD800  }
0x296: {  	[tilespmem:s19], [sflag:$0x2] =	stream.indirect_vreg.gather [hbm4b:s1+s3], $0x80, v4, vm0, $0xb8;
	[tilespmem:$0x18800] =	vst v63  }
0x297: {  	s11 =	simm.s32 $0xE000  }
0x298: {  	[tilespmem:s11], [sflag:$0x2] =	stream.indirect_vreg.gather [hbm4b:s1+s3], $0x80, v3, vm0, $0xb8;
	[tilespmem:$0x18800] =	vst v63  }
0x299: {  	v3 =	vld [tilespmem:$0x360];
	_ =	sdelay $0x4  }
0x29a: {  	v46 =	vshll.u32 v3, $0x1  }
0x29b: {  	v3 =	vand.u32 $0x7, v3;
	v4 =	vand.u32 $0xFFFFFFF0, v46  }
0x29c: {  	v3 =	vor.u32 v3, v4  }
0x29d: {  	v4 =	vperm.xlane v3, v0;
	_ =	sdelay $0x1  }
0x29e: {  	v3 =	vperm.xlane v3, v2;
	v4 =	vadd.s32 v1, v4;
	_ =	sdelay $0x1  }
0x29f: {  	v3 =	vadd.s32 v1, v3;
	_ =	sdelay $0x1  }
0x2a0: {  	s15 =	simm.s32 $0xE800  }
0x2a1: {  	[tilespmem:s15], [sflag:$0x2] =	stream.indirect_vreg.gather [hbm4b:s1+s3], $0x80, v4, vm0, $0xb8;
	[tilespmem:$0x18800] =	vst v63  }
0x2a2: {  	s12 =	simm.s32 $0xF000  }
0x2a3: {  	[tilespmem:s12], [sflag:$0x2] =	stream.indirect_vreg.gather [hbm4b:s1+s3], $0x80, v3, vm0, $0xb8;
	[tilespmem:$0x18800] =	vst v63  }
0x2a4: {  	v3 =	vld [tilespmem:$0x370];
	_ =	sdelay $0x4  }
0x2a5: {  	v47 =	vshll.u32 v3, $0x1  }
0x2a6: {  	v3 =	vand.u32 $0x7, v3;
	v4 =	vand.u32 $0xFFFFFFF0, v47  }
0x2a7: {  	v3 =	vor.u32 v3, v4  }
0x2a8: {  	v4 =	vperm.xlane v3, v0;
	_ =	sdelay $0x1  }
0x2a9: {  	v3 =	vperm.xlane v3, v2;
	v4 =	vadd.s32 v1, v4;
	_ =	sdelay $0x1  }
0x2aa: {  	v3 =	vadd.s32 v1, v3;
	_ =	sdelay $0x1  }
0x2ab: {  	s23 =	simm.s32 $0xF800  }
0x2ac: {  	[tilespmem:s23], [sflag:$0x2] =	stream.indirect_vreg.gather [hbm4b:s1+s3], $0x80, v4, vm0, $0xb8;
	[tilespmem:$0x18800] =	vst v63  }
0x2ad: {  	s23 =	simm.s32 $0x10000  }
0x2ae: {  	[tilespmem:s23], [sflag:$0x2] =	stream.indirect_vreg.gather [hbm4b:s1+s3], $0x80, v3, vm0, $0xb8;
	[tilespmem:$0x18800] =	vst v63  }
0x2af: {  	_ =	swait.ge [sflag:s8], $0x8000  }
0x2b0: {  	[sflag:s8] =	ssyncset.done $0x0  }
0x2b1: {  	s5 =	simm.s32 $0x10800;
	s4 =	rddreg [dreg:$0xa];
	[sflag:s8] =	ssyncadd.s32 $0xFFFF8000  }
0x2b2: {  	[hbm4b:s4+s3] =	stream.linear.scatter [tilespmem:s5], [sflag:$0x6], $0x8000, $0x38;
	[tilespmem:$0x18800] =	vst v63  }
0x2b3: {  	_ =	swait.ge [sflag:s9], $0x8000  }
0x2b4: {  	[sflag:s9] =	ssyncset.done $0x0  }
0x2b5: {  	[sflag:s9] =	ssyncadd.s32 $0xFFFF8000  }
0x2b6: {  	v3 =	vld [tilespmem:$0x380];
	_ =	sdelay $0x4  }
0x2b7: {  	v48 =	vshll.u32 v3, $0x1  }
0x2b8: {  	v3 =	vand.u32 $0x7, v3;
	v4 =	vand.u32 $0xFFFFFFF0, v48  }
0x2b9: {  	v3 =	vor.u32 v3, v4  }
0x2ba: {  	v4 =	vperm.xlane v3, v0;
	_ =	sdelay $0x1  }
0x2bb: {  	v3 =	vperm.xlane v3, v2;
	v4 =	vadd.s32 v1, v4;
	_ =	sdelay $0x1  }
0x2bc: {  	v3 =	vadd.s32 v1, v3;
	_ =	sdelay $0x2  }
0x2bd: {  	[tilespmem:s5], [sflag:$0x3] =	stream.indirect_vreg.gather [hbm4b:s1+s3], $0x80, v4, vm0, $0xb8;
	[tilespmem:$0x18800] =	vst v63  }
0x2be: {  	_ = 	snop  }
0x2bf: {  	[tilespmem:s31], [sflag:$0x3] =	stream.indirect_vreg.gather [hbm4b:s1+s3], $0x80, v3, vm0, $0xb8;
	[tilespmem:$0x18800] =	vst v63  }
0x2c0: {  	v3 =	vld [tilespmem:$0x390];
	_ =	sdelay $0x4  }
0x2c1: {  	v49 =	vshll.u32 v3, $0x1  }
0x2c2: {  	v3 =	vand.u32 $0x7, v3;
	v4 =	vand.u32 $0xFFFFFFF0, v49  }
0x2c3: {  	v3 =	vor.u32 v3, v4  }
0x2c4: {  	v4 =	vperm.xlane v3, v0;
	_ =	sdelay $0x1  }
0x2c5: {  	v3 =	vperm.xlane v3, v2;
	v4 =	vadd.s32 v1, v4;
	_ =	sdelay $0x1  }
0x2c6: {  	v3 =	vadd.s32 v1, v3;
	_ =	sdelay $0x2  }
0x2c7: {  	[tilespmem:s7], [sflag:$0x3] =	stream.indirect_vreg.gather [hbm4b:s1+s3], $0x80, v4, vm0, $0xb8;
	[tilespmem:$0x18800] =	vst v63  }
0x2c8: {  	_ = 	snop  }
0x2c9: {  	[tilespmem:s20], [sflag:$0x3] =	stream.indirect_vreg.gather [hbm4b:s1+s3], $0x80, v3, vm0, $0xb8;
	[tilespmem:$0x18800] =	vst v63  }
0x2ca: {  	v3 =	vld [tilespmem:$0x3A0];
	_ =	sdelay $0x4  }
0x2cb: {  	v50 =	vshll.u32 v3, $0x1  }
0x2cc: {  	v3 =	vand.u32 $0x7, v3;
	v4 =	vand.u32 $0xFFFFFFF0, v50  }
0x2cd: {  	v3 =	vor.u32 v3, v4  }
0x2ce: {  	v4 =	vperm.xlane v3, v0;
	_ =	sdelay $0x1  }
0x2cf: {  	v3 =	vperm.xlane v3, v2;
	v4 =	vadd.s32 v1, v4;
	_ =	sdelay $0x1  }
0x2d0: {  	v3 =	vadd.s32 v1, v3;
	_ =	sdelay $0x2  }
0x2d1: {  	[tilespmem:s29], [sflag:$0x3] =	stream.indirect_vreg.gather [hbm4b:s1+s3], $0x80, v4, vm0, $0xb8;
	[tilespmem:$0x18800] =	vst v63  }
0x2d2: {  	_ = 	snop  }
0x2d3: {  	[tilespmem:s21], [sflag:$0x3] =	stream.indirect_vreg.gather [hbm4b:s1+s3], $0x80, v3, vm0, $0xb8;
	[tilespmem:$0x18800] =	vst v63  }
0x2d4: {  	v3 =	vld [tilespmem:$0x3B0];
	_ =	sdelay $0x4  }
0x2d5: {  	v51 =	vshll.u32 v3, $0x1  }
0x2d6: {  	v3 =	vand.u32 $0x7, v3;
	v4 =	vand.u32 $0xFFFFFFF0, v51  }
0x2d7: {  	v3 =	vor.u32 v3, v4  }
0x2d8: {  	v4 =	vperm.xlane v3, v0;
	_ =	sdelay $0x1  }
0x2d9: {  	v3 =	vperm.xlane v3, v2;
	v4 =	vadd.s32 v1, v4;
	_ =	sdelay $0x1  }
0x2da: {  	v3 =	vadd.s32 v1, v3;
	_ =	sdelay $0x2  }
0x2db: {  	[tilespmem:s30], [sflag:$0x3] =	stream.indirect_vreg.gather [hbm4b:s1+s3], $0x80, v4, vm0, $0xb8;
	[tilespmem:$0x18800] =	vst v63  }
0x2dc: {  	_ = 	snop  }
0x2dd: {  	[tilespmem:s22], [sflag:$0x3] =	stream.indirect_vreg.gather [hbm4b:s1+s3], $0x80, v3, vm0, $0xb8;
	[tilespmem:$0x18800] =	vst v63  }
0x2de: {  	v3 =	vld [tilespmem:$0x3C0];
	_ =	sdelay $0x4  }
0x2df: {  	v52 =	vshll.u32 v3, $0x1  }
0x2e0: {  	v3 =	vand.u32 $0x7, v3;
	v4 =	vand.u32 $0xFFFFFFF0, v52  }
0x2e1: {  	v3 =	vor.u32 v3, v4  }
0x2e2: {  	v4 =	vperm.xlane v3, v0;
	_ =	sdelay $0x1  }
0x2e3: {  	v3 =	vperm.xlane v3, v2;
	v4 =	vadd.s32 v1, v4;
	_ =	sdelay $0x1  }
0x2e4: {  	v3 =	vadd.s32 v1, v3;
	_ =	sdelay $0x2  }
0x2e5: {  	[tilespmem:s24], [sflag:$0x3] =	stream.indirect_vreg.gather [hbm4b:s1+s3], $0x80, v4, vm0, $0xb8;
	[tilespmem:$0x18800] =	vst v63  }
0x2e6: {  	_ = 	snop  }
0x2e7: {  	[tilespmem:s28], [sflag:$0x3] =	stream.indirect_vreg.gather [hbm4b:s1+s3], $0x80, v3, vm0, $0xb8;
	[tilespmem:$0x18800] =	vst v63  }
0x2e8: {  	v3 =	vld [tilespmem:$0x3D0];
	_ =	sdelay $0x4  }
0x2e9: {  	v53 =	vshll.u32 v3, $0x1  }
0x2ea: {  	v3 =	vand.u32 $0x7, v3;
	v4 =	vand.u32 $0xFFFFFFF0, v53  }
0x2eb: {  	v3 =	vor.u32 v3, v4  }
0x2ec: {  	v4 =	vperm.xlane v3, v0;
	_ =	sdelay $0x1  }
0x2ed: {  	v3 =	vperm.xlane v3, v2;
	v4 =	vadd.s32 v1, v4;
	_ =	sdelay $0x1  }
0x2ee: {  	v3 =	vadd.s32 v1, v3;
	_ =	sdelay $0x2  }
0x2ef: {  	[tilespmem:s25], [sflag:$0x3] =	stream.indirect_vreg.gather [hbm4b:s1+s3], $0x80, v4, vm0, $0xb8;
	[tilespmem:$0x18800] =	vst v63  }
0x2f0: {  	s28 =	simm.s32 $0x16000  }
0x2f1: {  	[tilespmem:s28], [sflag:$0x3] =	stream.indirect_vreg.gather [hbm4b:s1+s3], $0x80, v3, vm0, $0xb8;
	[tilespmem:$0x18800] =	vst v63  }
0x2f2: {  	v3 =	vld [tilespmem:$0x3E0];
	_ =	sdelay $0x4  }
0x2f3: {  	v54 =	vshll.u32 v3, $0x1  }
0x2f4: {  	v3 =	vand.u32 $0x7, v3;
	v4 =	vand.u32 $0xFFFFFFF0, v54  }
0x2f5: {  	v3 =	vor.u32 v3, v4  }
0x2f6: {  	v4 =	vperm.xlane v3, v0;
	_ =	sdelay $0x1  }
0x2f7: {  	v3 =	vperm.xlane v3, v2;
	v4 =	vadd.s32 v1, v4;
	_ =	sdelay $0x1  }
0x2f8: {  	v3 =	vadd.s32 v1, v3;
	_ =	sdelay $0x2  }
0x2f9: {  	[tilespmem:s26], [sflag:$0x3] =	stream.indirect_vreg.gather [hbm4b:s1+s3], $0x80, v4, vm0, $0xb8;
	[tilespmem:$0x18800] =	vst v63  }
0x2fa: {  	_ = 	snop  }
0x2fb: {  	[tilespmem:s14], [sflag:$0x3] =	stream.indirect_vreg.gather [hbm4b:s1+s3], $0x80, v3, vm0, $0xb8;
	[tilespmem:$0x18800] =	vst v63  }
0x2fc: {  	v3 =	vld [tilespmem:$0x3F0];
	_ =	sdelay $0x4  }
0x2fd: {  	v55 =	vshll.u32 v3, $0x1  }
0x2fe: {  	v3 =	vand.u32 $0x7, v3;
	v4 =	vand.u32 $0xFFFFFFF0, v55  }
0x2ff: {  	v3 =	vor.u32 v3, v4  }
0x300: {  	v4 =	vperm.xlane v3, v0;
	_ =	sdelay $0x1  }
0x301: {  	v3 =	vperm.xlane v3, v2;
	v4 =	vadd.s32 v1, v4;
	_ =	sdelay $0x1  }
0x302: {  	v3 =	vadd.s32 v1, v3;
	_ =	sdelay $0x2  }
0x303: {  	[tilespmem:s16], [sflag:$0x3] =	stream.indirect_vreg.gather [hbm4b:s1+s3], $0x80, v4, vm0, $0xb8;
	[tilespmem:$0x18800] =	vst v63  }
0x304: {  	_ = 	snop  }
0x305: {  	[tilespmem:s17], [sflag:$0x3] =	stream.indirect_vreg.gather [hbm4b:s1+s3], $0x80, v3, vm0, $0xb8;
	[tilespmem:$0x18800] =	vst v63  }
0x306: {  	_ =	swait.ge [sflag:s13], $0x8000  }
0x307: {  	[sflag:s13] =	ssyncset.done $0x0  }
0x308: {  	s7 =	simm.s32 $0x800;
	s5 =	rddreg [dreg:$0xb];
	[sflag:s13] =	ssyncadd.s32 $0xFFFF8000  }
0x309: {  	[hbm4b:s5+s3] =	stream.linear.scatter [tilespmem:s7], [sflag:$0x4], $0x8000, $0x38;
	[tilespmem:$0x18800] =	vst v63  }
0x30a: {  	_ =	swait.ge [sflag:s0], $0x8000  }
0x30b: {  	[sflag:s0] =	ssyncset.done $0x0  }
0x30c: {  	[sflag:s0] =	ssyncadd.s32 $0xFFFF8000  }
0x30d: {  	v3 =	vld [tilespmem:$0x400];
	_ =	sdelay $0x4  }
0x30e: {  	v56 =	vshll.u32 v3, $0x1  }
0x30f: {  	v3 =	vand.u32 $0x7, v3;
	v4 =	vand.u32 $0xFFFFFFF0, v56  }
0x310: {  	v3 =	vor.u32 v3, v4  }
0x311: {  	v4 =	vperm.xlane v3, v0;
	_ =	sdelay $0x1  }
0x312: {  	v3 =	vperm.xlane v3, v2;
	v4 =	vadd.s32 v1, v4;
	_ =	sdelay $0x1  }
0x313: {  	v3 =	vadd.s32 v1, v3;
	_ =	sdelay $0x2  }
0x314: {  	[tilespmem:s7], [sflag:$0x1] =	stream.indirect_vreg.gather [hbm4b:s1+s3], $0x80, v4, vm0, $0xb8;
	[tilespmem:$0x18800] =	vst v63  }
0x315: {  	s10 =	simm.s32 $0x1000  }
0x316: {  	[tilespmem:s10], [sflag:$0x1] =	stream.indirect_vreg.gather [hbm4b:s1+s3], $0x80, v3, vm0, $0xb8;
	[tilespmem:$0x18800] =	vst v63  }
0x317: {  	v3 =	vld [tilespmem:$0x410];
	_ =	sdelay $0x4  }
0x318: {  	v57 =	vshll.u32 v3, $0x1  }
0x319: {  	v3 =	vand.u32 $0x7, v3;
	v4 =	vand.u32 $0xFFFFFFF0, v57  }
0x31a: {  	v3 =	vor.u32 v3, v4  }
0x31b: {  	v4 =	vperm.xlane v3, v0;
	_ =	sdelay $0x1  }
0x31c: {  	v3 =	vperm.xlane v3, v2;
	v4 =	vadd.s32 v1, v4;
	_ =	sdelay $0x1  }
0x31d: {  	v3 =	vadd.s32 v1, v3;
	_ =	sdelay $0x1  }
0x31e: {  	s16 =	simm.s32 $0x1800  }
0x31f: {  	[tilespmem:s16], [sflag:$0x1] =	stream.indirect_vreg.gather [hbm4b:s1+s3], $0x80, v4, vm0, $0xb8;
	[tilespmem:$0x18800] =	vst v63  }
0x320: {  	s17 =	simm.s32 $0x2000  }
0x321: {  	[tilespmem:s17], [sflag:$0x1] =	stream.indirect_vreg.gather [hbm4b:s1+s3], $0x80, v3, vm0, $0xb8;
	[tilespmem:$0x18800] =	vst v63  }
0x322: {  	v3 =	vld [tilespmem:$0x420];
	_ =	sdelay $0x4  }
0x323: {  	v58 =	vshll.u32 v3, $0x1  }
0x324: {  	v3 =	vand.u32 $0x7, v3;
	v4 =	vand.u32 $0xFFFFFFF0, v58  }
0x325: {  	v3 =	vor.u32 v3, v4  }
0x326: {  	v4 =	vperm.xlane v3, v0;
	_ =	sdelay $0x1  }
0x327: {  	v3 =	vperm.xlane v3, v2;
	v4 =	vadd.s32 v1, v4;
	_ =	sdelay $0x1  }
0x328: {  	v3 =	vadd.s32 v1, v3;
	_ =	sdelay $0x1  }
0x329: {  	s7 =	simm.s32 $0x2800  }
0x32a: {  	[tilespmem:s7], [sflag:$0x1] =	stream.indirect_vreg.gather [hbm4b:s1+s3], $0x80, v4, vm0, $0xb8;
	[tilespmem:$0x18800] =	vst v63  }
0x32b: {  	s10 =	simm.s32 $0x3000  }
0x32c: {  	[tilespmem:s10], [sflag:$0x1] =	stream.indirect_vreg.gather [hbm4b:s1+s3], $0x80, v3, vm0, $0xb8;
	[tilespmem:$0x18800] =	vst v63  }
0x32d: {  	v3 =	vld [tilespmem:$0x430];
	_ =	sdelay $0x4  }
0x32e: {  	v59 =	vshll.u32 v3, $0x1  }
0x32f: {  	v3 =	vand.u32 $0x7, v3;
	v4 =	vand.u32 $0xFFFFFFF0, v59  }
0x330: {  	v3 =	vor.u32 v3, v4  }
0x331: {  	v4 =	vperm.xlane v3, v0;
	_ =	sdelay $0x1  }
0x332: {  	v3 =	vperm.xlane v3, v2;
	v4 =	vadd.s32 v1, v4;
	_ =	sdelay $0x1  }
0x333: {  	v3 =	vadd.s32 v1, v3;
	_ =	sdelay $0x1  }
0x334: {  	s16 =	simm.s32 $0x3800  }
0x335: {  	[tilespmem:s16], [sflag:$0x1] =	stream.indirect_vreg.gather [hbm4b:s1+s3], $0x80, v4, vm0, $0xb8;
	[tilespmem:$0x18800] =	vst v63  }
0x336: {  	s17 =	simm.s32 $0x4000  }
0x337: {  	[tilespmem:s17], [sflag:$0x1] =	stream.indirect_vreg.gather [hbm4b:s1+s3], $0x80, v3, vm0, $0xb8;
	[tilespmem:$0x18800] =	vst v63  }
0x338: {  	v3 =	vld [tilespmem:$0x440];
	_ =	sdelay $0x4  }
0x339: {  	v60 =	vshll.u32 v3, $0x1  }
0x33a: {  	v3 =	vand.u32 $0x7, v3;
	v4 =	vand.u32 $0xFFFFFFF0, v60  }
0x33b: {  	v3 =	vor.u32 v3, v4  }
0x33c: {  	v4 =	vperm.xlane v3, v0;
	_ =	sdelay $0x1  }
0x33d: {  	v3 =	vperm.xlane v3, v2;
	v4 =	vadd.s32 v1, v4;
	_ =	sdelay $0x1  }
0x33e: {  	v3 =	vadd.s32 v1, v3;
	_ =	sdelay $0x1  }
0x33f: {  	s7 =	simm.s32 $0x4800  }
0x340: {  	[tilespmem:s7], [sflag:$0x1] =	stream.indirect_vreg.gather [hbm4b:s1+s3], $0x80, v4, vm0, $0xb8;
	[tilespmem:$0x18800] =	vst v63  }
0x341: {  	s10 =	simm.s32 $0x5000  }
0x342: {  	[tilespmem:s10], [sflag:$0x1] =	stream.indirect_vreg.gather [hbm4b:s1+s3], $0x80, v3, vm0, $0xb8;
	[tilespmem:$0x18800] =	vst v63  }
0x343: {  	v3 =	vld [tilespmem:$0x450];
	_ =	sdelay $0x4  }
0x344: {  	v61 =	vshll.u32 v3, $0x1  }
0x345: {  	v3 =	vand.u32 $0x7, v3;
	v4 =	vand.u32 $0xFFFFFFF0, v61  }
0x346: {  	v3 =	vor.u32 v3, v4  }
0x347: {  	v4 =	vperm.xlane v3, v0;
	_ =	sdelay $0x1  }
0x348: {  	v3 =	vperm.xlane v3, v2;
	v4 =	vadd.s32 v1, v4;
	_ =	sdelay $0x1  }
0x349: {  	v3 =	vadd.s32 v1, v3;
	_ =	sdelay $0x1  }
0x34a: {  	s16 =	simm.s32 $0x5800  }
0x34b: {  	[tilespmem:s16], [sflag:$0x1] =	stream.indirect_vreg.gather [hbm4b:s1+s3], $0x80, v4, vm0, $0xb8;
	[tilespmem:$0x18800] =	vst v63  }
0x34c: {  	s17 =	simm.s32 $0x6000  }
0x34d: {  	[tilespmem:s17], [sflag:$0x1] =	stream.indirect_vreg.gather [hbm4b:s1+s3], $0x80, v3, vm0, $0xb8;
	[tilespmem:$0x18800] =	vst v63  }
0x34e: {  	v3 =	vld [tilespmem:$0x460];
	_ =	sdelay $0x4  }
0x34f: {  	v62 =	vshll.u32 v3, $0x1  }
0x350: {  	v3 =	vand.u32 $0x7, v3;
	v4 =	vand.u32 $0xFFFFFFF0, v62  }
0x351: {  	v3 =	vor.u32 v3, v4  }
0x352: {  	v4 =	vperm.xlane v3, v0;
	_ =	sdelay $0x1  }
0x353: {  	v3 =	vperm.xlane v3, v2;
	v4 =	vadd.s32 v1, v4;
	_ =	sdelay $0x1  }
0x354: {  	v3 =	vadd.s32 v1, v3;
	_ =	sdelay $0x1  }
0x355: {  	s7 =	simm.s32 $0x6800  }
0x356: {  	[tilespmem:s7], [sflag:$0x1] =	stream.indirect_vreg.gather [hbm4b:s1+s3], $0x80, v4, vm0, $0xb8;
	[tilespmem:$0x18800] =	vst v63  }
0x357: {  	s10 =	simm.s32 $0x7000  }
0x358: {  	[tilespmem:s10], [sflag:$0x1] =	stream.indirect_vreg.gather [hbm4b:s1+s3], $0x80, v3, vm0, $0xb8;
	[tilespmem:$0x18800] =	vst v63  }
0x359: {  	v3 =	vld [tilespmem:$0x470];
	_ =	sdelay $0x4  }
0x35a: {  	v63 =	vshll.u32 v3, $0x1  }
0x35b: {  	v3 =	vand.u32 $0x7, v3;
	v4 =	vand.u32 $0xFFFFFFF0, v63  }
0x35c: {  	v3 =	vor.u32 v3, v4  }
0x35d: {  	v4 =	vperm.xlane v3, v0;
	_ =	sdelay $0x1  }
0x35e: {  	v3 =	vperm.xlane v3, v2;
	v4 =	vadd.s32 v1, v4;
	_ =	sdelay $0x1  }
0x35f: {  	v3 =	vadd.s32 v1, v3;
	_ =	sdelay $0x1  }
0x360: {  	s16 =	simm.s32 $0x7800  }
0x361: {  	[tilespmem:s16], [sflag:$0x1] =	stream.indirect_vreg.gather [hbm4b:s1+s3], $0x80, v4, vm0, $0xb8;
	[tilespmem:$0x18800] =	vst v63  }
0x362: {  	s17 =	simm.s32 $0x8000  }
0x363: {  	[tilespmem:s17], [sflag:$0x1] =	stream.indirect_vreg.gather [hbm4b:s1+s3], $0x80, v3, vm0, $0xb8;
	[tilespmem:$0x18800] =	vst v63  }
0x364: {  	_ =	swait.ge [sflag:s2], $0x8000  }
0x365: {  	[sflag:s2] =	ssyncset.done $0x0  }
0x366: {  	s16 =	simm.s32 $0x8800;
	s7 =	rddreg [dreg:$0xc];
	[sflag:s2] =	ssyncadd.s32 $0xFFFF8000  }
0x367: {  	[hbm4b:s7+s3] =	stream.linear.scatter [tilespmem:s16], [sflag:$0x5], $0x8000, $0x38;
	[tilespmem:$0x18800] =	vst v63  }
0x368: {  	_ =	swait.ge [sflag:s6], $0x8000  }
0x369: {  	[sflag:s6] =	ssyncset.done $0x0  }
0x36a: {  	[sflag:s6] =	ssyncadd.s32 $0xFFFF8000  }
0x36b: {  	v3 =	vld [tilespmem:$0x480];
	_ =	sdelay $0x4  }
0x36c: {  	v8 =	vshll.u32 v3, $0x1  }
0x36d: {  	v3 =	vand.u32 $0x7, v3;
	v4 =	vand.u32 $0xFFFFFFF0, v8  }
0x36e: {  	v3 =	vor.u32 v3, v4  }
0x36f: {  	v4 =	vperm.xlane v3, v0;
	_ =	sdelay $0x1  }
0x370: {  	v3 =	vperm.xlane v3, v2;
	v4 =	vadd.s32 v1, v4;
	_ =	sdelay $0x1  }
0x371: {  	v3 =	vadd.s32 v1, v3;
	_ =	sdelay $0x2  }
0x372: {  	[tilespmem:s16], [sflag:$0x2] =	stream.indirect_vreg.gather [hbm4b:s1+s3], $0x80, v4, vm0, $0xb8;
	[tilespmem:$0x18800] =	vst v63  }
0x373: {  	s17 =	simm.s32 $0x9000  }
0x374: {  	[tilespmem:s17], [sflag:$0x2] =	stream.indirect_vreg.gather [hbm4b:s1+s3], $0x80, v3, vm0, $0xb8;
	[tilespmem:$0x18800] =	vst v63  }
0x375: {  	v3 =	vld [tilespmem:$0x490];
	_ =	sdelay $0x4  }
0x376: {  	v9 =	vshll.u32 v3, $0x1  }
0x377: {  	v3 =	vand.u32 $0x7, v3;
	v4 =	vand.u32 $0xFFFFFFF0, v9  }
0x378: {  	v3 =	vor.u32 v3, v4  }
0x379: {  	v4 =	vperm.xlane v3, v0;
	_ =	sdelay $0x1  }
0x37a: {  	v3 =	vperm.xlane v3, v2;
	v4 =	vadd.s32 v1, v4;
	_ =	sdelay $0x1  }
0x37b: {  	v3 =	vadd.s32 v1, v3;
	_ =	sdelay $0x1  }
0x37c: {  	s10 =	simm.s32 $0x9800  }
0x37d: {  	[tilespmem:s10], [sflag:$0x2] =	stream.indirect_vreg.gather [hbm4b:s1+s3], $0x80, v4, vm0, $0xb8;
	[tilespmem:$0x18800] =	vst v63  }
0x37e: {  	s16 =	simm.s32 $0xA000  }
0x37f: {  	[tilespmem:s16], [sflag:$0x2] =	stream.indirect_vreg.gather [hbm4b:s1+s3], $0x80, v3, vm0, $0xb8;
	[tilespmem:$0x18800] =	vst v63  }
0x380: {  	v3 =	vld [tilespmem:$0x4A0];
	_ =	sdelay $0x4  }
0x381: {  	v10 =	vshll.u32 v3, $0x1  }
0x382: {  	v3 =	vand.u32 $0x7, v3;
	v4 =	vand.u32 $0xFFFFFFF0, v10  }
0x383: {  	v3 =	vor.u32 v3, v4  }
0x384: {  	v4 =	vperm.xlane v3, v0;
	_ =	sdelay $0x1  }
0x385: {  	v3 =	vperm.xlane v3, v2;
	v4 =	vadd.s32 v1, v4;
	_ =	sdelay $0x1  }
0x386: {  	v3 =	vadd.s32 v1, v3;
	_ =	sdelay $0x1  }
0x387: {  	s17 =	simm.s32 $0xA800  }
0x388: {  	[tilespmem:s17], [sflag:$0x2] =	stream.indirect_vreg.gather [hbm4b:s1+s3], $0x80, v4, vm0, $0xb8;
	[tilespmem:$0x18800] =	vst v63  }
0x389: {  	s10 =	simm.s32 $0xB000  }
0x38a: {  	[tilespmem:s10], [sflag:$0x2] =	stream.indirect_vreg.gather [hbm4b:s1+s3], $0x80, v3, vm0, $0xb8;
	[tilespmem:$0x18800] =	vst v63  }
0x38b: {  	v3 =	vld [tilespmem:$0x4B0];
	_ =	sdelay $0x4  }
0x38c: {  	v11 =	vshll.u32 v3, $0x1  }
0x38d: {  	v3 =	vand.u32 $0x7, v3;
	v4 =	vand.u32 $0xFFFFFFF0, v11  }
0x38e: {  	v3 =	vor.u32 v3, v4  }
0x38f: {  	v4 =	vperm.xlane v3, v0;
	_ =	sdelay $0x1  }
0x390: {  	v3 =	vperm.xlane v3, v2;
	v4 =	vadd.s32 v1, v4;
	_ =	sdelay $0x1  }
0x391: {  	v3 =	vadd.s32 v1, v3;
	_ =	sdelay $0x1  }
0x392: {  	s16 =	simm.s32 $0xB800  }
0x393: {  	[tilespmem:s16], [sflag:$0x2] =	stream.indirect_vreg.gather [hbm4b:s1+s3], $0x80, v4, vm0, $0xb8;
	[tilespmem:$0x18800] =	vst v63  }
0x394: {  	s17 =	simm.s32 $0xC000  }
0x395: {  	[tilespmem:s17], [sflag:$0x2] =	stream.indirect_vreg.gather [hbm4b:s1+s3], $0x80, v3, vm0, $0xb8;
	[tilespmem:$0x18800] =	vst v63  }
0x396: {  	v3 =	vld [tilespmem:$0x4C0];
	_ =	sdelay $0x4  }
0x397: {  	v12 =	vshll.u32 v3, $0x1  }
0x398: {  	v3 =	vand.u32 $0x7, v3;
	v4 =	vand.u32 $0xFFFFFFF0, v12  }
0x399: {  	v3 =	vor.u32 v3, v4  }
0x39a: {  	v4 =	vperm.xlane v3, v0;
	_ =	sdelay $0x1  }
0x39b: {  	v3 =	vperm.xlane v3, v2;
	v4 =	vadd.s32 v1, v4;
	_ =	sdelay $0x1  }
0x39c: {  	v3 =	vadd.s32 v1, v3;
	_ =	sdelay $0x2  }
0x39d: {  	[tilespmem:s18], [sflag:$0x2] =	stream.indirect_vreg.gather [hbm4b:s1+s3], $0x80, v4, vm0, $0xb8;
	[tilespmem:$0x18800] =	vst v63  }
0x39e: {  	s7 =	simm.s32 $0xD000  }
0x39f: {  	[tilespmem:s7], [sflag:$0x2] =	stream.indirect_vreg.gather [hbm4b:s1+s3], $0x80, v3, vm0, $0xb8;
	[tilespmem:$0x18800] =	vst v63  }
0x3a0: {  	v3 =	vld [tilespmem:$0x4D0];
	_ =	sdelay $0x4  }
0x3a1: {  	v13 =	vshll.u32 v3, $0x1  }
0x3a2: {  	v3 =	vand.u32 $0x7, v3;
	v4 =	vand.u32 $0xFFFFFFF0, v13  }
0x3a3: {  	v3 =	vor.u32 v3, v4  }
0x3a4: {  	v4 =	vperm.xlane v3, v0;
	_ =	sdelay $0x1  }
0x3a5: {  	v3 =	vperm.xlane v3, v2;
	v4 =	vadd.s32 v1, v4;
	_ =	sdelay $0x1  }
0x3a6: {  	v3 =	vadd.s32 v1, v3;
	_ =	sdelay $0x2  }
0x3a7: {  	[tilespmem:s19], [sflag:$0x2] =	stream.indirect_vreg.gather [hbm4b:s1+s3], $0x80, v4, vm0, $0xb8;
	[tilespmem:$0x18800] =	vst v63  }
0x3a8: {  	_ = 	snop  }
0x3a9: {  	[tilespmem:s11], [sflag:$0x2] =	stream.indirect_vreg.gather [hbm4b:s1+s3], $0x80, v3, vm0, $0xb8;
	[tilespmem:$0x18800] =	vst v63  }
0x3aa: {  	v3 =	vld [tilespmem:$0x4E0];
	_ =	sdelay $0x4  }
0x3ab: {  	v14 =	vshll.u32 v3, $0x1  }
0x3ac: {  	v3 =	vand.u32 $0x7, v3;
	v4 =	vand.u32 $0xFFFFFFF0, v14  }
0x3ad: {  	v3 =	vor.u32 v3, v4  }
0x3ae: {  	v4 =	vperm.xlane v3, v0;
	_ =	sdelay $0x1  }
0x3af: {  	v3 =	vperm.xlane v3, v2;
	v4 =	vadd.s32 v1, v4;
	_ =	sdelay $0x1  }
0x3b0: {  	v3 =	vadd.s32 v1, v3;
	_ =	sdelay $0x2  }
0x3b1: {  	[tilespmem:s15], [sflag:$0x2] =	stream.indirect_vreg.gather [hbm4b:s1+s3], $0x80, v4, vm0, $0xb8;
	[tilespmem:$0x18800] =	vst v63  }
0x3b2: {  	_ = 	snop  }
0x3b3: {  	[tilespmem:s12], [sflag:$0x2] =	stream.indirect_vreg.gather [hbm4b:s1+s3], $0x80, v3, vm0, $0xb8;
	[tilespmem:$0x18800] =	vst v63  }
0x3b4: {  	v3 =	vld [tilespmem:$0x4F0];
	_ =	sdelay $0x4  }
0x3b5: {  	v15 =	vshll.u32 v3, $0x1  }
0x3b6: {  	v3 =	vand.u32 $0x7, v3;
	v4 =	vand.u32 $0xFFFFFFF0, v15  }
0x3b7: {  	v3 =	vor.u32 v3, v4  }
0x3b8: {  	v4 =	vperm.xlane v3, v0;
	_ =	sdelay $0x1  }
0x3b9: {  	v3 =	vperm.xlane v3, v2;
	v4 =	vadd.s32 v1, v4;
	_ =	sdelay $0x1  }
0x3ba: {  	v3 =	vadd.s32 v1, v3;
	_ =	sdelay $0x1  }
0x3bb: {  	s19 =	simm.s32 $0xF800  }
0x3bc: {  	[tilespmem:s19], [sflag:$0x2] =	stream.indirect_vreg.gather [hbm4b:s1+s3], $0x80, v4, vm0, $0xb8;
	[tilespmem:$0x18800] =	vst v63  }
0x3bd: {  	_ = 	snop  }
0x3be: {  	[tilespmem:s23], [sflag:$0x2] =	stream.indirect_vreg.gather [hbm4b:s1+s3], $0x80, v3, vm0, $0xb8;
	[tilespmem:$0x18800] =	vst v63  }
0x3bf: {  	_ =	swait.ge [sflag:s8], $0x8000  }
0x3c0: {  	[sflag:s8] =	ssyncset.done $0x0  }
0x3c1: {  	s23 =	simm.s32 $0x10800;
	s16 =	rddreg [dreg:$0xd];
	[sflag:s8] =	ssyncadd.s32 $0xFFFF8000  }
0x3c2: {  	[hbm4b:s16+s3] =	stream.linear.scatter [tilespmem:s23], [sflag:$0x6], $0x8000, $0x38;
	[tilespmem:$0x18800] =	vst v63  }
0x3c3: {  	_ =	swait.ge [sflag:s9], $0x8000  }
0x3c4: {  	[sflag:s9] =	ssyncset.done $0x0  }
0x3c5: {  	[sflag:s9] =	ssyncadd.s32 $0xFFFF8000  }
0x3c6: {  	v3 =	vld [tilespmem:$0x500];
	_ =	sdelay $0x4  }
0x3c7: {  	v16 =	vshll.u32 v3, $0x1  }
0x3c8: {  	v3 =	vand.u32 $0x7, v3;
	v4 =	vand.u32 $0xFFFFFFF0, v16  }
0x3c9: {  	v3 =	vor.u32 v3, v4  }
0x3ca: {  	v4 =	vperm.xlane v3, v0;
	_ =	sdelay $0x1  }
0x3cb: {  	v3 =	vperm.xlane v3, v2;
	v4 =	vadd.s32 v1, v4;
	_ =	sdelay $0x1  }
0x3cc: {  	v3 =	vadd.s32 v1, v3;
	_ =	sdelay $0x2  }
0x3cd: {  	[tilespmem:s23], [sflag:$0x3] =	stream.indirect_vreg.gather [hbm4b:s1+s3], $0x80, v4, vm0, $0xb8;
	[tilespmem:$0x18800] =	vst v63  }
0x3ce: {  	s31 =	simm.s32 $0x11000  }
0x3cf: {  	[tilespmem:s31], [sflag:$0x3] =	stream.indirect_vreg.gather [hbm4b:s1+s3], $0x80, v3, vm0, $0xb8;
	[tilespmem:$0x18800] =	vst v63  }
0x3d0: {  	v3 =	vld [tilespmem:$0x510];
	_ =	sdelay $0x4  }
0x3d1: {  	v17 =	vshll.u32 v3, $0x1  }
0x3d2: {  	v3 =	vand.u32 $0x7, v3;
	v4 =	vand.u32 $0xFFFFFFF0, v17  }
0x3d3: {  	v3 =	vor.u32 v3, v4  }
0x3d4: {  	v4 =	vperm.xlane v3, v0;
	_ =	sdelay $0x1  }
0x3d5: {  	v3 =	vperm.xlane v3, v2;
	v4 =	vadd.s32 v1, v4;
	_ =	sdelay $0x1  }
0x3d6: {  	v3 =	vadd.s32 v1, v3;
	_ =	sdelay $0x1  }
0x3d7: {  	s31 =	simm.s32 $0x11800  }
0x3d8: {  	[tilespmem:s31], [sflag:$0x3] =	stream.indirect_vreg.gather [hbm4b:s1+s3], $0x80, v4, vm0, $0xb8;
	[tilespmem:$0x18800] =	vst v63  }
0x3d9: {  	s16 =	simm.s32 $0x12000  }
0x3da: {  	[tilespmem:s16], [sflag:$0x3] =	stream.indirect_vreg.gather [hbm4b:s1+s3], $0x80, v3, vm0, $0xb8;
	[tilespmem:$0x18800] =	vst v63  }
0x3db: {  	v3 =	vld [tilespmem:$0x520];
	_ =	sdelay $0x4  }
0x3dc: {  	v18 =	vshll.u32 v3, $0x1  }
0x3dd: {  	v3 =	vand.u32 $0x7, v3;
	v4 =	vand.u32 $0xFFFFFFF0, v18  }
0x3de: {  	v3 =	vor.u32 v3, v4  }
0x3df: {  	v4 =	vperm.xlane v3, v0;
	_ =	sdelay $0x1  }
0x3e0: {  	v3 =	vperm.xlane v3, v2;
	v4 =	vadd.s32 v1, v4;
	_ =	sdelay $0x1  }
0x3e1: {  	v3 =	vadd.s32 v1, v3;
	_ =	sdelay $0x1  }
0x3e2: {  	s20 =	simm.s32 $0x12800  }
0x3e3: {  	[tilespmem:s20], [sflag:$0x3] =	stream.indirect_vreg.gather [hbm4b:s1+s3], $0x80, v4, vm0, $0xb8;
	[tilespmem:$0x18800] =	vst v63  }
0x3e4: {  	s29 =	simm.s32 $0x13000  }
0x3e5: {  	[tilespmem:s29], [sflag:$0x3] =	stream.indirect_vreg.gather [hbm4b:s1+s3], $0x80, v3, vm0, $0xb8;
	[tilespmem:$0x18800] =	vst v63  }
0x3e6: {  	v3 =	vld [tilespmem:$0x530];
	_ =	sdelay $0x4  }
0x3e7: {  	v19 =	vshll.u32 v3, $0x1  }
0x3e8: {  	v3 =	vand.u32 $0x7, v3;
	v4 =	vand.u32 $0xFFFFFFF0, v19  }
0x3e9: {  	v3 =	vor.u32 v3, v4  }
0x3ea: {  	v4 =	vperm.xlane v3, v0;
	_ =	sdelay $0x1  }
0x3eb: {  	v3 =	vperm.xlane v3, v2;
	v4 =	vadd.s32 v1, v4;
	_ =	sdelay $0x1  }
0x3ec: {  	v3 =	vadd.s32 v1, v3;
	_ =	sdelay $0x1  }
0x3ed: {  	s21 =	simm.s32 $0x13800  }
0x3ee: {  	[tilespmem:s21], [sflag:$0x3] =	stream.indirect_vreg.gather [hbm4b:s1+s3], $0x80, v4, vm0, $0xb8;
	[tilespmem:$0x18800] =	vst v63  }
0x3ef: {  	s22 =	simm.s32 $0x14000  }
0x3f0: {  	[tilespmem:s22], [sflag:$0x3] =	stream.indirect_vreg.gather [hbm4b:s1+s3], $0x80, v3, vm0, $0xb8;
	[tilespmem:$0x18800] =	vst v63  }
0x3f1: {  	v3 =	vld [tilespmem:$0x540];
	_ =	sdelay $0x4  }
0x3f2: {  	v20 =	vshll.u32 v3, $0x1  }
0x3f3: {  	v3 =	vand.u32 $0x7, v3;
	v4 =	vand.u32 $0xFFFFFFF0, v20  }
0x3f4: {  	v3 =	vor.u32 v3, v4  }
0x3f5: {  	v4 =	vperm.xlane v3, v0;
	_ =	sdelay $0x1  }
0x3f6: {  	v3 =	vperm.xlane v3, v2;
	v4 =	vadd.s32 v1, v4;
	_ =	sdelay $0x1  }
0x3f7: {  	v3 =	vadd.s32 v1, v3;
	_ =	sdelay $0x1  }
0x3f8: {  	s24 =	simm.s32 $0x14800  }
0x3f9: {  	[tilespmem:s24], [sflag:$0x3] =	stream.indirect_vreg.gather [hbm4b:s1+s3], $0x80, v4, vm0, $0xb8;
	[tilespmem:$0x18800] =	vst v63  }
0x3fa: {  	s30 =	simm.s32 $0x15000  }
0x3fb: {  	[tilespmem:s30], [sflag:$0x3] =	stream.indirect_vreg.gather [hbm4b:s1+s3], $0x80, v3, vm0, $0xb8;
	[tilespmem:$0x18800] =	vst v63  }
0x3fc: {  	v3 =	vld [tilespmem:$0x550];
	_ =	sdelay $0x4  }
0x3fd: {  	v21 =	vshll.u32 v3, $0x1  }
0x3fe: {  	v3 =	vand.u32 $0x7, v3;
	v4 =	vand.u32 $0xFFFFFFF0, v21  }
0x3ff: {  	v3 =	vor.u32 v3, v4  }
0x400: {  	v4 =	vperm.xlane v3, v0;
	_ =	sdelay $0x1  }
0x401: {  	v3 =	vperm.xlane v3, v2;
	v4 =	vadd.s32 v1, v4;
	_ =	sdelay $0x1  }
0x402: {  	v3 =	vadd.s32 v1, v3;
	_ =	sdelay $0x1  }
0x403: {  	s25 =	simm.s32 $0x15800  }
0x404: {  	[tilespmem:s25], [sflag:$0x3] =	stream.indirect_vreg.gather [hbm4b:s1+s3], $0x80, v4, vm0, $0xb8;
	[tilespmem:$0x18800] =	vst v63  }
0x405: {  	s28 =	simm.s32 $0x16000  }
0x406: {  	[tilespmem:s28], [sflag:$0x3] =	stream.indirect_vreg.gather [hbm4b:s1+s3], $0x80, v3, vm0, $0xb8;
	[tilespmem:$0x18800] =	vst v63  }
0x407: {  	v3 =	vld [tilespmem:$0x560];
	_ =	sdelay $0x4  }
0x408: {  	v22 =	vshll.u32 v3, $0x1  }
0x409: {  	v3 =	vand.u32 $0x7, v3;
	v4 =	vand.u32 $0xFFFFFFF0, v22  }
0x40a: {  	v3 =	vor.u32 v3, v4  }
0x40b: {  	v4 =	vperm.xlane v3, v0;
	_ =	sdelay $0x1  }
0x40c: {  	v3 =	vperm.xlane v3, v2;
	v4 =	vadd.s32 v1, v4;
	_ =	sdelay $0x1  }
0x40d: {  	v3 =	vadd.s32 v1, v3;
	_ =	sdelay $0x1  }
0x40e: {  	s26 =	simm.s32 $0x16800  }
0x40f: {  	[tilespmem:s26], [sflag:$0x3] =	stream.indirect_vreg.gather [hbm4b:s1+s3], $0x80, v4, vm0, $0xb8;
	[tilespmem:$0x18800] =	vst v63  }
0x410: {  	s14 =	simm.s32 $0x17000  }
0x411: {  	[tilespmem:s14], [sflag:$0x3] =	stream.indirect_vreg.gather [hbm4b:s1+s3], $0x80, v3, vm0, $0xb8;
	[tilespmem:$0x18800] =	vst v63  }
0x412: {  	v3 =	vld [tilespmem:$0x570];
	_ =	sdelay $0x4  }
0x413: {  	v23 =	vshll.u32 v3, $0x1  }
0x414: {  	v3 =	vand.u32 $0x7, v3;
	v4 =	vand.u32 $0xFFFFFFF0, v23  }
0x415: {  	v3 =	vor.u32 v3, v4  }
0x416: {  	v4 =	vperm.xlane v3, v0;
	_ =	sdelay $0x1  }
0x417: {  	v3 =	vperm.xlane v3, v2;
	v4 =	vadd.s32 v1, v4;
	_ =	sdelay $0x1  }
0x418: {  	v3 =	vadd.s32 v1, v3;
	_ =	sdelay $0x1  }
0x419: {  	s21 =	simm.s32 $0x17800  }
0x41a: {  	[tilespmem:s21], [sflag:$0x3] =	stream.indirect_vreg.gather [hbm4b:s1+s3], $0x80, v4, vm0, $0xb8;
	[tilespmem:$0x18800] =	vst v63  }
0x41b: {  	s26 =	simm.s32 $0x18000  }
0x41c: {  	[tilespmem:s26], [sflag:$0x3] =	stream.indirect_vreg.gather [hbm4b:s1+s3], $0x80, v3, vm0, $0xb8;
	[tilespmem:$0x18800] =	vst v63  }
0x41d: {  	_ =	swait.ge [sflag:s13], $0x8000  }
0x41e: {  	[sflag:s13] =	ssyncset.done $0x0  }
0x41f: {  	s4 =	simm.s32 $0x800;
	s28 =	rddreg [dreg:$0xe];
	[sflag:s13] =	ssyncadd.s32 $0xFFFF8000  }
0x420: {  	[hbm4b:s28+s3] =	stream.linear.scatter [tilespmem:s4], [sflag:$0x4], $0x8000, $0x38;
	[tilespmem:$0x18800] =	vst v63  }
0x421: {  	_ =	swait.ge [sflag:s0], $0x8000  }
0x422: {  	[sflag:s0] =	ssyncset.done $0x0  }
0x423: {  	[sflag:s0] =	ssyncadd.s32 $0xFFFF8000  }
0x424: {  	v3 =	vld [tilespmem:$0x580];
	_ =	sdelay $0x4  }
0x425: {  	v24 =	vshll.u32 v3, $0x1  }
0x426: {  	v3 =	vand.u32 $0x7, v3;
	v4 =	vand.u32 $0xFFFFFFF0, v24  }
0x427: {  	v3 =	vor.u32 v3, v4  }
0x428: {  	v4 =	vperm.xlane v3, v0;
	_ =	sdelay $0x1  }
0x429: {  	v3 =	vperm.xlane v3, v2;
	v4 =	vadd.s32 v1, v4;
	_ =	sdelay $0x1  }
0x42a: {  	v3 =	vadd.s32 v1, v3;
	_ =	sdelay $0x2  }
0x42b: {  	[tilespmem:s4], [sflag:$0x1] =	stream.indirect_vreg.gather [hbm4b:s1+s3], $0x80, v4, vm0, $0xb8;
	[tilespmem:$0x18800] =	vst v63  }
0x42c: {  	s29 =	simm.s32 $0x1000  }
0x42d: {  	[tilespmem:s29], [sflag:$0x1] =	stream.indirect_vreg.gather [hbm4b:s1+s3], $0x80, v3, vm0, $0xb8;
	[tilespmem:$0x18800] =	vst v63  }
0x42e: {  	v3 =	vld [tilespmem:$0x590];
	_ =	sdelay $0x4  }
0x42f: {  	v25 =	vshll.u32 v3, $0x1  }
0x430: {  	v3 =	vand.u32 $0x7, v3;
	v4 =	vand.u32 $0xFFFFFFF0, v25  }
0x431: {  	v3 =	vor.u32 v3, v4  }
0x432: {  	v4 =	vperm.xlane v3, v0;
	_ =	sdelay $0x1  }
0x433: {  	v3 =	vperm.xlane v3, v2;
	v4 =	vadd.s32 v1, v4;
	_ =	sdelay $0x1  }
0x434: {  	v3 =	vadd.s32 v1, v3;
	_ =	sdelay $0x1  }
0x435: {  	s30 =	simm.s32 $0x1800  }
0x436: {  	[tilespmem:s30], [sflag:$0x1] =	stream.indirect_vreg.gather [hbm4b:s1+s3], $0x80, v4, vm0, $0xb8;
	[tilespmem:$0x18800] =	vst v63  }
0x437: {  	s31 =	simm.s32 $0x2000  }
0x438: {  	[tilespmem:s31], [sflag:$0x1] =	stream.indirect_vreg.gather [hbm4b:s1+s3], $0x80, v3, vm0, $0xb8;
	[tilespmem:$0x18800] =	vst v63  }
0x439: {  	v3 =	vld [tilespmem:$0x5A0];
	_ =	sdelay $0x4  }
0x43a: {  	v26 =	vshll.u32 v3, $0x1  }
0x43b: {  	v3 =	vand.u32 $0x7, v3;
	v4 =	vand.u32 $0xFFFFFFF0, v26  }
0x43c: {  	v3 =	vor.u32 v3, v4  }
0x43d: {  	v4 =	vperm.xlane v3, v0;
	_ =	sdelay $0x1  }
0x43e: {  	v3 =	vperm.xlane v3, v2;
	v4 =	vadd.s32 v1, v4;
	_ =	sdelay $0x1  }
0x43f: {  	v3 =	vadd.s32 v1, v3;
	_ =	sdelay $0x1  }
0x440: {  	s4 =	simm.s32 $0x2800  }
0x441: {  	[tilespmem:s4], [sflag:$0x1] =	stream.indirect_vreg.gather [hbm4b:s1+s3], $0x80, v4, vm0, $0xb8;
	[tilespmem:$0x18800] =	vst v63  }
0x442: {  	s21 =	simm.s32 $0x3000  }
0x443: {  	[tilespmem:s21], [sflag:$0x1] =	stream.indirect_vreg.gather [hbm4b:s1+s3], $0x80, v3, vm0, $0xb8;
	[tilespmem:$0x18800] =	vst v63  }
0x444: {  	v3 =	vld [tilespmem:$0x5B0];
	_ =	sdelay $0x4  }
0x445: {  	v27 =	vshll.u32 v3, $0x1  }
0x446: {  	v3 =	vand.u32 $0x7, v3;
	v4 =	vand.u32 $0xFFFFFFF0, v27  }
0x447: {  	v3 =	vor.u32 v3, v4  }
0x448: {  	v4 =	vperm.xlane v3, v0;
	_ =	sdelay $0x1  }
0x449: {  	v3 =	vperm.xlane v3, v2;
	v4 =	vadd.s32 v1, v4;
	_ =	sdelay $0x1  }
0x44a: {  	v3 =	vadd.s32 v1, v3;
	_ =	sdelay $0x1  }
0x44b: {  	s28 =	simm.s32 $0x3800  }
0x44c: {  	[tilespmem:s28], [sflag:$0x1] =	stream.indirect_vreg.gather [hbm4b:s1+s3], $0x80, v4, vm0, $0xb8;
	[tilespmem:$0x18800] =	vst v63  }
0x44d: {  	s29 =	simm.s32 $0x4000  }
0x44e: {  	[tilespmem:s29], [sflag:$0x1] =	stream.indirect_vreg.gather [hbm4b:s1+s3], $0x80, v3, vm0, $0xb8;
	[tilespmem:$0x18800] =	vst v63  }
0x44f: {  	v3 =	vld [tilespmem:$0x5C0];
	_ =	sdelay $0x4  }
0x450: {  	v28 =	vshll.u32 v3, $0x1  }
0x451: {  	v3 =	vand.u32 $0x7, v3;
	v4 =	vand.u32 $0xFFFFFFF0, v28  }
0x452: {  	v3 =	vor.u32 v3, v4  }
0x453: {  	v4 =	vperm.xlane v3, v0;
	_ =	sdelay $0x1  }
0x454: {  	v3 =	vperm.xlane v3, v2;
	v4 =	vadd.s32 v1, v4;
	_ =	sdelay $0x1  }
0x455: {  	v3 =	vadd.s32 v1, v3;
	_ =	sdelay $0x1  }
0x456: {  	s30 =	simm.s32 $0x4800  }
0x457: {  	[tilespmem:s30], [sflag:$0x1] =	stream.indirect_vreg.gather [hbm4b:s1+s3], $0x80, v4, vm0, $0xb8;
	[tilespmem:$0x18800] =	vst v63  }
0x458: {  	s31 =	simm.s32 $0x5000  }
0x459: {  	[tilespmem:s31], [sflag:$0x1] =	stream.indirect_vreg.gather [hbm4b:s1+s3], $0x80, v3, vm0, $0xb8;
	[tilespmem:$0x18800] =	vst v63  }
0x45a: {  	v3 =	vld [tilespmem:$0x5D0];
	_ =	sdelay $0x4  }
0x45b: {  	v29 =	vshll.u32 v3, $0x1  }
0x45c: {  	v3 =	vand.u32 $0x7, v3;
	v4 =	vand.u32 $0xFFFFFFF0, v29  }
0x45d: {  	v3 =	vor.u32 v3, v4  }
0x45e: {  	v4 =	vperm.xlane v3, v0;
	_ =	sdelay $0x1  }
0x45f: {  	v3 =	vperm.xlane v3, v2;
	v4 =	vadd.s32 v1, v4;
	_ =	sdelay $0x1  }
0x460: {  	v3 =	vadd.s32 v1, v3;
	_ =	sdelay $0x1  }
0x461: {  	s4 =	simm.s32 $0x5800  }
0x462: {  	[tilespmem:s4], [sflag:$0x1] =	stream.indirect_vreg.gather [hbm4b:s1+s3], $0x80, v4, vm0, $0xb8;
	[tilespmem:$0x18800] =	vst v63  }
0x463: {  	s21 =	simm.s32 $0x6000  }
0x464: {  	[tilespmem:s21], [sflag:$0x1] =	stream.indirect_vreg.gather [hbm4b:s1+s3], $0x80, v3, vm0, $0xb8;
	[tilespmem:$0x18800] =	vst v63  }
0x465: {  	v3 =	vld [tilespmem:$0x5E0];
	_ =	sdelay $0x4  }
0x466: {  	v30 =	vshll.u32 v3, $0x1  }
0x467: {  	v3 =	vand.u32 $0x7, v3;
	v4 =	vand.u32 $0xFFFFFFF0, v30  }
0x468: {  	v3 =	vor.u32 v3, v4  }
0x469: {  	v4 =	vperm.xlane v3, v0;
	_ =	sdelay $0x1  }
0x46a: {  	v3 =	vperm.xlane v3, v2;
	v4 =	vadd.s32 v1, v4;
	_ =	sdelay $0x1  }
0x46b: {  	v3 =	vadd.s32 v1, v3;
	_ =	sdelay $0x1  }
0x46c: {  	s29 =	simm.s32 $0x6800  }
0x46d: {  	[tilespmem:s29], [sflag:$0x1] =	stream.indirect_vreg.gather [hbm4b:s1+s3], $0x80, v4, vm0, $0xb8;
	[tilespmem:$0x18800] =	vst v63  }
0x46e: {  	s31 =	simm.s32 $0x7000  }
0x46f: {  	[tilespmem:s31], [sflag:$0x1] =	stream.indirect_vreg.gather [hbm4b:s1+s3], $0x80, v3, vm0, $0xb8;
	[tilespmem:$0x18800] =	vst v63  }
0x470: {  	v3 =	vld [tilespmem:$0x5F0];
	_ =	sdelay $0x4  }
0x471: {  	v31 =	vshll.u32 v3, $0x1  }
0x472: {  	v3 =	vand.u32 $0x7, v3;
	v4 =	vand.u32 $0xFFFFFFF0, v31  }
0x473: {  	v3 =	vor.u32 v3, v4  }
0x474: {  	v4 =	vperm.xlane v3, v0;
	_ =	sdelay $0x1  }
0x475: {  	v3 =	vperm.xlane v3, v2;
	v4 =	vadd.s32 v1, v4;
	_ =	sdelay $0x1  }
0x476: {  	v3 =	vadd.s32 v1, v3;
	_ =	sdelay $0x1  }
0x477: {  	s4 =	simm.s32 $0x7800  }
0x478: {  	[tilespmem:s4], [sflag:$0x1] =	stream.indirect_vreg.gather [hbm4b:s1+s3], $0x80, v4, vm0, $0xb8;
	[tilespmem:$0x18800] =	vst v63  }
0x479: {  	s29 =	simm.s32 $0x8000  }
0x47a: {  	[tilespmem:s29], [sflag:$0x1] =	stream.indirect_vreg.gather [hbm4b:s1+s3], $0x80, v3, vm0, $0xb8;
	[tilespmem:$0x18800] =	vst v63  }
0x47b: {  	_ =	swait.ge [sflag:s2], $0x8000  }
0x47c: {  	[sflag:s2] =	ssyncset.done $0x0  }
0x47d: {  	s5 =	simm.s32 $0x8800;
	s31 =	rddreg [dreg:$0xf];
	[sflag:s2] =	ssyncadd.s32 $0xFFFF8000  }
0x47e: {  	[hbm4b:s31+s3] =	stream.linear.scatter [tilespmem:s5], [sflag:$0x5], $0x8000, $0x38;
	[tilespmem:$0x18800] =	vst v63  }
0x47f: {  	_ =	swait.ge [sflag:s6], $0x8000  }
0x480: {  	[sflag:s6] =	ssyncset.done $0x0  }
0x481: {  	[sflag:s6] =	ssyncadd.s32 $0xFFFF8000  }
0x482: {  	v3 =	vld [tilespmem:$0x600];
	_ =	sdelay $0x4  }
0x483: {  	v32 =	vshll.u32 v3, $0x1  }
0x484: {  	v3 =	vand.u32 $0x7, v3;
	v4 =	vand.u32 $0xFFFFFFF0, v32  }
0x485: {  	v3 =	vor.u32 v3, v4  }
0x486: {  	v4 =	vperm.xlane v3, v0;
	_ =	sdelay $0x1  }
0x487: {  	v3 =	vperm.xlane v3, v2;
	v4 =	vadd.s32 v1, v4;
	_ =	sdelay $0x1  }
0x488: {  	v3 =	vadd.s32 v1, v3;
	_ =	sdelay $0x2  }
0x489: {  	[tilespmem:s5], [sflag:$0x2] =	stream.indirect_vreg.gather [hbm4b:s1+s3], $0x80, v4, vm0, $0xb8;
	[tilespmem:$0x18800] =	vst v63  }
0x48a: {  	s29 =	simm.s32 $0x9000  }
0x48b: {  	[tilespmem:s29], [sflag:$0x2] =	stream.indirect_vreg.gather [hbm4b:s1+s3], $0x80, v3, vm0, $0xb8;
	[tilespmem:$0x18800] =	vst v63  }
0x48c: {  	v3 =	vld [tilespmem:$0x610];
	_ =	sdelay $0x4  }
0x48d: {  	v33 =	vshll.u32 v3, $0x1  }
0x48e: {  	v3 =	vand.u32 $0x7, v3;
	v4 =	vand.u32 $0xFFFFFFF0, v33  }
0x48f: {  	v3 =	vor.u32 v3, v4  }
0x490: {  	v4 =	vperm.xlane v3, v0;
	_ =	sdelay $0x1  }
0x491: {  	v3 =	vperm.xlane v3, v2;
	v4 =	vadd.s32 v1, v4;
	_ =	sdelay $0x1  }
0x492: {  	v3 =	vadd.s32 v1, v3;
	_ =	sdelay $0x1  }
0x493: {  	s31 =	simm.s32 $0x9800  }
0x494: {  	[tilespmem:s31], [sflag:$0x2] =	stream.indirect_vreg.gather [hbm4b:s1+s3], $0x80, v4, vm0, $0xb8;
	[tilespmem:$0x18800] =	vst v63  }
0x495: {  	s5 =	simm.s32 $0xA000  }
0x496: {  	[tilespmem:s5], [sflag:$0x2] =	stream.indirect_vreg.gather [hbm4b:s1+s3], $0x80, v3, vm0, $0xb8;
	[tilespmem:$0x18800] =	vst v63  }
0x497: {  	v3 =	vld [tilespmem:$0x620];
	_ =	sdelay $0x4  }
0x498: {  	v34 =	vshll.u32 v3, $0x1  }
0x499: {  	v3 =	vand.u32 $0x7, v3;
	v4 =	vand.u32 $0xFFFFFFF0, v34  }
0x49a: {  	v3 =	vor.u32 v3, v4  }
0x49b: {  	v4 =	vperm.xlane v3, v0;
	_ =	sdelay $0x1  }
0x49c: {  	v3 =	vperm.xlane v3, v2;
	v4 =	vadd.s32 v1, v4;
	_ =	sdelay $0x1  }
0x49d: {  	v3 =	vadd.s32 v1, v3;
	_ =	sdelay $0x1  }
0x49e: {  	s31 =	simm.s32 $0xA800  }
0x49f: {  	[tilespmem:s31], [sflag:$0x2] =	stream.indirect_vreg.gather [hbm4b:s1+s3], $0x80, v4, vm0, $0xb8;
	[tilespmem:$0x18800] =	vst v63  }
0x4a0: {  	s5 =	simm.s32 $0xB000  }
0x4a1: {  	[tilespmem:s5], [sflag:$0x2] =	stream.indirect_vreg.gather [hbm4b:s1+s3], $0x80, v3, vm0, $0xb8;
	[tilespmem:$0x18800] =	vst v63  }
0x4a2: {  	v3 =	vld [tilespmem:$0x630];
	_ =	sdelay $0x4  }
0x4a3: {  	v35 =	vshll.u32 v3, $0x1  }
0x4a4: {  	v3 =	vand.u32 $0x7, v3;
	v4 =	vand.u32 $0xFFFFFFF0, v35  }
0x4a5: {  	v3 =	vor.u32 v3, v4  }
0x4a6: {  	v4 =	vperm.xlane v3, v0;
	_ =	sdelay $0x1  }
0x4a7: {  	v3 =	vperm.xlane v3, v2;
	v4 =	vadd.s32 v1, v4;
	_ =	sdelay $0x1  }
0x4a8: {  	v3 =	vadd.s32 v1, v3;
	_ =	sdelay $0x1  }
0x4a9: {  	s5 =	simm.s32 $0xB800  }
0x4aa: {  	[tilespmem:s5], [sflag:$0x2] =	stream.indirect_vreg.gather [hbm4b:s1+s3], $0x80, v4, vm0, $0xb8;
	[tilespmem:$0x18800] =	vst v63  }
0x4ab: {  	s5 =	simm.s32 $0xC000  }
0x4ac: {  	[tilespmem:s5], [sflag:$0x2] =	stream.indirect_vreg.gather [hbm4b:s1+s3], $0x80, v3, vm0, $0xb8;
	[tilespmem:$0x18800] =	vst v63  }
0x4ad: {  	v3 =	vld [tilespmem:$0x640];
	_ =	sdelay $0x4  }
0x4ae: {  	v36 =	vshll.u32 v3, $0x1  }
0x4af: {  	v3 =	vand.u32 $0x7, v3;
	v4 =	vand.u32 $0xFFFFFFF0, v36  }
0x4b0: {  	v3 =	vor.u32 v3, v4  }
0x4b1: {  	v4 =	vperm.xlane v3, v0;
	_ =	sdelay $0x1  }
0x4b2: {  	v3 =	vperm.xlane v3, v2;
	v4 =	vadd.s32 v1, v4;
	_ =	sdelay $0x1  }
0x4b3: {  	v3 =	vadd.s32 v1, v3;
	_ =	sdelay $0x1  }
0x4b4: {  	s17 =	simm.s32 $0xC800  }
0x4b5: {  	[tilespmem:s17], [sflag:$0x2] =	stream.indirect_vreg.gather [hbm4b:s1+s3], $0x80, v4, vm0, $0xb8;
	[tilespmem:$0x18800] =	vst v63  }
0x4b6: {  	_ = 	snop  }
0x4b7: {  	[tilespmem:s7], [sflag:$0x2] =	stream.indirect_vreg.gather [hbm4b:s1+s3], $0x80, v3, vm0, $0xb8;
	[tilespmem:$0x18800] =	vst v63  }
0x4b8: {  	v3 =	vld [tilespmem:$0x650];
	_ =	sdelay $0x4  }
0x4b9: {  	v37 =	vshll.u32 v3, $0x1  }
0x4ba: {  	v3 =	vand.u32 $0x7, v3;
	v4 =	vand.u32 $0xFFFFFFF0, v37  }
0x4bb: {  	v3 =	vor.u32 v3, v4  }
0x4bc: {  	v4 =	vperm.xlane v3, v0;
	_ =	sdelay $0x1  }
0x4bd: {  	v3 =	vperm.xlane v3, v2;
	v4 =	vadd.s32 v1, v4;
	_ =	sdelay $0x1  }
0x4be: {  	v3 =	vadd.s32 v1, v3;
	_ =	sdelay $0x1  }
0x4bf: {  	s18 =	simm.s32 $0xD800  }
0x4c0: {  	[tilespmem:s18], [sflag:$0x2] =	stream.indirect_vreg.gather [hbm4b:s1+s3], $0x80, v4, vm0, $0xb8;
	[tilespmem:$0x18800] =	vst v63  }
0x4c1: {  	s11 =	simm.s32 $0xE000  }
0x4c2: {  	[tilespmem:s11], [sflag:$0x2] =	stream.indirect_vreg.gather [hbm4b:s1+s3], $0x80, v3, vm0, $0xb8;
	[tilespmem:$0x18800] =	vst v63  }
0x4c3: {  	v3 =	vld [tilespmem:$0x660];
	_ =	sdelay $0x4  }
0x4c4: {  	v38 =	vshll.u32 v3, $0x1  }
0x4c5: {  	v3 =	vand.u32 $0x7, v3;
	v4 =	vand.u32 $0xFFFFFFF0, v38  }
0x4c6: {  	v3 =	vor.u32 v3, v4  }
0x4c7: {  	v4 =	vperm.xlane v3, v0;
	_ =	sdelay $0x1  }
0x4c8: {  	v3 =	vperm.xlane v3, v2;
	v4 =	vadd.s32 v1, v4;
	_ =	sdelay $0x1  }
0x4c9: {  	v3 =	vadd.s32 v1, v3;
	_ =	sdelay $0x1  }
0x4ca: {  	s15 =	simm.s32 $0xE800  }
0x4cb: {  	[tilespmem:s15], [sflag:$0x2] =	stream.indirect_vreg.gather [hbm4b:s1+s3], $0x80, v4, vm0, $0xb8;
	[tilespmem:$0x18800] =	vst v63  }
0x4cc: {  	s12 =	simm.s32 $0xF000  }
0x4cd: {  	[tilespmem:s12], [sflag:$0x2] =	stream.indirect_vreg.gather [hbm4b:s1+s3], $0x80, v3, vm0, $0xb8;
	[tilespmem:$0x18800] =	vst v63  }
0x4ce: {  	v3 =	vld [tilespmem:$0x670];
	_ =	sdelay $0x4  }
0x4cf: {  	v39 =	vshll.u32 v3, $0x1  }
0x4d0: {  	v3 =	vand.u32 $0x7, v3;
	v4 =	vand.u32 $0xFFFFFFF0, v39  }
0x4d1: {  	v3 =	vor.u32 v3, v4  }
0x4d2: {  	v4 =	vperm.xlane v3, v0;
	_ =	sdelay $0x1  }
0x4d3: {  	v3 =	vperm.xlane v3, v2;
	v4 =	vadd.s32 v1, v4;
	_ =	sdelay $0x1  }
0x4d4: {  	v3 =	vadd.s32 v1, v3;
	_ =	sdelay $0x1  }
0x4d5: {  	s18 =	simm.s32 $0xF800  }
0x4d6: {  	[tilespmem:s18], [sflag:$0x2] =	stream.indirect_vreg.gather [hbm4b:s1+s3], $0x80, v4, vm0, $0xb8;
	[tilespmem:$0x18800] =	vst v63  }
0x4d7: {  	s19 =	simm.s32 $0x10000  }
0x4d8: {  	[tilespmem:s19], [sflag:$0x2] =	stream.indirect_vreg.gather [hbm4b:s1+s3], $0x80, v3, vm0, $0xb8;
	[tilespmem:$0x18800] =	vst v63  }
0x4d9: {  	_ =	swait.ge [sflag:s8], $0x8000  }
0x4da: {  	[sflag:s8] =	ssyncset.done $0x0  }
0x4db: {  	s23 =	simm.s32 $0x10800;
	s7 =	rddreg [dreg:$0x10];
	[sflag:s8] =	ssyncadd.s32 $0xFFFF8000  }
0x4dc: {  	[hbm4b:s7+s3] =	stream.linear.scatter [tilespmem:s23], [sflag:$0x6], $0x8000, $0x38;
	[tilespmem:$0x18800] =	vst v63  }
0x4dd: {  	_ =	swait.ge [sflag:s9], $0x8000  }
0x4de: {  	[sflag:s9] =	ssyncset.done $0x0  }
0x4df: {  	[sflag:s9] =	ssyncadd.s32 $0xFFFF8000  }
0x4e0: {  	v3 =	vld [tilespmem:$0x680];
	_ =	sdelay $0x4  }
0x4e1: {  	v40 =	vshll.u32 v3, $0x1  }
0x4e2: {  	v3 =	vand.u32 $0x7, v3;
	v4 =	vand.u32 $0xFFFFFFF0, v40  }
0x4e3: {  	v3 =	vor.u32 v3, v4  }
0x4e4: {  	v4 =	vperm.xlane v3, v0;
	_ =	sdelay $0x1  }
0x4e5: {  	v3 =	vperm.xlane v3, v2;
	v4 =	vadd.s32 v1, v4;
	_ =	sdelay $0x1  }
0x4e6: {  	v3 =	vadd.s32 v1, v3;
	_ =	sdelay $0x2  }
0x4e7: {  	[tilespmem:s23], [sflag:$0x3] =	stream.indirect_vreg.gather [hbm4b:s1+s3], $0x80, v4, vm0, $0xb8;
	[tilespmem:$0x18800] =	vst v63  }
0x4e8: {  	s10 =	simm.s32 $0x11000  }
0x4e9: {  	[tilespmem:s10], [sflag:$0x3] =	stream.indirect_vreg.gather [hbm4b:s1+s3], $0x80, v3, vm0, $0xb8;
	[tilespmem:$0x18800] =	vst v63  }
0x4ea: {  	v3 =	vld [tilespmem:$0x690];
	_ =	sdelay $0x4  }
0x4eb: {  	v41 =	vshll.u32 v3, $0x1  }
0x4ec: {  	v3 =	vand.u32 $0x7, v3;
	v4 =	vand.u32 $0xFFFFFFF0, v41  }
0x4ed: {  	v3 =	vor.u32 v3, v4  }
0x4ee: {  	v4 =	vperm.xlane v3, v0;
	_ =	sdelay $0x1  }
0x4ef: {  	v3 =	vperm.xlane v3, v2;
	v4 =	vadd.s32 v1, v4;
	_ =	sdelay $0x1  }
0x4f0: {  	v3 =	vadd.s32 v1, v3;
	_ =	sdelay $0x1  }
0x4f1: {  	s11 =	simm.s32 $0x11800  }
0x4f2: {  	[tilespmem:s11], [sflag:$0x3] =	stream.indirect_vreg.gather [hbm4b:s1+s3], $0x80, v4, vm0, $0xb8;
	[tilespmem:$0x18800] =	vst v63  }
0x4f3: {  	s12 =	simm.s32 $0x12000  }
0x4f4: {  	[tilespmem:s12], [sflag:$0x3] =	stream.indirect_vreg.gather [hbm4b:s1+s3], $0x80, v3, vm0, $0xb8;
	[tilespmem:$0x18800] =	vst v63  }
0x4f5: {  	v3 =	vld [tilespmem:$0x6A0];
	_ =	sdelay $0x4  }
0x4f6: {  	v42 =	vshll.u32 v3, $0x1  }
0x4f7: {  	v3 =	vand.u32 $0x7, v3;
	v4 =	vand.u32 $0xFFFFFFF0, v42  }
0x4f8: {  	v3 =	vor.u32 v3, v4  }
0x4f9: {  	v4 =	vperm.xlane v3, v0;
	_ =	sdelay $0x1  }
0x4fa: {  	v3 =	vperm.xlane v3, v2;
	v4 =	vadd.s32 v1, v4;
	_ =	sdelay $0x1  }
0x4fb: {  	v3 =	vadd.s32 v1, v3;
	_ =	sdelay $0x1  }
0x4fc: {  	s15 =	simm.s32 $0x12800  }
0x4fd: {  	[tilespmem:s15], [sflag:$0x3] =	stream.indirect_vreg.gather [hbm4b:s1+s3], $0x80, v4, vm0, $0xb8;
	[tilespmem:$0x18800] =	vst v63  }
0x4fe: {  	s19 =	simm.s32 $0x13000  }
0x4ff: {  	[tilespmem:s19], [sflag:$0x3] =	stream.indirect_vreg.gather [hbm4b:s1+s3], $0x80, v3, vm0, $0xb8;
	[tilespmem:$0x18800] =	vst v63  }
0x500: {  	v3 =	vld [tilespmem:$0x6B0];
	_ =	sdelay $0x4  }
0x501: {  	v43 =	vshll.u32 v3, $0x1  }
0x502: {  	v3 =	vand.u32 $0x7, v3;
	v4 =	vand.u32 $0xFFFFFFF0, v43  }
0x503: {  	v3 =	vor.u32 v3, v4  }
0x504: {  	v4 =	vperm.xlane v3, v0;
	_ =	sdelay $0x1  }
0x505: {  	v3 =	vperm.xlane v3, v2;
	v4 =	vadd.s32 v1, v4;
	_ =	sdelay $0x1  }
0x506: {  	v3 =	vadd.s32 v1, v3;
	_ =	sdelay $0x1  }
0x507: {  	s23 =	simm.s32 $0x13800  }
0x508: {  	[tilespmem:s23], [sflag:$0x3] =	stream.indirect_vreg.gather [hbm4b:s1+s3], $0x80, v4, vm0, $0xb8;
	[tilespmem:$0x18800] =	vst v63  }
0x509: {  	s7 =	simm.s32 $0x14000  }
0x50a: {  	[tilespmem:s7], [sflag:$0x3] =	stream.indirect_vreg.gather [hbm4b:s1+s3], $0x80, v3, vm0, $0xb8;
	[tilespmem:$0x18800] =	vst v63  }
0x50b: {  	v3 =	vld [tilespmem:$0x6C0];
	_ =	sdelay $0x4  }
0x50c: {  	v44 =	vshll.u32 v3, $0x1  }
0x50d: {  	v3 =	vand.u32 $0x7, v3;
	v4 =	vand.u32 $0xFFFFFFF0, v44  }
0x50e: {  	v3 =	vor.u32 v3, v4  }
0x50f: {  	v4 =	vperm.xlane v3, v0;
	_ =	sdelay $0x1  }
0x510: {  	v3 =	vperm.xlane v3, v2;
	v4 =	vadd.s32 v1, v4;
	_ =	sdelay $0x1  }
0x511: {  	v3 =	vadd.s32 v1, v3;
	_ =	sdelay $0x1  }
0x512: {  	s10 =	simm.s32 $0x14800  }
0x513: {  	[tilespmem:s10], [sflag:$0x3] =	stream.indirect_vreg.gather [hbm4b:s1+s3], $0x80, v4, vm0, $0xb8;
	[tilespmem:$0x18800] =	vst v63  }
0x514: {  	s20 =	simm.s32 $0x15000  }
0x515: {  	[tilespmem:s20], [sflag:$0x3] =	stream.indirect_vreg.gather [hbm4b:s1+s3], $0x80, v3, vm0, $0xb8;
	[tilespmem:$0x18800] =	vst v63  }
0x516: {  	v3 =	vld [tilespmem:$0x6D0];
	_ =	sdelay $0x4  }
0x517: {  	v45 =	vshll.u32 v3, $0x1  }
0x518: {  	v3 =	vand.u32 $0x7, v3;
	v4 =	vand.u32 $0xFFFFFFF0, v45  }
0x519: {  	v3 =	vor.u32 v3, v4  }
0x51a: {  	v4 =	vperm.xlane v3, v0;
	_ =	sdelay $0x1  }
0x51b: {  	v3 =	vperm.xlane v3, v2;
	v4 =	vadd.s32 v1, v4;
	_ =	sdelay $0x1  }
0x51c: {  	v3 =	vadd.s32 v1, v3;
	_ =	sdelay $0x1  }
0x51d: {  	s22 =	simm.s32 $0x15800  }
0x51e: {  	[tilespmem:s22], [sflag:$0x3] =	stream.indirect_vreg.gather [hbm4b:s1+s3], $0x80, v4, vm0, $0xb8;
	[tilespmem:$0x18800] =	vst v63  }
0x51f: {  	s16 =	simm.s32 $0x16000  }
0x520: {  	[tilespmem:s16], [sflag:$0x3] =	stream.indirect_vreg.gather [hbm4b:s1+s3], $0x80, v3, vm0, $0xb8;
	[tilespmem:$0x18800] =	vst v63  }
0x521: {  	v3 =	vld [tilespmem:$0x6E0];
	_ =	sdelay $0x4  }
0x522: {  	v46 =	vshll.u32 v3, $0x1  }
0x523: {  	v3 =	vand.u32 $0x7, v3;
	v4 =	vand.u32 $0xFFFFFFF0, v46  }
0x524: {  	v3 =	vor.u32 v3, v4  }
0x525: {  	v4 =	vperm.xlane v3, v0;
	_ =	sdelay $0x1  }
0x526: {  	v3 =	vperm.xlane v3, v2;
	v4 =	vadd.s32 v1, v4;
	_ =	sdelay $0x1  }
0x527: {  	v3 =	vadd.s32 v1, v3;
	_ =	sdelay $0x1  }
0x528: {  	s24 =	simm.s32 $0x16800  }
0x529: {  	[tilespmem:s24], [sflag:$0x3] =	stream.indirect_vreg.gather [hbm4b:s1+s3], $0x80, v4, vm0, $0xb8;
	[tilespmem:$0x18800] =	vst v63  }
0x52a: {  	s25 =	simm.s32 $0x17000  }
0x52b: {  	[tilespmem:s25], [sflag:$0x3] =	stream.indirect_vreg.gather [hbm4b:s1+s3], $0x80, v3, vm0, $0xb8;
	[tilespmem:$0x18800] =	vst v63  }
0x52c: {  	v3 =	vld [tilespmem:$0x6F0];
	_ =	sdelay $0x4  }
0x52d: {  	v47 =	vshll.u32 v3, $0x1  }
0x52e: {  	v3 =	vand.u32 $0x7, v3;
	v4 =	vand.u32 $0xFFFFFFF0, v47  }
0x52f: {  	v3 =	vor.u32 v3, v4  }
0x530: {  	v4 =	vperm.xlane v3, v0;
	_ =	sdelay $0x1  }
0x531: {  	v3 =	vperm.xlane v3, v2;
	v4 =	vadd.s32 v1, v4;
	_ =	sdelay $0x1  }
0x532: {  	v3 =	vadd.s32 v1, v3;
	_ =	sdelay $0x1  }
0x533: {  	s14 =	simm.s32 $0x17800  }
0x534: {  	[tilespmem:s14], [sflag:$0x3] =	stream.indirect_vreg.gather [hbm4b:s1+s3], $0x80, v4, vm0, $0xb8;
	[tilespmem:$0x18800] =	vst v63  }
0x535: {  	s26 =	simm.s32 $0x18000  }
0x536: {  	[tilespmem:s26], [sflag:$0x3] =	stream.indirect_vreg.gather [hbm4b:s1+s3], $0x80, v3, vm0, $0xb8;
	[tilespmem:$0x18800] =	vst v63  }
0x537: {  	_ =	swait.ge [sflag:s13], $0x8000  }
0x538: {  	[sflag:s13] =	ssyncset.done $0x0  }
0x539: {  	s20 =	simm.s32 $0x800;
	s16 =	rddreg [dreg:$0x11];
	[sflag:s13] =	ssyncadd.s32 $0xFFFF8000  }
0x53a: {  	[hbm4b:s16+s3] =	stream.linear.scatter [tilespmem:s20], [sflag:$0x4], $0x8000, $0x38;
	[tilespmem:$0x18800] =	vst v63  }
0x53b: {  	_ =	swait.ge [sflag:s0], $0x8000  }
0x53c: {  	[sflag:s0] =	ssyncset.done $0x0  }
0x53d: {  	[sflag:s0] =	ssyncadd.s32 $0xFFFF8000  }
0x53e: {  	v3 =	vld [tilespmem:$0x700];
	_ =	sdelay $0x4  }
0x53f: {  	v48 =	vshll.u32 v3, $0x1  }
0x540: {  	v3 =	vand.u32 $0x7, v3;
	v4 =	vand.u32 $0xFFFFFFF0, v48  }
0x541: {  	v3 =	vor.u32 v3, v4  }
0x542: {  	v4 =	vperm.xlane v3, v0;
	_ =	sdelay $0x1  }
0x543: {  	v3 =	vperm.xlane v3, v2;
	v4 =	vadd.s32 v1, v4;
	_ =	sdelay $0x1  }
0x544: {  	v3 =	vadd.s32 v1, v3;
	_ =	sdelay $0x2  }
0x545: {  	[tilespmem:s20], [sflag:$0x1] =	stream.indirect_vreg.gather [hbm4b:s1+s3], $0x80, v4, vm0, $0xb8;
	[tilespmem:$0x18800] =	vst v63  }
0x546: {  	s22 =	simm.s32 $0x1000  }
0x547: {  	[tilespmem:s22], [sflag:$0x1] =	stream.indirect_vreg.gather [hbm4b:s1+s3], $0x80, v3, vm0, $0xb8;
	[tilespmem:$0x18800] =	vst v63  }
0x548: {  	v3 =	vld [tilespmem:$0x710];
	_ =	sdelay $0x4  }
0x549: {  	v49 =	vshll.u32 v3, $0x1  }
0x54a: {  	v3 =	vand.u32 $0x7, v3;
	v4 =	vand.u32 $0xFFFFFFF0, v49  }
0x54b: {  	v3 =	vor.u32 v3, v4  }
0x54c: {  	v4 =	vperm.xlane v3, v0;
	_ =	sdelay $0x1  }
0x54d: {  	v3 =	vperm.xlane v3, v2;
	v4 =	vadd.s32 v1, v4;
	_ =	sdelay $0x1  }
0x54e: {  	v3 =	vadd.s32 v1, v3;
	_ =	sdelay $0x1  }
0x54f: {  	s24 =	simm.s32 $0x1800  }
0x550: {  	[tilespmem:s24], [sflag:$0x1] =	stream.indirect_vreg.gather [hbm4b:s1+s3], $0x80, v4, vm0, $0xb8;
	[tilespmem:$0x18800] =	vst v63  }
0x551: {  	s25 =	simm.s32 $0x2000  }
0x552: {  	[tilespmem:s25], [sflag:$0x1] =	stream.indirect_vreg.gather [hbm4b:s1+s3], $0x80, v3, vm0, $0xb8;
	[tilespmem:$0x18800] =	vst v63  }
0x553: {  	v3 =	vld [tilespmem:$0x720];
	_ =	sdelay $0x4  }
0x554: {  	v50 =	vshll.u32 v3, $0x1  }
0x555: {  	v3 =	vand.u32 $0x7, v3;
	v4 =	vand.u32 $0xFFFFFFF0, v50  }
0x556: {  	v3 =	vor.u32 v3, v4  }
0x557: {  	v4 =	vperm.xlane v3, v0;
	_ =	sdelay $0x1  }
0x558: {  	v3 =	vperm.xlane v3, v2;
	v4 =	vadd.s32 v1, v4;
	_ =	sdelay $0x1  }
0x559: {  	v3 =	vadd.s32 v1, v3;
	_ =	sdelay $0x1  }
0x55a: {  	s26 =	simm.s32 $0x2800  }
0x55b: {  	[tilespmem:s26], [sflag:$0x1] =	stream.indirect_vreg.gather [hbm4b:s1+s3], $0x80, v4, vm0, $0xb8;
	[tilespmem:$0x18800] =	vst v63  }
0x55c: {  	s10 =	simm.s32 $0x3000  }
0x55d: {  	[tilespmem:s10], [sflag:$0x1] =	stream.indirect_vreg.gather [hbm4b:s1+s3], $0x80, v3, vm0, $0xb8;
	[tilespmem:$0x18800] =	vst v63  }
0x55e: {  	v3 =	vld [tilespmem:$0x730];
	_ =	sdelay $0x4  }
0x55f: {  	v51 =	vshll.u32 v3, $0x1  }
0x560: {  	v3 =	vand.u32 $0x7, v3;
	v4 =	vand.u32 $0xFFFFFFF0, v51  }
0x561: {  	v3 =	vor.u32 v3, v4  }
0x562: {  	v4 =	vperm.xlane v3, v0;
	_ =	sdelay $0x1  }
0x563: {  	v3 =	vperm.xlane v3, v2;
	v4 =	vadd.s32 v1, v4;
	_ =	sdelay $0x1  }
0x564: {  	v3 =	vadd.s32 v1, v3;
	_ =	sdelay $0x1  }
0x565: {  	s14 =	simm.s32 $0x3800  }
0x566: {  	[tilespmem:s14], [sflag:$0x1] =	stream.indirect_vreg.gather [hbm4b:s1+s3], $0x80, v4, vm0, $0xb8;
	[tilespmem:$0x18800] =	vst v63  }
0x567: {  	s16 =	simm.s32 $0x4000  }
0x568: {  	[tilespmem:s16], [sflag:$0x1] =	stream.indirect_vreg.gather [hbm4b:s1+s3], $0x80, v3, vm0, $0xb8;
	[tilespmem:$0x18800] =	vst v63  }
0x569: {  	v3 =	vld [tilespmem:$0x740];
	_ =	sdelay $0x4  }
0x56a: {  	v52 =	vshll.u32 v3, $0x1  }
0x56b: {  	v3 =	vand.u32 $0x7, v3;
	v4 =	vand.u32 $0xFFFFFFF0, v52  }
0x56c: {  	v3 =	vor.u32 v3, v4  }
0x56d: {  	v4 =	vperm.xlane v3, v0;
	_ =	sdelay $0x1  }
0x56e: {  	v3 =	vperm.xlane v3, v2;
	v4 =	vadd.s32 v1, v4;
	_ =	sdelay $0x1  }
0x56f: {  	v3 =	vadd.s32 v1, v3;
	_ =	sdelay $0x1  }
0x570: {  	s28 =	simm.s32 $0x4800  }
0x571: {  	[tilespmem:s28], [sflag:$0x1] =	stream.indirect_vreg.gather [hbm4b:s1+s3], $0x80, v4, vm0, $0xb8;
	[tilespmem:$0x18800] =	vst v63  }
0x572: {  	s20 =	simm.s32 $0x5000  }
0x573: {  	[tilespmem:s20], [sflag:$0x1] =	stream.indirect_vreg.gather [hbm4b:s1+s3], $0x80, v3, vm0, $0xb8;
	[tilespmem:$0x18800] =	vst v63  }
0x574: {  	v3 =	vld [tilespmem:$0x750];
	_ =	sdelay $0x4  }
0x575: {  	v53 =	vshll.u32 v3, $0x1  }
0x576: {  	v3 =	vand.u32 $0x7, v3;
	v4 =	vand.u32 $0xFFFFFFF0, v53  }
0x577: {  	v3 =	vor.u32 v3, v4  }
0x578: {  	v4 =	vperm.xlane v3, v0;
	_ =	sdelay $0x1  }
0x579: {  	v3 =	vperm.xlane v3, v2;
	v4 =	vadd.s32 v1, v4;
	_ =	sdelay $0x1  }
0x57a: {  	v3 =	vadd.s32 v1, v3;
	_ =	sdelay $0x1  }
0x57b: {  	s30 =	simm.s32 $0x5800  }
0x57c: {  	[tilespmem:s30], [sflag:$0x1] =	stream.indirect_vreg.gather [hbm4b:s1+s3], $0x80, v4, vm0, $0xb8;
	[tilespmem:$0x18800] =	vst v63  }
0x57d: {  	s22 =	simm.s32 $0x6000  }
0x57e: {  	[tilespmem:s22], [sflag:$0x1] =	stream.indirect_vreg.gather [hbm4b:s1+s3], $0x80, v3, vm0, $0xb8;
	[tilespmem:$0x18800] =	vst v63  }
0x57f: {  	v3 =	vld [tilespmem:$0x760];
	_ =	sdelay $0x4  }
0x580: {  	v54 =	vshll.u32 v3, $0x1  }
0x581: {  	v3 =	vand.u32 $0x7, v3;
	v4 =	vand.u32 $0xFFFFFFF0, v54  }
0x582: {  	v3 =	vor.u32 v3, v4  }
0x583: {  	v4 =	vperm.xlane v3, v0;
	_ =	sdelay $0x1  }
0x584: {  	v3 =	vperm.xlane v3, v2;
	v4 =	vadd.s32 v1, v4;
	_ =	sdelay $0x1  }
0x585: {  	v3 =	vadd.s32 v1, v3;
	_ =	sdelay $0x1  }
0x586: {  	s21 =	simm.s32 $0x6800  }
0x587: {  	[tilespmem:s21], [sflag:$0x1] =	stream.indirect_vreg.gather [hbm4b:s1+s3], $0x80, v4, vm0, $0xb8;
	[tilespmem:$0x18800] =	vst v63  }
0x588: {  	s24 =	simm.s32 $0x7000  }
0x589: {  	[tilespmem:s24], [sflag:$0x1] =	stream.indirect_vreg.gather [hbm4b:s1+s3], $0x80, v3, vm0, $0xb8;
	[tilespmem:$0x18800] =	vst v63  }
0x58a: {  	v3 =	vld [tilespmem:$0x770];
	_ =	sdelay $0x4  }
0x58b: {  	v55 =	vshll.u32 v3, $0x1  }
0x58c: {  	v3 =	vand.u32 $0x7, v3;
	v4 =	vand.u32 $0xFFFFFFF0, v55  }
0x58d: {  	v3 =	vor.u32 v3, v4  }
0x58e: {  	v4 =	vperm.xlane v3, v0;
	_ =	sdelay $0x1  }
0x58f: {  	v3 =	vperm.xlane v3, v2;
	v4 =	vadd.s32 v1, v4;
	_ =	sdelay $0x1  }
0x590: {  	v3 =	vadd.s32 v1, v3;
	_ =	sdelay $0x1  }
0x591: {  	s4 =	simm.s32 $0x7800  }
0x592: {  	[tilespmem:s4], [sflag:$0x1] =	stream.indirect_vreg.gather [hbm4b:s1+s3], $0x80, v4, vm0, $0xb8;
	[tilespmem:$0x18800] =	vst v63  }
0x593: {  	s25 =	simm.s32 $0x8000  }
0x594: {  	[tilespmem:s25], [sflag:$0x1] =	stream.indirect_vreg.gather [hbm4b:s1+s3], $0x80, v3, vm0, $0xb8;
	[tilespmem:$0x18800] =	vst v63  }
0x595: {  	_ =	swait.ge [sflag:s2], $0x8000  }
0x596: {  	[sflag:s2] =	ssyncset.done $0x0  }
0x597: {  	s28 =	simm.s32 $0x8800;
	s26 =	rddreg [dreg:$0x12];
	[sflag:s2] =	ssyncadd.s32 $0xFFFF8000  }
0x598: {  	[hbm4b:s26+s3] =	stream.linear.scatter [tilespmem:s28], [sflag:$0x5], $0x8000, $0x38;
	[tilespmem:$0x18800] =	vst v63  }
0x599: {  	_ =	swait.ge [sflag:s6], $0x8000  }
0x59a: {  	[sflag:s6] =	ssyncset.done $0x0  }
0x59b: {  	[sflag:s6] =	ssyncadd.s32 $0xFFFF8000  }
0x59c: {  	v3 =	vld [tilespmem:$0x780];
	_ =	sdelay $0x4  }
0x59d: {  	v56 =	vshll.u32 v3, $0x1  }
0x59e: {  	v3 =	vand.u32 $0x7, v3;
	v4 =	vand.u32 $0xFFFFFFF0, v56  }
0x59f: {  	v3 =	vor.u32 v3, v4  }
0x5a0: {  	v4 =	vperm.xlane v3, v0;
	_ =	sdelay $0x1  }
0x5a1: {  	v3 =	vperm.xlane v3, v2;
	v4 =	vadd.s32 v1, v4;
	_ =	sdelay $0x1  }
0x5a2: {  	v3 =	vadd.s32 v1, v3;
	_ =	sdelay $0x2  }
0x5a3: {  	[tilespmem:s28], [sflag:$0x2] =	stream.indirect_vreg.gather [hbm4b:s1+s3], $0x80, v4, vm0, $0xb8;
	[tilespmem:$0x18800] =	vst v63  }
0x5a4: {  	s14 =	simm.s32 $0x9000  }
0x5a5: {  	[tilespmem:s14], [sflag:$0x2] =	stream.indirect_vreg.gather [hbm4b:s1+s3], $0x80, v3, vm0, $0xb8;
	[tilespmem:$0x18800] =	vst v63  }
0x5a6: {  	v3 =	vld [tilespmem:$0x790];
	_ =	sdelay $0x4  }
0x5a7: {  	v57 =	vshll.u32 v3, $0x1  }
0x5a8: {  	v3 =	vand.u32 $0x7, v3;
	v4 =	vand.u32 $0xFFFFFFF0, v57  }
0x5a9: {  	v3 =	vor.u32 v3, v4  }
0x5aa: {  	v4 =	vperm.xlane v3, v0;
	_ =	sdelay $0x1  }
0x5ab: {  	v3 =	vperm.xlane v3, v2;
	v4 =	vadd.s32 v1, v4;
	_ =	sdelay $0x1  }
0x5ac: {  	v3 =	vadd.s32 v1, v3;
	_ =	sdelay $0x1  }
0x5ad: {  	s29 =	simm.s32 $0x9800  }
0x5ae: {  	[tilespmem:s29], [sflag:$0x2] =	stream.indirect_vreg.gather [hbm4b:s1+s3], $0x80, v4, vm0, $0xb8;
	[tilespmem:$0x18800] =	vst v63  }
0x5af: {  	s16 =	simm.s32 $0xA000  }
0x5b0: {  	[tilespmem:s16], [sflag:$0x2] =	stream.indirect_vreg.gather [hbm4b:s1+s3], $0x80, v3, vm0, $0xb8;
	[tilespmem:$0x18800] =	vst v63  }
0x5b1: {  	v3 =	vld [tilespmem:$0x7A0];
	_ =	sdelay $0x4  }
0x5b2: {  	v58 =	vshll.u32 v3, $0x1  }
0x5b3: {  	v3 =	vand.u32 $0x7, v3;
	v4 =	vand.u32 $0xFFFFFFF0, v58  }
0x5b4: {  	v3 =	vor.u32 v3, v4  }
0x5b5: {  	v4 =	vperm.xlane v3, v0;
	_ =	sdelay $0x1  }
0x5b6: {  	v3 =	vperm.xlane v3, v2;
	v4 =	vadd.s32 v1, v4;
	_ =	sdelay $0x1  }
0x5b7: {  	v3 =	vadd.s32 v1, v3;
	_ =	sdelay $0x1  }
0x5b8: {  	s31 =	simm.s32 $0xA800  }
0x5b9: {  	[tilespmem:s31], [sflag:$0x2] =	stream.indirect_vreg.gather [hbm4b:s1+s3], $0x80, v4, vm0, $0xb8;
	[tilespmem:$0x18800] =	vst v63  }
0x5ba: {  	s20 =	simm.s32 $0xB000  }
0x5bb: {  	[tilespmem:s20], [sflag:$0x2] =	stream.indirect_vreg.gather [hbm4b:s1+s3], $0x80, v3, vm0, $0xb8;
	[tilespmem:$0x18800] =	vst v63  }
0x5bc: {  	v3 =	vld [tilespmem:$0x7B0];
	_ =	sdelay $0x4  }
0x5bd: {  	v59 =	vshll.u32 v3, $0x1  }
0x5be: {  	v3 =	vand.u32 $0x7, v3;
	v4 =	vand.u32 $0xFFFFFFF0, v59  }
0x5bf: {  	v3 =	vor.u32 v3, v4  }
0x5c0: {  	v4 =	vperm.xlane v3, v0;
	_ =	sdelay $0x1  }
0x5c1: {  	v3 =	vperm.xlane v3, v2;
	v4 =	vadd.s32 v1, v4;
	_ =	sdelay $0x1  }
0x5c2: {  	v3 =	vadd.s32 v1, v3;
	_ =	sdelay $0x1  }
0x5c3: {  	s21 =	simm.s32 $0xB800  }
0x5c4: {  	[tilespmem:s21], [sflag:$0x2] =	stream.indirect_vreg.gather [hbm4b:s1+s3], $0x80, v4, vm0, $0xb8;
	[tilespmem:$0x18800] =	vst v63  }
0x5c5: {  	s22 =	simm.s32 $0xC000  }
0x5c6: {  	[tilespmem:s22], [sflag:$0x2] =	stream.indirect_vreg.gather [hbm4b:s1+s3], $0x80, v3, vm0, $0xb8;
	[tilespmem:$0x18800] =	vst v63  }
0x5c7: {  	_ =	swait.ge [sflag:s8], $0x8000  }
0x5c8: {  	[sflag:s8] =	ssyncset.done $0x0  }
0x5c9: {  	s25 =	simm.s32 $0x10800;
	s24 =	rddreg [dreg:$0x13];
	[sflag:s8] =	ssyncadd.s32 $0xFFFF8000  }
0x5ca: {  	[hbm4b:s24+s3] =	stream.linear.scatter [tilespmem:s25], [sflag:$0x6], $0x8000, $0x38;
	[tilespmem:$0x18800] =	vst v63  }
0x5cb: {  	_ =	swait.ge [sflag:s9], $0x8000  }
0x5cc: {  	[sflag:s9] =	ssyncset.done $0x0  }
0x5cd: {  	[sflag:s9] =	ssyncadd.s32 $0xFFFF8000  }
0x5ce: {  	v3 =	vld [tilespmem:$0x7C0];
	_ =	sdelay $0x4  }
0x5cf: {  	v60 =	vshll.u32 v3, $0x1  }
0x5d0: {  	v3 =	vand.u32 $0x7, v3;
	v4 =	vand.u32 $0xFFFFFFF0, v60  }
0x5d1: {  	v3 =	vor.u32 v3, v4  }
0x5d2: {  	v4 =	vperm.xlane v3, v0;
	_ =	sdelay $0x1  }
0x5d3: {  	v3 =	vperm.xlane v3, v2;
	v4 =	vadd.s32 v1, v4;
	_ =	sdelay $0x1  }
0x5d4: {  	v3 =	vadd.s32 v1, v3;
	_ =	sdelay $0x2  }
0x5d5: {  	[tilespmem:s25], [sflag:$0x3] =	stream.indirect_vreg.gather [hbm4b:s1+s3], $0x80, v4, vm0, $0xb8;
	[tilespmem:$0x18800] =	vst v63  }
0x5d6: {  	s17 =	simm.s32 $0x11000  }
0x5d7: {  	[tilespmem:s17], [sflag:$0x3] =	stream.indirect_vreg.gather [hbm4b:s1+s3], $0x80, v3, vm0, $0xb8;
	[tilespmem:$0x18800] =	vst v63  }
0x5d8: {  	v3 =	vld [tilespmem:$0x7D0];
	_ =	sdelay $0x4  }
0x5d9: {  	v61 =	vshll.u32 v3, $0x1  }
0x5da: {  	v3 =	vand.u32 $0x7, v3;
	v4 =	vand.u32 $0xFFFFFFF0, v61  }
0x5db: {  	v3 =	vor.u32 v3, v4  }
0x5dc: {  	v4 =	vperm.xlane v3, v0;
	_ =	sdelay $0x1  }
0x5dd: {  	v3 =	vperm.xlane v3, v2;
	v4 =	vadd.s32 v1, v4;
	_ =	sdelay $0x1  }
0x5de: {  	v3 =	vadd.s32 v1, v3;
	_ =	sdelay $0x1  }
0x5df: {  	s11 =	simm.s32 $0x11800  }
0x5e0: {  	[tilespmem:s11], [sflag:$0x3] =	stream.indirect_vreg.gather [hbm4b:s1+s3], $0x80, v4, vm0, $0xb8;
	[tilespmem:$0x18800] =	vst v63  }
0x5e1: {  	s18 =	simm.s32 $0x12000  }
0x5e2: {  	[tilespmem:s18], [sflag:$0x3] =	stream.indirect_vreg.gather [hbm4b:s1+s3], $0x80, v3, vm0, $0xb8;
	[tilespmem:$0x18800] =	vst v63  }
0x5e3: {  	v3 =	vld [tilespmem:$0x7E0];
	_ =	sdelay $0x4  }
0x5e4: {  	v62 =	vshll.u32 v3, $0x1  }
0x5e5: {  	v3 =	vand.u32 $0x7, v3;
	v4 =	vand.u32 $0xFFFFFFF0, v62  }
0x5e6: {  	v3 =	vor.u32 v3, v4  }
0x5e7: {  	v4 =	vperm.xlane v3, v0;
	_ =	sdelay $0x1  }
0x5e8: {  	v3 =	vperm.xlane v3, v2;
	v4 =	vadd.s32 v1, v4;
	_ =	sdelay $0x1  }
0x5e9: {  	v3 =	vadd.s32 v1, v3;
	_ =	sdelay $0x1  }
0x5ea: {  	s12 =	simm.s32 $0x12800  }
0x5eb: {  	[tilespmem:s12], [sflag:$0x3] =	stream.indirect_vreg.gather [hbm4b:s1+s3], $0x80, v4, vm0, $0xb8;
	[tilespmem:$0x18800] =	vst v63  }
0x5ec: {  	s19 =	simm.s32 $0x13000  }
0x5ed: {  	[tilespmem:s19], [sflag:$0x3] =	stream.indirect_vreg.gather [hbm4b:s1+s3], $0x80, v3, vm0, $0xb8;
	[tilespmem:$0x18800] =	vst v63  }
0x5ee: {  	v3 =	vld [tilespmem:$0x7F0];
	_ =	sdelay $0x4  }
0x5ef: {  	v63 =	vshll.u32 v3, $0x1  }
0x5f0: {  	v3 =	vand.u32 $0x7, v3;
	v4 =	vand.u32 $0xFFFFFFF0, v63  }
0x5f1: {  	v3 =	vor.u32 v3, v4  }
0x5f2: {  	v4 =	vperm.xlane v3, v0;
	_ =	sdelay $0x1  }
0x5f3: {  	v3 =	vperm.xlane v3, v2;
	v4 =	vadd.s32 v1, v4;
	_ =	sdelay $0x1  }
0x5f4: {  	v3 =	vadd.s32 v1, v3;
	_ =	sdelay $0x1  }
0x5f5: {  	s15 =	simm.s32 $0x13800  }
0x5f6: {  	[tilespmem:s15], [sflag:$0x3] =	stream.indirect_vreg.gather [hbm4b:s1+s3], $0x80, v4, vm0, $0xb8;
	[tilespmem:$0x18800] =	vst v63  }
0x5f7: {  	s23 =	simm.s32 $0x14000  }
0x5f8: {  	[tilespmem:s23], [sflag:$0x3] =	stream.indirect_vreg.gather [hbm4b:s1+s3], $0x80, v3, vm0, $0xb8;
	[tilespmem:$0x18800] =	vst v63  }
0x5f9: {  	_ =	swait.ge [sflag:s13], $0x8000  }
0x5fa: {  	[sflag:s13] =	ssyncset.done $0x0  }
0x5fb: {  	s5 =	simm.s32 $0x800;
	s28 =	rddreg [dreg:$0x14];
	[sflag:s13] =	ssyncadd.s32 $0xFFFF8000  }
0x5fc: {  	[hbm4b:s28+s3] =	stream.linear.scatter [tilespmem:s5], [sflag:$0x4], $0x8000, $0x38;
	[tilespmem:$0x18800] =	vst v63  }
0x5fd: {  	_ =	swait.ge [sflag:s2], $0x4000  }
0x5fe: {  	[sflag:s2] =	ssyncset.done $0x0  }
0x5ff: {  	s30 =	simm.s32 $0x8800;
	s29 =	rddreg [dreg:$0x15];
	[sflag:s2] =	ssyncadd.s32 $0xFFFFC000  }
0x600: {  	[hbm4b:s29+s3] =	stream.linear.scatter [tilespmem:s30], [sflag:$0x5], $0x4000, $0x38;
	[tilespmem:$0x18800] =	vst v63  }
0x601: {  	_ =	swait.ge [sflag:s8], $0x4000  }
0x602: {  	[sflag:s8] =	ssyncset.done $0x0  }
0x603: {  	s26 =	simm.s32 $0x10800;
	s30 =	rddreg [dreg:$0x16];
	[sflag:s8] =	ssyncadd.s32 $0xFFFFC000  }
0x604: {  	[hbm4b:s30+s3] =	stream.linear.scatter [tilespmem:s26], [sflag:$0x6], $0x4000, $0x38;
	[tilespmem:$0x18800] =	vst v63  }
0x605: {  	s31 =	rddreg [dreg:$0x19];
	_ =	swait.ge [sflag:s0], $0x8000  }
0x606: {  	[sflag:s0] =	ssyncset.done $0x0  }
0x607: {  	[sflag:s0] =	ssyncadd.s32 $0xFFFF8000  }
0x608: {  	p0 =	sne.s32 s31, $0x1;
	_ =	swait.ge [sflag:s6], $0x4000  }
.Ltmp0:
0x609: {  	[sflag:s6] =	ssyncset.done $0x0;
	(pc) =	sbr.rel @p0 .LBB2_1-.Ltmp0, $4  }
0x60a: {  	[sflag:s6] =	ssyncadd.s32 $0xFFFFC000  }
0x60b: {  	_ =	swait.ge [sflag:s9], $0x4000  }
0x60c: {  	[sflag:s9] =	ssyncset.done $0x0  }
0x60d: {  	s5 =	sadd.s32 $0xFFFFFFFF, s31;
	[sflag:s9] =	ssyncadd.s32 $0xFFFFC000  }
0x60e: {  	_ =	sfence.sel $0x180000  }
0x60f: {  	[bflag:$0x0] =	sbarrier.arrive $0xFFFF  }
0x610: {  	_ =	strace $0x90000047  }
0x611: {  	s0 =	stileid.u32;
	[bflag:$0x2] =	sbarrier.arrive $0xFFFF  }
0x612: {  	p0 =	sne.s32 s0, $0x0;
	s0 =	rddreg [dreg:$0x3]  }
0x613: {  	s0 =	sadd.s32 @!p0 $0x100000, s0  }
0x614: {  	[sflag:s0] =	ssyncadd.tile.s32 @!p0 $0x1;
	_ =	shalt  }
.Lfunc_end2:
_tile_overlayer_lowered:
.L_overlay_start_2:
0x615: {  	(tag) =	ssettag $0x2  }
0x616: {  	s0 =	rddreg [dreg:$0x0];
	s2 =	stileid.u32  }
0x617: {  	s1 =	rddreg [dreg:$0x1];
	p0 =	sne.s32 s2, $0x0  }
0x618: {  	s3 =	rddreg [dreg:$0x2];
	[bflag:$0x3] =	sbarrier.arrive $0xFFFF;
	s2 =	simm.s32 @!p0 $0x1C07  }
0x619: {  	[timem:s3], [sflag:s2] =	dma.local @!p0 [hbm:s0], s1  }
0x61a: {  	s0 =	simm.s32 @!p0 $0x7  }
0x61b: {  	_ =	swait.ge @!p0 [sflag:s0], s1  }
0x61c: {  	s1 =	ssub.s32 @!p0 $0x0, s1;
	[sflag:s0] =	ssyncset.done @!p0 $0x0  }
0x61d: {  	[sflag:s0] =	ssyncadd.s32 @!p0 s1  }
0x61e: {  	[bflag:$0x3] =	sbarrier.arrive $0xFFFF  }
0x61f: {  	_ =	shalt  }

</sc_bundles>
